<compile_context>
chip_gen: v7x
topology: tpu7x:2x2x1
jax: 0.10.2.dev20260603
libtpu: 0.0.44.dev20260713+nightly
codegen_flags: <defaults>
</compile_context>

<pallas_src>
import jax
import jax.numpy as jnp
from jax import lax
from jax.experimental import pallas as pl
from jax.experimental.pallas import tpu as pltpu
from jax.experimental.pallas import tpu_sc as plsc

_ENT_NUM = 1000000
_REL_NUM = 1000
_HIDDEN = 64
_BATCH = 4096
_SEQ = 8192
_MARGIN = 1.0

_NC = 2
_NS = 16
_NW = _NC * _NS
_PAIRS = _BATCH // _NW
_L = 16
_GROUPS = _PAIRS // _L
_UNROLL = 4
_ROWS = 4 * _PAIRS


def _rsqrt(x):
    i = plsc.bitcast(x, jnp.int32)
    i = jnp.int32(0x5F3759DF) - (i >> 1)
    y = plsc.bitcast(i, jnp.float32)
    for _ in range(3):
        y = y * (1.5 - 0.5 * x * y * y)
    return y


def _scores(Hall, RN, hbase, tbase, s_idx):
    zeros = jnp.zeros((_L,), jnp.float32)

    def body(db, carry):
        nn, hn, tn, uu, un = carry
        d0 = db * _UNROLL
        for du in range(_UNROLL):
            dd = jnp.full((_L,), d0 + du, jnp.int32)
            h = plsc.load_gather(Hall, [hbase + s_idx, dd])
            t = plsc.load_gather(Hall, [tbase + s_idx, dd])
            r = plsc.load_gather(RN, [s_idx, dd])
            n = plsc.load_gather(RN, [s_idx, dd + _HIDDEN])
            u = h + r - t
            nn = nn + n * n
            hn = hn + h * n
            tn = tn + t * n
            uu = uu + u * u
            un = un + u * n
        return (nn, hn, tn, uu, un)

    nn, hn, tn, uu, un = lax.fori_loop(
        0, _HIDDEN // _UNROLL, body, (zeros, zeros, zeros, zeros, zeros))
    inv = jnp.minimum(_rsqrt(jnp.maximum(nn, 1e-30)), 1e12)
    alpha = (hn - tn) * inv * inv
    d2 = uu - 2.0 * alpha * un + alpha * alpha * nn
    d2 = jnp.maximum(d2, 0.0)
    return d2 * _rsqrt(jnp.maximum(d2, 1e-30))


def _body(ent, rn, bh, bt, br, out,
          ir_p, ir_n, ih_p, it_p, ih_n, it_n,
          Hall, RN_p, RN_n,
          loss_v, sem_rn, sem):
    w = lax.axis_index("c") * _NS + lax.axis_index("s")
    base_p = w * _PAIRS
    base_n = _BATCH + base_p

    pltpu.sync_copy(br.at[pl.ds(base_p, _PAIRS)], ir_p)
    pltpu.sync_copy(br.at[pl.ds(base_n, _PAIRS)], ir_n)
    rn_copies = [
        pltpu.async_copy(rn.at[ir_p], RN_p, sem_rn),
        pltpu.async_copy(rn.at[ir_n], RN_n, sem_rn),
    ]

    pltpu.sync_copy(bh.at[pl.ds(base_p, _PAIRS)], ih_p)
    pltpu.sync_copy(bt.at[pl.ds(base_p, _PAIRS)], it_p)
    pltpu.sync_copy(bh.at[pl.ds(base_n, _PAIRS)], ih_n)
    pltpu.sync_copy(bt.at[pl.ds(base_n, _PAIRS)], it_n)

    def enq(g, carry):
        ds = pl.ds(g * _L, _L)
        vh_p = ih_p[ds]
        vt_p = it_p[ds]
        vh_n = ih_n[ds]
        vt_n = it_n[ds]
        for j in range(_L):
            k = g * _L + j
            pltpu.async_copy(
                ent.at[pl.ds(vh_p[j], 1)], Hall.at[pl.ds(k, 1)], sem)
            pltpu.async_copy(
                ent.at[pl.ds(vt_p[j], 1)], Hall.at[pl.ds(_PAIRS + k, 1)], sem)
            pltpu.async_copy(
                ent.at[pl.ds(vh_n[j], 1)],
                Hall.at[pl.ds(2 * _PAIRS + k, 1)], sem)
            pltpu.async_copy(
                ent.at[pl.ds(vt_n[j], 1)],
                Hall.at[pl.ds(3 * _PAIRS + k, 1)], sem)
        return carry

    lax.fori_loop(0, _GROUPS, enq, 0)

    pltpu.make_async_copy(ent.at[pl.ds(0, _ROWS)], Hall, sem).wait()
    for c in rn_copies:
        c.wait()

    lane = lax.iota(jnp.int32, _L)

    def gbody(g, acc):
        s_idx = g * _L + lane
        sp = _scores(Hall, RN_p, 0, _PAIRS, s_idx)
        sn = _scores(Hall, RN_n, 2 * _PAIRS, 3 * _PAIRS, s_idx)
        return acc + jnp.maximum(sp - sn + _MARGIN, 0.0)

    acc = lax.fori_loop(0, _GROUPS, gbody, jnp.zeros((_L,), jnp.float32))
    loss_v[...] = acc
    pltpu.sync_copy(loss_v, out.at[w])


def kernel(ent_embeddings, rel_embeddings, norm_vector, batch_h, batch_t, batch_r):
    rn = jnp.concatenate([rel_embeddings, norm_vector], axis=1)
    mesh = plsc.VectorSubcoreMesh(core_axis_name="c", subcore_axis_name="s")
    f = pl.kernel(
        _body,
        out_type=jax.ShapeDtypeStruct((_NW, _L), jnp.float32),
        mesh=mesh,
        compiler_params=pltpu.CompilerParams(needs_layout_passes=False),
        scratch_types=[
            pltpu.VMEM((_PAIRS,), jnp.int32),
            pltpu.VMEM((_PAIRS,), jnp.int32),
            pltpu.VMEM((_PAIRS,), jnp.int32),
            pltpu.VMEM((_PAIRS,), jnp.int32),
            pltpu.VMEM((_PAIRS,), jnp.int32),
            pltpu.VMEM((_PAIRS,), jnp.int32),
            pltpu.VMEM((_ROWS, _HIDDEN), jnp.float32),
            pltpu.VMEM((_PAIRS, 2 * _HIDDEN), jnp.float32),
            pltpu.VMEM((_PAIRS, 2 * _HIDDEN), jnp.float32),
            pltpu.VMEM((_L,), jnp.float32),
            pltpu.SemaphoreType.DMA,
            pltpu.SemaphoreType.DMA,
        ],
    )
    partials = f(ent_embeddings, rn, batch_h.astype(jnp.int32),
                 batch_t.astype(jnp.int32), batch_r.astype(jnp.int32))
    return jnp.sum(partials)

# --- scband reference (transcript-rebuilt; emitter-appended) ---
"""Pipeline reference for scband-trans-h-89361089561004 (READ-ONLY COPY).

The authoritative reference and input builder live on the scoring server;
editing this copy changes nothing except your own understanding.
"""

import jax, jax.numpy as jnp
import numpy as np

ENT_NUM = 1000000
REL_NUM = 1000
HIDDEN = 64
BATCH_SIZE = 4096
BATCH_SEQ_SIZE = 8192
MARGIN = 1.0

def _xavier_uniform(key, shape):
    fan_in, fan_out = shape[0], shape[1]
    a = float(np.sqrt(6.0 / (fan_in + fan_out)))
    return jax.random.uniform(key, shape, dtype=jnp.float32, minval=-a, maxval=a)

def setup_inputs(seed: int = 0) -> dict:
    key = jax.random.key(seed)
    k1, k2, k3, k4, k5, k6 = jax.random.split(key, 6)
    ent_embeddings = _xavier_uniform(k1, (ENT_NUM, HIDDEN))
    rel_embeddings = _xavier_uniform(k2, (REL_NUM, HIDDEN))
    norm_vector = _xavier_uniform(k3, (REL_NUM, HIDDEN))
    batch_h = jax.random.randint(k4, (BATCH_SEQ_SIZE,), 0, ENT_NUM, dtype=jnp.int64 if jax.config.jax_enable_x64 else jnp.int32)
    batch_t = jax.random.randint(k5, (BATCH_SEQ_SIZE,), 0, ENT_NUM, dtype=jnp.int64 if jax.config.jax_enable_x64 else jnp.int32)
    batch_r = jax.random.randint(k6, (BATCH_SEQ_SIZE,), 0, REL_NUM, dtype=jnp.int64 if jax.config.jax_enable_x64 else jnp.int32)
    return {
        'ent_embeddings': ent_embeddings,
        'rel_embeddings': rel_embeddings,
        'norm_vector': norm_vector,
        'batch_h': batch_h,
        'batch_t': batch_t,
        'batch_r': batch_r,
    }

def _transfer(e, norm):
    # F.normalize(norm, p=2, dim=-1)
    denom = jnp.maximum(jnp.sqrt(jnp.sum(norm * norm, axis=-1, keepdims=True)), 1e-12)
    n = norm / denom
    return e - jnp.sum(e * n, axis=-1, keepdims=True) * n

def _calc(h, t, r):
    # torch.norm(h + r - t, p=2, dim=-1)
    d = h + r - t
    return jnp.sqrt(jnp.sum(d * d, axis=-1))

def reference(ent_embeddings, rel_embeddings, norm_vector, batch_h, batch_t, batch_r):
    h = jnp.take(ent_embeddings, batch_h, axis=0)
    t = jnp.take(ent_embeddings, batch_t, axis=0)
    r = jnp.take(rel_embeddings, batch_r, axis=0)
    r_norm = jnp.take(norm_vector, batch_r, axis=0)
    h = _transfer(h, r_norm)
    t = _transfer(t, r_norm)
    score = _calc(h, t, r)
    p_score = score[0:BATCH_SIZE]
    n_score = score[BATCH_SIZE:BATCH_SEQ_SIZE].reshape(-1, BATCH_SIZE)
    n_score = jnp.mean(n_score, axis=0)
    # MarginRankingLoss(margin, reduction='sum') with y = -1:
    # loss = sum(max(0, -y*(p - n) + margin)) = sum(max(0, (p - n) + margin))
    loss = jnp.sum(jnp.maximum(0.0, (p_score - n_score) + MARGIN))
    return loss

if __name__ == "__main__":
    import jax
    _d = setup_inputs()
    print(jax.jit(kernel)(*tuple(_d.values())))

</pallas_src>

<mosaic_0001>
#map = affine_map<(d0, d1) -> (0, 0)>
#map1 = affine_map<(d0, d1) -> (0)>
module attributes {stable_mosaic.version = 14 : i64} {
  func.func @_body(%arg0: i32, %arg1: i32, %arg2: memref<1000000x64xf32, #tpu.memory_space<hbm>>, %arg3: memref<1000x128xf32, #tpu.memory_space<hbm>>, %arg4: memref<8192xi32, #tpu.memory_space<hbm>>, %arg5: memref<8192xi32, #tpu.memory_space<hbm>>, %arg6: memref<8192xi32, #tpu.memory_space<hbm>>, %arg7: memref<32x16xf32, #tpu.memory_space<hbm>>, %arg8: memref<128xi32, #tpu.memory_space<vmem>>, %arg9: memref<128xi32, #tpu.memory_space<vmem>>, %arg10: memref<128xi32, #tpu.memory_space<vmem>>, %arg11: memref<128xi32, #tpu.memory_space<vmem>>, %arg12: memref<128xi32, #tpu.memory_space<vmem>>, %arg13: memref<128xi32, #tpu.memory_space<vmem>>, %arg14: memref<512x64xf32, #tpu.memory_space<vmem>>, %arg15: memref<128x128xf32, #tpu.memory_space<vmem>>, %arg16: memref<128x128xf32, #tpu.memory_space<vmem>>, %arg17: memref<16xf32, #tpu.memory_space<vmem>>, %arg18: memref<!tpu.dma_semaphore, #tpu.memory_space<semaphore_mem>>, %arg19: memref<!tpu.dma_semaphore, #tpu.memory_space<semaphore_mem>>) attributes {dimension_semantics = [#tpu.dimension_semantics<core_parallel>, #tpu.dimension_semantics<subcore_parallel>], iteration_bounds = array<i64: 2, 16>, scalar_prefetch = 0 : i64, scratch_operands = 12 : i64, tpu.core_type = #tpu.core_type<sc_vector_subcore>, window_params = [{transform_indices = #map}, {transform_indices = #map}, {transform_indices = #map1}, {transform_indices = #map1}, {transform_indices = #map1}, {transform_indices = #map}]} {
    %mul3A = arith.constant 16 : i32
    %mul3A_0 = arith.muli %arg0, %mul3A : i32
    %add3A = arith.addi %mul3A_0, %arg1 : i32
    %mul3A_1 = arith.constant 128 : i32
    %mul3A_2 = arith.muli %add3A, %mul3A_1 : i32
    %add3A_3 = arith.constant 4096 : i32
    %add3A_4 = arith.addi %add3A_3, %mul3A_2 : i32
    "tpu.region"() ({
      %run_scoped3A = tpu.sem_alloc : memref<!tpu.dma_semaphore, #tpu.memory_space<semaphore_mem>>
      %dma_start3A_34 = tpu.memref_slice %arg6[%mul3A_2] : memref<8192xi32, #tpu.memory_space<hbm>> -> memref<128xi32, #tpu.memory_space<hbm>>
      %dma_start3A_35 = tpu.memref_slice %arg6[%mul3A_2] : memref<8192xi32, #tpu.memory_space<hbm>> -> memref<128xi32, #tpu.memory_space<hbm>>
      tpu.enqueue_dma source(%dma_start3A_35 : memref<128xi32, #tpu.memory_space<hbm>>) target(%arg8 : memref<128xi32, #tpu.memory_space<vmem>>) target_semaphore(%run_scoped3A : memref<!tpu.dma_semaphore, #tpu.memory_space<semaphore_mem>>)
      %dma_wait3A_36 = tpu.memref_slice %arg6[%mul3A_2] : memref<8192xi32, #tpu.memory_space<hbm>> -> memref<128xi32, #tpu.memory_space<hbm>>
      %dma_wait3A_37 = tpu.memref_slice %arg6[%mul3A_2] : memref<8192xi32, #tpu.memory_space<hbm>> -> memref<128xi32, #tpu.memory_space<hbm>>
      tpu.wait_dma2 semaphore(%run_scoped3A : memref<!tpu.dma_semaphore, #tpu.memory_space<semaphore_mem>>) src(%dma_wait3A_37 : memref<128xi32, #tpu.memory_space<hbm>>) dst(%arg8 : memref<128xi32, #tpu.memory_space<vmem>>)
      tpu.yield
    }) : () -> ()
    "tpu.region"() ({
      %run_scoped3A = tpu.sem_alloc : memref<!tpu.dma_semaphore, #tpu.memory_space<semaphore_mem>>
      %dma_start3A_34 = tpu.memref_slice %arg6[%add3A_4] : memref<8192xi32, #tpu.memory_space<hbm>> -> memref<128xi32, #tpu.memory_space<hbm>>
      %dma_start3A_35 = tpu.memref_slice %arg6[%add3A_4] : memref<8192xi32, #tpu.memory_space<hbm>> -> memref<128xi32, #tpu.memory_space<hbm>>
      tpu.enqueue_dma source(%dma_start3A_35 : memref<128xi32, #tpu.memory_space<hbm>>) target(%arg9 : memref<128xi32, #tpu.memory_space<vmem>>) target_semaphore(%run_scoped3A : memref<!tpu.dma_semaphore, #tpu.memory_space<semaphore_mem>>)
      %dma_wait3A_36 = tpu.memref_slice %arg6[%add3A_4] : memref<8192xi32, #tpu.memory_space<hbm>> -> memref<128xi32, #tpu.memory_space<hbm>>
      %dma_wait3A_37 = tpu.memref_slice %arg6[%add3A_4] : memref<8192xi32, #tpu.memory_space<hbm>> -> memref<128xi32, #tpu.memory_space<hbm>>
      tpu.wait_dma2 semaphore(%run_scoped3A : memref<!tpu.dma_semaphore, #tpu.memory_space<semaphore_mem>>) src(%dma_wait3A_37 : memref<128xi32, #tpu.memory_space<hbm>>) dst(%arg9 : memref<128xi32, #tpu.memory_space<vmem>>)
      tpu.yield
    }) : () -> ()
    %dma_start3A = arith.constant 0 : i32
    %dma_start3A_5 = arith.constant 0 : i32
    %dma_start3A_6 = tpu.memref_slice %arg3[%dma_start3A, %dma_start3A_5] : memref<1000x128xf32, #tpu.memory_space<hbm>> -> memref<1000x128xf32, #tpu.memory_space<hbm>>
    tpu.enqueue_indirect_dma source(%dma_start3A_6 : memref<1000x128xf32, #tpu.memory_space<hbm>>) target(%arg15 : memref<128x128xf32, #tpu.memory_space<vmem>>) offsets(%arg8 : memref<128xi32, #tpu.memory_space<vmem>>) semaphore(%arg18 : memref<!tpu.dma_semaphore, #tpu.memory_space<semaphore_mem>>)
    %dma_start3A_7 = arith.constant 0 : i32
    %dma_start3A_8 = arith.constant 0 : i32
    %dma_start3A_9 = tpu.memref_slice %arg3[%dma_start3A_7, %dma_start3A_8] : memref<1000x128xf32, #tpu.memory_space<hbm>> -> memref<1000x128xf32, #tpu.memory_space<hbm>>
    tpu.enqueue_indirect_dma source(%dma_start3A_9 : memref<1000x128xf32, #tpu.memory_space<hbm>>) target(%arg16 : memref<128x128xf32, #tpu.memory_space<vmem>>) offsets(%arg9 : memref<128xi32, #tpu.memory_space<vmem>>) semaphore(%arg18 : memref<!tpu.dma_semaphore, #tpu.memory_space<semaphore_mem>>)
    "tpu.region"() ({
      %run_scoped3A = tpu.sem_alloc : memref<!tpu.dma_semaphore, #tpu.memory_space<semaphore_mem>>
      %dma_start3A_34 = tpu.memref_slice %arg4[%mul3A_2] : memref<8192xi32, #tpu.memory_space<hbm>> -> memref<128xi32, #tpu.memory_space<hbm>>
      %dma_start3A_35 = tpu.memref_slice %arg4[%mul3A_2] : memref<8192xi32, #tpu.memory_space<hbm>> -> memref<128xi32, #tpu.memory_space<hbm>>
      tpu.enqueue_dma source(%dma_start3A_35 : memref<128xi32, #tpu.memory_space<hbm>>) target(%arg10 : memref<128xi32, #tpu.memory_space<vmem>>) target_semaphore(%run_scoped3A : memref<!tpu.dma_semaphore, #tpu.memory_space<semaphore_mem>>)
      %dma_wait3A_36 = tpu.memref_slice %arg4[%mul3A_2] : memref<8192xi32, #tpu.memory_space<hbm>> -> memref<128xi32, #tpu.memory_space<hbm>>
      %dma_wait3A_37 = tpu.memref_slice %arg4[%mul3A_2] : memref<8192xi32, #tpu.memory_space<hbm>> -> memref<128xi32, #tpu.memory_space<hbm>>
      tpu.wait_dma2 semaphore(%run_scoped3A : memref<!tpu.dma_semaphore, #tpu.memory_space<semaphore_mem>>) src(%dma_wait3A_37 : memref<128xi32, #tpu.memory_space<hbm>>) dst(%arg10 : memref<128xi32, #tpu.memory_space<vmem>>)
      tpu.yield
    }) : () -> ()
    "tpu.region"() ({
      %run_scoped3A = tpu.sem_alloc : memref<!tpu.dma_semaphore, #tpu.memory_space<semaphore_mem>>
      %dma_start3A_34 = tpu.memref_slice %arg5[%mul3A_2] : memref<8192xi32, #tpu.memory_space<hbm>> -> memref<128xi32, #tpu.memory_space<hbm>>
      %dma_start3A_35 = tpu.memref_slice %arg5[%mul3A_2] : memref<8192xi32, #tpu.memory_space<hbm>> -> memref<128xi32, #tpu.memory_space<hbm>>
      tpu.enqueue_dma source(%dma_start3A_35 : memref<128xi32, #tpu.memory_space<hbm>>) target(%arg11 : memref<128xi32, #tpu.memory_space<vmem>>) target_semaphore(%run_scoped3A : memref<!tpu.dma_semaphore, #tpu.memory_space<semaphore_mem>>)
      %dma_wait3A_36 = tpu.memref_slice %arg5[%mul3A_2] : memref<8192xi32, #tpu.memory_space<hbm>> -> memref<128xi32, #tpu.memory_space<hbm>>
      %dma_wait3A_37 = tpu.memref_slice %arg5[%mul3A_2] : memref<8192xi32, #tpu.memory_space<hbm>> -> memref<128xi32, #tpu.memory_space<hbm>>
      tpu.wait_dma2 semaphore(%run_scoped3A : memref<!tpu.dma_semaphore, #tpu.memory_space<semaphore_mem>>) src(%dma_wait3A_37 : memref<128xi32, #tpu.memory_space<hbm>>) dst(%arg11 : memref<128xi32, #tpu.memory_space<vmem>>)
      tpu.yield
    }) : () -> ()
    "tpu.region"() ({
      %run_scoped3A = tpu.sem_alloc : memref<!tpu.dma_semaphore, #tpu.memory_space<semaphore_mem>>
      %dma_start3A_34 = tpu.memref_slice %arg4[%add3A_4] : memref<8192xi32, #tpu.memory_space<hbm>> -> memref<128xi32, #tpu.memory_space<hbm>>
      %dma_start3A_35 = tpu.memref_slice %arg4[%add3A_4] : memref<8192xi32, #tpu.memory_space<hbm>> -> memref<128xi32, #tpu.memory_space<hbm>>
      tpu.enqueue_dma source(%dma_start3A_35 : memref<128xi32, #tpu.memory_space<hbm>>) target(%arg12 : memref<128xi32, #tpu.memory_space<vmem>>) target_semaphore(%run_scoped3A : memref<!tpu.dma_semaphore, #tpu.memory_space<semaphore_mem>>)
      %dma_wait3A_36 = tpu.memref_slice %arg4[%add3A_4] : memref<8192xi32, #tpu.memory_space<hbm>> -> memref<128xi32, #tpu.memory_space<hbm>>
      %dma_wait3A_37 = tpu.memref_slice %arg4[%add3A_4] : memref<8192xi32, #tpu.memory_space<hbm>> -> memref<128xi32, #tpu.memory_space<hbm>>
      tpu.wait_dma2 semaphore(%run_scoped3A : memref<!tpu.dma_semaphore, #tpu.memory_space<semaphore_mem>>) src(%dma_wait3A_37 : memref<128xi32, #tpu.memory_space<hbm>>) dst(%arg12 : memref<128xi32, #tpu.memory_space<vmem>>)
      tpu.yield
    }) : () -> ()
    "tpu.region"() ({
      %run_scoped3A = tpu.sem_alloc : memref<!tpu.dma_semaphore, #tpu.memory_space<semaphore_mem>>
      %dma_start3A_34 = tpu.memref_slice %arg5[%add3A_4] : memref<8192xi32, #tpu.memory_space<hbm>> -> memref<128xi32, #tpu.memory_space<hbm>>
      %dma_start3A_35 = tpu.memref_slice %arg5[%add3A_4] : memref<8192xi32, #tpu.memory_space<hbm>> -> memref<128xi32, #tpu.memory_space<hbm>>
      tpu.enqueue_dma source(%dma_start3A_35 : memref<128xi32, #tpu.memory_space<hbm>>) target(%arg13 : memref<128xi32, #tpu.memory_space<vmem>>) target_semaphore(%run_scoped3A : memref<!tpu.dma_semaphore, #tpu.memory_space<semaphore_mem>>)
      %dma_wait3A_36 = tpu.memref_slice %arg5[%add3A_4] : memref<8192xi32, #tpu.memory_space<hbm>> -> memref<128xi32, #tpu.memory_space<hbm>>
      %dma_wait3A_37 = tpu.memref_slice %arg5[%add3A_4] : memref<8192xi32, #tpu.memory_space<hbm>> -> memref<128xi32, #tpu.memory_space<hbm>>
      tpu.wait_dma2 semaphore(%run_scoped3A : memref<!tpu.dma_semaphore, #tpu.memory_space<semaphore_mem>>) src(%dma_wait3A_37 : memref<128xi32, #tpu.memory_space<hbm>>) dst(%arg13 : memref<128xi32, #tpu.memory_space<vmem>>)
      tpu.yield
    }) : () -> ()
    %scan3A = arith.constant 0 : i32
    %scan3A_10 = arith.constant 0 : i32
    %scan3A_11 = arith.constant 8 : i32
    %scan3A_12 = arith.addi %scan3A_10, %scan3A_11 : i32
    %scan3A_13 = arith.constant 1 : i32
    scf.for %scan3A_34 = %scan3A_10 to %scan3A_12 step %scan3A_13  : i32 {
      %mul3A_35 = arith.constant 16 : i32
      %mul3A_36 = arith.muli %scan3A_34, %mul3A_35 : i32
      %get3A = arith.index_cast %mul3A_36 : i32 to index
      %get3A_37 = tpu.vector_load %arg10[%get3A] {strides = array<i32>} : memref<128xi32, #tpu.memory_space<vmem>>, vector<16xi32>,
      %get3A_38 = arith.index_cast %mul3A_36 : i32 to index
      %get3A_39 = tpu.vector_load %arg11[%get3A_38] {strides = array<i32>} : memref<128xi32, #tpu.memory_space<vmem>>, vector<16xi32>,
      %get3A_40 = arith.index_cast %mul3A_36 : i32 to index
      %get3A_41 = tpu.vector_load %arg12[%get3A_40] {strides = array<i32>} : memref<128xi32, #tpu.memory_space<vmem>>, vector<16xi32>,
      %get3A_42 = arith.index_cast %mul3A_36 : i32 to index
      %get3A_43 = tpu.vector_load %arg13[%get3A_42] {strides = array<i32>} : memref<128xi32, #tpu.memory_space<vmem>>, vector<16xi32>,
      %mul3A_44 = arith.constant 16 : i32
      %mul3A_45 = arith.muli %scan3A_34, %mul3A_44 : i32
      %add3A_46 = arith.constant 0 : i32
      %add3A_47 = arith.addi %mul3A_45, %add3A_46 : i32
      %slice3A = vector.extract_strided_slice %get3A_37 {offsets = [0], sizes = [1], strides = [1]} : vector<16xi32> to vector<1xi32>
      %squeeze3A = vector.extract %slice3A[0] : i32 from vector<1xi32>
      %dma_start3A_48 = arith.constant 0 : i32
      %dma_start3A_49 = tpu.memref_slice %arg14[%add3A_47, %dma_start3A_48] : memref<512x64xf32, #tpu.memory_space<vmem>> -> memref<1x64xf32, #tpu.memory_space<vmem>>
      %dma_start3A_50 = arith.constant 0 : i32
      %dma_start3A_51 = tpu.memref_slice %arg2[%squeeze3A, %dma_start3A_50] : memref<1000000x64xf32, #tpu.memory_space<hbm>> -> memref<1x64xf32, #tpu.memory_space<hbm>>
      %dma_start3A_52 = arith.constant 0 : i32
      %dma_start3A_53 = tpu.memref_slice %arg14[%add3A_47, %dma_start3A_52] : memref<512x64xf32, #tpu.memory_space<vmem>> -> memref<1x64xf32, #tpu.memory_space<vmem>>
      %dma_start3A_54 = arith.constant 0 : i32
      %dma_start3A_55 = tpu.memref_slice %arg2[%squeeze3A, %dma_start3A_54] : memref<1000000x64xf32, #tpu.memory_space<hbm>> -> memref<1x64xf32, #tpu.memory_space<hbm>>
      tpu.enqueue_dma source(%dma_start3A_55 : memref<1x64xf32, #tpu.memory_space<hbm>>) target(%dma_start3A_53 : memref<1x64xf32, #tpu.memory_space<vmem>>) target_semaphore(%arg19 : memref<!tpu.dma_semaphore, #tpu.memory_space<semaphore_mem>>)
      %slice3A_56 = vector.extract_strided_slice %get3A_39 {offsets = [0], sizes = [1], strides = [1]} : vector<16xi32> to vector<1xi32>
      %squeeze3A_57 = vector.extract %slice3A_56[0] : i32 from vector<1xi32>
      %add3A_58 = arith.constant 128 : i32
      %add3A_59 = arith.addi %add3A_58, %add3A_47 : i32
      %dma_start3A_60 = arith.constant 0 : i32
      %dma_start3A_61 = tpu.memref_slice %arg14[%add3A_59, %dma_start3A_60] : memref<512x64xf32, #tpu.memory_space<vmem>> -> memref<1x64xf32, #tpu.memory_space<vmem>>
      %dma_start3A_62 = arith.constant 0 : i32
      %dma_start3A_63 = tpu.memref_slice %arg2[%squeeze3A_57, %dma_start3A_62] : memref<1000000x64xf32, #tpu.memory_space<hbm>> -> memref<1x64xf32, #tpu.memory_space<hbm>>
      %dma_start3A_64 = arith.constant 0 : i32
      %dma_start3A_65 = tpu.memref_slice %arg14[%add3A_59, %dma_start3A_64] : memref<512x64xf32, #tpu.memory_space<vmem>> -> memref<1x64xf32, #tpu.memory_space<vmem>>
      %dma_start3A_66 = arith.constant 0 : i32
      %dma_start3A_67 = tpu.memref_slice %arg2[%squeeze3A_57, %dma_start3A_66] : memref<1000000x64xf32, #tpu.memory_space<hbm>> -> memref<1x64xf32, #tpu.memory_space<hbm>>
      tpu.enqueue_dma source(%dma_start3A_67 : memref<1x64xf32, #tpu.memory_space<hbm>>) target(%dma_start3A_65 : memref<1x64xf32, #tpu.memory_space<vmem>>) target_semaphore(%arg19 : memref<!tpu.dma_semaphore, #tpu.memory_space<semaphore_mem>>)
      %slice3A_68 = vector.extract_strided_slice %get3A_41 {offsets = [0], sizes = [1], strides = [1]} : vector<16xi32> to vector<1xi32>
      %squeeze3A_69 = vector.extract %slice3A_68[0] : i32 from vector<1xi32>
      %add3A_70 = arith.constant 256 : i32
      %add3A_71 = arith.addi %add3A_70, %add3A_47 : i32
      %dma_start3A_72 = arith.constant 0 : i32
      %dma_start3A_73 = tpu.memref_slice %arg14[%add3A_71, %dma_start3A_72] : memref<512x64xf32, #tpu.memory_space<vmem>> -> memref<1x64xf32, #tpu.memory_space<vmem>>
      %dma_start3A_74 = arith.constant 0 : i32
      %dma_start3A_75 = tpu.memref_slice %arg2[%squeeze3A_69, %dma_start3A_74] : memref<1000000x64xf32, #tpu.memory_space<hbm>> -> memref<1x64xf32, #tpu.memory_space<hbm>>
      %dma_start3A_76 = arith.constant 0 : i32
      %dma_start3A_77 = tpu.memref_slice %arg14[%add3A_71, %dma_start3A_76] : memref<512x64xf32, #tpu.memory_space<vmem>> -> memref<1x64xf32, #tpu.memory_space<vmem>>
      %dma_start3A_78 = arith.constant 0 : i32
      %dma_start3A_79 = tpu.memref_slice %arg2[%squeeze3A_69, %dma_start3A_78] : memref<1000000x64xf32, #tpu.memory_space<hbm>> -> memref<1x64xf32, #tpu.memory_space<hbm>>
      tpu.enqueue_dma source(%dma_start3A_79 : memref<1x64xf32, #tpu.memory_space<hbm>>) target(%dma_start3A_77 : memref<1x64xf32, #tpu.memory_space<vmem>>) target_semaphore(%arg19 : memref<!tpu.dma_semaphore, #tpu.memory_space<semaphore_mem>>)
      %slice3A_80 = vector.extract_strided_slice %get3A_43 {offsets = [0], sizes = [1], strides = [1]} : vector<16xi32> to vector<1xi32>
      %squeeze3A_81 = vector.extract %slice3A_80[0] : i32 from vector<1xi32>
      %add3A_82 = arith.constant 384 : i32
      %add3A_83 = arith.addi %add3A_82, %add3A_47 : i32
      %dma_start3A_84 = arith.constant 0 : i32
      %dma_start3A_85 = tpu.memref_slice %arg14[%add3A_83, %dma_start3A_84] : memref<512x64xf32, #tpu.memory_space<vmem>> -> memref<1x64xf32, #tpu.memory_space<vmem>>
      %dma_start3A_86 = arith.constant 0 : i32
      %dma_start3A_87 = tpu.memref_slice %arg2[%squeeze3A_81, %dma_start3A_86] : memref<1000000x64xf32, #tpu.memory_space<hbm>> -> memref<1x64xf32, #tpu.memory_space<hbm>>
      %dma_start3A_88 = arith.constant 0 : i32
      %dma_start3A_89 = tpu.memref_slice %arg14[%add3A_83, %dma_start3A_88] : memref<512x64xf32, #tpu.memory_space<vmem>> -> memref<1x64xf32, #tpu.memory_space<vmem>>
      %dma_start3A_90 = arith.constant 0 : i32
      %dma_start3A_91 = tpu.memref_slice %arg2[%squeeze3A_81, %dma_start3A_90] : memref<1000000x64xf32, #tpu.memory_space<hbm>> -> memref<1x64xf32, #tpu.memory_space<hbm>>
      tpu.enqueue_dma source(%dma_start3A_91 : memref<1x64xf32, #tpu.memory_space<hbm>>) target(%dma_start3A_89 : memref<1x64xf32, #tpu.memory_space<vmem>>) target_semaphore(%arg19 : memref<!tpu.dma_semaphore, #tpu.memory_space<semaphore_mem>>)
      %mul3A_92 = arith.constant 16 : i32
      %mul3A_93 = arith.muli %scan3A_34, %mul3A_92 : i32
      %add3A_94 = arith.constant 1 : i32
      %add3A_95 = arith.addi %mul3A_93, %add3A_94 : i32
      %slice3A_96 = vector.extract_strided_slice %get3A_37 {offsets = [1], sizes = [1], strides = [1]} : vector<16xi32> to vector<1xi32>
      %squeeze3A_97 = vector.extract %slice3A_96[0] : i32 from vector<1xi32>
      %dma_start3A_98 = arith.constant 0 : i32
      %dma_start3A_99 = tpu.memref_slice %arg14[%add3A_95, %dma_start3A_98] : memref<512x64xf32, #tpu.memory_space<vmem>> -> memref<1x64xf32, #tpu.memory_space<vmem>>
      %dma_start3A_100 = arith.constant 0 : i32
      %dma_start3A_101 = tpu.memref_slice %arg2[%squeeze3A_97, %dma_start3A_100] : memref<1000000x64xf32, #tpu.memory_space<hbm>> -> memref<1x64xf32, #tpu.memory_space<hbm>>
      %dma_start3A_102 = arith.constant 0 : i32
      %dma_start3A_103 = tpu.memref_slice %arg14[%add3A_95, %dma_start3A_102] : memref<512x64xf32, #tpu.memory_space<vmem>> -> memref<1x64xf32, #tpu.memory_space<vmem>>
      %dma_start3A_104 = arith.constant 0 : i32
      %dma_start3A_105 = tpu.memref_slice %arg2[%squeeze3A_97, %dma_start3A_104] : memref<1000000x64xf32, #tpu.memory_space<hbm>> -> memref<1x64xf32, #tpu.memory_space<hbm>>
      tpu.enqueue_dma source(%dma_start3A_105 : memref<1x64xf32, #tpu.memory_space<hbm>>) target(%dma_start3A_103 : memref<1x64xf32, #tpu.memory_space<vmem>>) target_semaphore(%arg19 : memref<!tpu.dma_semaphore, #tpu.memory_space<semaphore_mem>>)
      %slice3A_106 = vector.extract_strided_slice %get3A_39 {offsets = [1], sizes = [1], strides = [1]} : vector<16xi32> to vector<1xi32>
      %squeeze3A_107 = vector.extract %slice3A_106[0] : i32 from vector<1xi32>
      %add3A_108 = arith.constant 128 : i32
      %add3A_109 = arith.addi %add3A_108, %add3A_95 : i32
      %dma_start3A_110 = arith.constant 0 : i32
      %dma_start3A_111 = tpu.memref_slice %arg14[%add3A_109, %dma_start3A_110] : memref<512x64xf32, #tpu.memory_space<vmem>> -> memref<1x64xf32, #tpu.memory_space<vmem>>
      %dma_start3A_112 = arith.constant 0 : i32
      %dma_start3A_113 = tpu.memref_slice %arg2[%squeeze3A_107, %dma_start3A_112] : memref<1000000x64xf32, #tpu.memory_space<hbm>> -> memref<1x64xf32, #tpu.memory_space<hbm>>
      %dma_start3A_114 = arith.constant 0 : i32
      %dma_start3A_115 = tpu.memref_slice %arg14[%add3A_109, %dma_start3A_114] : memref<512x64xf32, #tpu.memory_space<vmem>> -> memref<1x64xf32, #tpu.memory_space<vmem>>
      %dma_start3A_116 = arith.constant 0 : i32
      %dma_start3A_117 = tpu.memref_slice %arg2[%squeeze3A_107, %dma_start3A_116] : memref<1000000x64xf32, #tpu.memory_space<hbm>> -> memref<1x64xf32, #tpu.memory_space<hbm>>
      tpu.enqueue_dma source(%dma_start3A_117 : memref<1x64xf32, #tpu.memory_space<hbm>>) target(%dma_start3A_115 : memref<1x64xf32, #tpu.memory_space<vmem>>) target_semaphore(%arg19 : memref<!tpu.dma_semaphore, #tpu.memory_space<semaphore_mem>>)
      %slice3A_118 = vector.extract_strided_slice %get3A_41 {offsets = [1], sizes = [1], strides = [1]} : vector<16xi32> to vector<1xi32>
      %squeeze3A_119 = vector.extract %slice3A_118[0] : i32 from vector<1xi32>
      %add3A_120 = arith.constant 256 : i32
      %add3A_121 = arith.addi %add3A_120, %add3A_95 : i32
      %dma_start3A_122 = arith.constant 0 : i32
      %dma_start3A_123 = tpu.memref_slice %arg14[%add3A_121, %dma_start3A_122] : memref<512x64xf32, #tpu.memory_space<vmem>> -> memref<1x64xf32, #tpu.memory_space<vmem>>
      %dma_start3A_124 = arith.constant 0 : i32
      %dma_start3A_125 = tpu.memref_slice %arg2[%squeeze3A_119, %dma_start3A_124] : memref<1000000x64xf32, #tpu.memory_space<hbm>> -> memref<1x64xf32, #tpu.memory_space<hbm>>
      %dma_start3A_126 = arith.constant 0 : i32
      %dma_start3A_127 = tpu.memref_slice %arg14[%add3A_121, %dma_start3A_126] : memref<512x64xf32, #tpu.memory_space<vmem>> -> memref<1x64xf32, #tpu.memory_space<vmem>>
      %dma_start3A_128 = arith.constant 0 : i32
      %dma_start3A_129 = tpu.memref_slice %arg2[%squeeze3A_119, %dma_start3A_128] : memref<1000000x64xf32, #tpu.memory_space<hbm>> -> memref<1x64xf32, #tpu.memory_space<hbm>>
      tpu.enqueue_dma source(%dma_start3A_129 : memref<1x64xf32, #tpu.memory_space<hbm>>) target(%dma_start3A_127 : memref<1x64xf32, #tpu.memory_space<vmem>>) target_semaphore(%arg19 : memref<!tpu.dma_semaphore, #tpu.memory_space<semaphore_mem>>)
      %slice3A_130 = vector.extract_strided_slice %get3A_43 {offsets = [1], sizes = [1], strides = [1]} : vector<16xi32> to vector<1xi32>
      %squeeze3A_131 = vector.extract %slice3A_130[0] : i32 from vector<1xi32>
      %add3A_132 = arith.constant 384 : i32
      %add3A_133 = arith.addi %add3A_132, %add3A_95 : i32
      %dma_start3A_134 = arith.constant 0 : i32
      %dma_start3A_135 = tpu.memref_slice %arg14[%add3A_133, %dma_start3A_134] : memref<512x64xf32, #tpu.memory_space<vmem>> -> memref<1x64xf32, #tpu.memory_space<vmem>>
      %dma_start3A_136 = arith.constant 0 : i32
      %dma_start3A_137 = tpu.memref_slice %arg2[%squeeze3A_131, %dma_start3A_136] : memref<1000000x64xf32, #tpu.memory_space<hbm>> -> memref<1x64xf32, #tpu.memory_space<hbm>>
      %dma_start3A_138 = arith.constant 0 : i32
      %dma_start3A_139 = tpu.memref_slice %arg14[%add3A_133, %dma_start3A_138] : memref<512x64xf32, #tpu.memory_space<vmem>> -> memref<1x64xf32, #tpu.memory_space<vmem>>
      %dma_start3A_140 = arith.constant 0 : i32
      %dma_start3A_141 = tpu.memref_slice %arg2[%squeeze3A_131, %dma_start3A_140] : memref<1000000x64xf32, #tpu.memory_space<hbm>> -> memref<1x64xf32, #tpu.memory_space<hbm>>
      tpu.enqueue_dma source(%dma_start3A_141 : memref<1x64xf32, #tpu.memory_space<hbm>>) target(%dma_start3A_139 : memref<1x64xf32, #tpu.memory_space<vmem>>) target_semaphore(%arg19 : memref<!tpu.dma_semaphore, #tpu.memory_space<semaphore_mem>>)
      %mul3A_142 = arith.constant 16 : i32
      %mul3A_143 = arith.muli %scan3A_34, %mul3A_142 : i32
      %add3A_144 = arith.constant 2 : i32
      %add3A_145 = arith.addi %mul3A_143, %add3A_144 : i32
      %slice3A_146 = vector.extract_strided_slice %get3A_37 {offsets = [2], sizes = [1], strides = [1]} : vector<16xi32> to vector<1xi32>
      %squeeze3A_147 = vector.extract %slice3A_146[0] : i32 from vector<1xi32>
      %dma_start3A_148 = arith.constant 0 : i32
      %dma_start3A_149 = tpu.memref_slice %arg14[%add3A_145, %dma_start3A_148] : memref<512x64xf32, #tpu.memory_space<vmem>> -> memref<1x64xf32, #tpu.memory_space<vmem>>
      %dma_start3A_150 = arith.constant 0 : i32
      %dma_start3A_151 = tpu.memref_slice %arg2[%squeeze3A_147, %dma_start3A_150] : memref<1000000x64xf32, #tpu.memory_space<hbm>> -> memref<1x64xf32, #tpu.memory_space<hbm>>
      %dma_start3A_152 = arith.constant 0 : i32
      %dma_start3A_153 = tpu.memref_slice %arg14[%add3A_145, %dma_start3A_152] : memref<512x64xf32, #tpu.memory_space<vmem>> -> memref<1x64xf32, #tpu.memory_space<vmem>>
      %dma_start3A_154 = arith.constant 0 : i32
      %dma_start3A_155 = tpu.memref_slice %arg2[%squeeze3A_147, %dma_start3A_154] : memref<1000000x64xf32, #tpu.memory_space<hbm>> -> memref<1x64xf32, #tpu.memory_space<hbm>>
      tpu.enqueue_dma source(%dma_start3A_155 : memref<1x64xf32, #tpu.memory_space<hbm>>) target(%dma_start3A_153 : memref<1x64xf32, #tpu.memory_space<vmem>>) target_semaphore(%arg19 : memref<!tpu.dma_semaphore, #tpu.memory_space<semaphore_mem>>)
      %slice3A_156 = vector.extract_strided_slice %get3A_39 {offsets = [2], sizes = [1], strides = [1]} : vector<16xi32> to vector<1xi32>
      %squeeze3A_157 = vector.extract %slice3A_156[0] : i32 from vector<1xi32>
      %add3A_158 = arith.constant 128 : i32
      %add3A_159 = arith.addi %add3A_158, %add3A_145 : i32
      %dma_start3A_160 = arith.constant 0 : i32
      %dma_start3A_161 = tpu.memref_slice %arg14[%add3A_159, %dma_start3A_160] : memref<512x64xf32, #tpu.memory_space<vmem>> -> memref<1x64xf32, #tpu.memory_space<vmem>>
      %dma_start3A_162 = arith.constant 0 : i32
      %dma_start3A_163 = tpu.memref_slice %arg2[%squeeze3A_157, %dma_start3A_162] : memref<1000000x64xf32, #tpu.memory_space<hbm>> -> memref<1x64xf32, #tpu.memory_space<hbm>>
      %dma_start3A_164 = arith.constant 0 : i32
      %dma_start3A_165 = tpu.memref_slice %arg14[%add3A_159, %dma_start3A_164] : memref<512x64xf32, #tpu.memory_space<vmem>> -> memref<1x64xf32, #tpu.memory_space<vmem>>
      %dma_start3A_166 = arith.constant 0 : i32
      %dma_start3A_167 = tpu.memref_slice %arg2[%squeeze3A_157, %dma_start3A_166] : memref<1000000x64xf32, #tpu.memory_space<hbm>> -> memref<1x64xf32, #tpu.memory_space<hbm>>
      tpu.enqueue_dma source(%dma_start3A_167 : memref<1x64xf32, #tpu.memory_space<hbm>>) target(%dma_start3A_165 : memref<1x64xf32, #tpu.memory_space<vmem>>) target_semaphore(%arg19 : memref<!tpu.dma_semaphore, #tpu.memory_space<semaphore_mem>>)
      %slice3A_168 = vector.extract_strided_slice %get3A_41 {offsets = [2], sizes = [1], strides = [1]} : vector<16xi32> to vector<1xi32>
      %squeeze3A_169 = vector.extract %slice3A_168[0] : i32 from vector<1xi32>
      %add3A_170 = arith.constant 256 : i32
      %add3A_171 = arith.addi %add3A_170, %add3A_145 : i32
      %dma_start3A_172 = arith.constant 0 : i32
      %dma_start3A_173 = tpu.memref_slice %arg14[%add3A_171, %dma_start3A_172] : memref<512x64xf32, #tpu.memory_space<vmem>> -> memref<1x64xf32, #tpu.memory_space<vmem>>
      %dma_start3A_174 = arith.constant 0 : i32
      %dma_start3A_175 = tpu.memref_slice %arg2[%squeeze3A_169, %dma_start3A_174] : memref<1000000x64xf32, #tpu.memory_space<hbm>> -> memref<1x64xf32, #tpu.memory_space<hbm>>
      %dma_start3A_176 = arith.constant 0 : i32
      %dma_start3A_177 = tpu.memref_slice %arg14[%add3A_171, %dma_start3A_176] : memref<512x64xf32, #tpu.memory_space<vmem>> -> memref<1x64xf32, #tpu.memory_space<vmem>>
      %dma_start3A_178 = arith.constant 0 : i32
      %dma_start3A_179 = tpu.memref_slice %arg2[%squeeze3A_169, %dma_start3A_178] : memref<1000000x64xf32, #tpu.memory_space<hbm>> -> memref<1x64xf32, #tpu.memory_space<hbm>>
      tpu.enqueue_dma source(%dma_start3A_179 : memref<1x64xf32, #tpu.memory_space<hbm>>) target(%dma_start3A_177 : memref<1x64xf32, #tpu.memory_space<vmem>>) target_semaphore(%arg19 : memref<!tpu.dma_semaphore, #tpu.memory_space<semaphore_mem>>)
      %slice3A_180 = vector.extract_strided_slice %get3A_43 {offsets = [2], sizes = [1], strides = [1]} : vector<16xi32> to vector<1xi32>
      %squeeze3A_181 = vector.extract %slice3A_180[0] : i32 from vector<1xi32>
      %add3A_182 = arith.constant 384 : i32
      %add3A_183 = arith.addi %add3A_182, %add3A_145 : i32
      %dma_start3A_184 = arith.constant 0 : i32
      %dma_start3A_185 = tpu.memref_slice %arg14[%add3A_183, %dma_start3A_184] : memref<512x64xf32, #tpu.memory_space<vmem>> -> memref<1x64xf32, #tpu.memory_space<vmem>>
      %dma_start3A_186 = arith.constant 0 : i32
      %dma_start3A_187 = tpu.memref_slice %arg2[%squeeze3A_181, %dma_start3A_186] : memref<1000000x64xf32, #tpu.memory_space<hbm>> -> memref<1x64xf32, #tpu.memory_space<hbm>>
      %dma_start3A_188 = arith.constant 0 : i32
      %dma_start3A_189 = tpu.memref_slice %arg14[%add3A_183, %dma_start3A_188] : memref<512x64xf32, #tpu.memory_space<vmem>> -> memref<1x64xf32, #tpu.memory_space<vmem>>
      %dma_start3A_190 = arith.constant 0 : i32
      %dma_start3A_191 = tpu.memref_slice %arg2[%squeeze3A_181, %dma_start3A_190] : memref<1000000x64xf32, #tpu.memory_space<hbm>> -> memref<1x64xf32, #tpu.memory_space<hbm>>
      tpu.enqueue_dma source(%dma_start3A_191 : memref<1x64xf32, #tpu.memory_space<hbm>>) target(%dma_start3A_189 : memref<1x64xf32, #tpu.memory_space<vmem>>) target_semaphore(%arg19 : memref<!tpu.dma_semaphore, #tpu.memory_space<semaphore_mem>>)
      %mul3A_192 = arith.constant 16 : i32
      %mul3A_193 = arith.muli %scan3A_34, %mul3A_192 : i32
      %add3A_194 = arith.constant 3 : i32
      %add3A_195 = arith.addi %mul3A_193, %add3A_194 : i32
      %slice3A_196 = vector.extract_strided_slice %get3A_37 {offsets = [3], sizes = [1], strides = [1]} : vector<16xi32> to vector<1xi32>
      %squeeze3A_197 = vector.extract %slice3A_196[0] : i32 from vector<1xi32>
      %dma_start3A_198 = arith.constant 0 : i32
      %dma_start3A_199 = tpu.memref_slice %arg14[%add3A_195, %dma_start3A_198] : memref<512x64xf32, #tpu.memory_space<vmem>> -> memref<1x64xf32, #tpu.memory_space<vmem>>
      %dma_start3A_200 = arith.constant 0 : i32
      %dma_start3A_201 = tpu.memref_slice %arg2[%squeeze3A_197, %dma_start3A_200] : memref<1000000x64xf32, #tpu.memory_space<hbm>> -> memref<1x64xf32, #tpu.memory_space<hbm>>
      %dma_start3A_202 = arith.constant 0 : i32
      %dma_start3A_203 = tpu.memref_slice %arg14[%add3A_195, %dma_start3A_202] : memref<512x64xf32, #tpu.memory_space<vmem>> -> memref<1x64xf32, #tpu.memory_space<vmem>>
      %dma_start3A_204 = arith.constant 0 : i32
      %dma_start3A_205 = tpu.memref_slice %arg2[%squeeze3A_197, %dma_start3A_204] : memref<1000000x64xf32, #tpu.memory_space<hbm>> -> memref<1x64xf32, #tpu.memory_space<hbm>>
      tpu.enqueue_dma source(%dma_start3A_205 : memref<1x64xf32, #tpu.memory_space<hbm>>) target(%dma_start3A_203 : memref<1x64xf32, #tpu.memory_space<vmem>>) target_semaphore(%arg19 : memref<!tpu.dma_semaphore, #tpu.memory_space<semaphore_mem>>)
      %slice3A_206 = vector.extract_strided_slice %get3A_39 {offsets = [3], sizes = [1], strides = [1]} : vector<16xi32> to vector<1xi32>
      %squeeze3A_207 = vector.extract %slice3A_206[0] : i32 from vector<1xi32>
      %add3A_208 = arith.constant 128 : i32
      %add3A_209 = arith.addi %add3A_208, %add3A_195 : i32
      %dma_start3A_210 = arith.constant 0 : i32
      %dma_start3A_211 = tpu.memref_slice %arg14[%add3A_209, %dma_start3A_210] : memref<512x64xf32, #tpu.memory_space<vmem>> -> memref<1x64xf32, #tpu.memory_space<vmem>>
      %dma_start3A_212 = arith.constant 0 : i32
      %dma_start3A_213 = tpu.memref_slice %arg2[%squeeze3A_207, %dma_start3A_212] : memref<1000000x64xf32, #tpu.memory_space<hbm>> -> memref<1x64xf32, #tpu.memory_space<hbm>>
      %dma_start3A_214 = arith.constant 0 : i32
      %dma_start3A_215 = tpu.memref_slice %arg14[%add3A_209, %dma_start3A_214] : memref<512x64xf32, #tpu.memory_space<vmem>> -> memref<1x64xf32, #tpu.memory_space<vmem>>
      %dma_start3A_216 = arith.constant 0 : i32
      %dma_start3A_217 = tpu.memref_slice %arg2[%squeeze3A_207, %dma_start3A_216] : memref<1000000x64xf32, #tpu.memory_space<hbm>> -> memref<1x64xf32, #tpu.memory_space<hbm>>
      tpu.enqueue_dma source(%dma_start3A_217 : memref<1x64xf32, #tpu.memory_space<hbm>>) target(%dma_start3A_215 : memref<1x64xf32, #tpu.memory_space<vmem>>) target_semaphore(%arg19 : memref<!tpu.dma_semaphore, #tpu.memory_space<semaphore_mem>>)
      %slice3A_218 = vector.extract_strided_slice %get3A_41 {offsets = [3], sizes = [1], strides = [1]} : vector<16xi32> to vector<1xi32>
      %squeeze3A_219 = vector.extract %slice3A_218[0] : i32 from vector<1xi32>
      %add3A_220 = arith.constant 256 : i32
      %add3A_221 = arith.addi %add3A_220, %add3A_195 : i32
      %dma_start3A_222 = arith.constant 0 : i32
      %dma_start3A_223 = tpu.memref_slice %arg14[%add3A_221, %dma_start3A_222] : memref<512x64xf32, #tpu.memory_space<vmem>> -> memref<1x64xf32, #tpu.memory_space<vmem>>
      %dma_start3A_224 = arith.constant 0 : i32
      %dma_start3A_225 = tpu.memref_slice %arg2[%squeeze3A_219, %dma_start3A_224] : memref<1000000x64xf32, #tpu.memory_space<hbm>> -> memref<1x64xf32, #tpu.memory_space<hbm>>
      %dma_start3A_226 = arith.constant 0 : i32
      %dma_start3A_227 = tpu.memref_slice %arg14[%add3A_221, %dma_start3A_226] : memref<512x64xf32, #tpu.memory_space<vmem>> -> memref<1x64xf32, #tpu.memory_space<vmem>>
      %dma_start3A_228 = arith.constant 0 : i32
      %dma_start3A_229 = tpu.memref_slice %arg2[%squeeze3A_219, %dma_start3A_228] : memref<1000000x64xf32, #tpu.memory_space<hbm>> -> memref<1x64xf32, #tpu.memory_space<hbm>>
      tpu.enqueue_dma source(%dma_start3A_229 : memref<1x64xf32, #tpu.memory_space<hbm>>) target(%dma_start3A_227 : memref<1x64xf32, #tpu.memory_space<vmem>>) target_semaphore(%arg19 : memref<!tpu.dma_semaphore, #tpu.memory_space<semaphore_mem>>)
      %slice3A_230 = vector.extract_strided_slice %get3A_43 {offsets = [3], sizes = [1], strides = [1]} : vector<16xi32> to vector<1xi32>
      %squeeze3A_231 = vector.extract %slice3A_230[0] : i32 from vector<1xi32>
      %add3A_232 = arith.constant 384 : i32
      %add3A_233 = arith.addi %add3A_232, %add3A_195 : i32
      %dma_start3A_234 = arith.constant 0 : i32
      %dma_start3A_235 = tpu.memref_slice %arg14[%add3A_233, %dma_start3A_234] : memref<512x64xf32, #tpu.memory_space<vmem>> -> memref<1x64xf32, #tpu.memory_space<vmem>>
      %dma_start3A_236 = arith.constant 0 : i32
      %dma_start3A_237 = tpu.memref_slice %arg2[%squeeze3A_231, %dma_start3A_236] : memref<1000000x64xf32, #tpu.memory_space<hbm>> -> memref<1x64xf32, #tpu.memory_space<hbm>>
      %dma_start3A_238 = arith.constant 0 : i32
      %dma_start3A_239 = tpu.memref_slice %arg14[%add3A_233, %dma_start3A_238] : memref<512x64xf32, #tpu.memory_space<vmem>> -> memref<1x64xf32, #tpu.memory_space<vmem>>
      %dma_start3A_240 = arith.constant 0 : i32
      %dma_start3A_241 = tpu.memref_slice %arg2[%squeeze3A_231, %dma_start3A_240] : memref<1000000x64xf32, #tpu.memory_space<hbm>> -> memref<1x64xf32, #tpu.memory_space<hbm>>
      tpu.enqueue_dma source(%dma_start3A_241 : memref<1x64xf32, #tpu.memory_space<hbm>>) target(%dma_start3A_239 : memref<1x64xf32, #tpu.memory_space<vmem>>) target_semaphore(%arg19 : memref<!tpu.dma_semaphore, #tpu.memory_space<semaphore_mem>>)
      %mul3A_242 = arith.constant 16 : i32
      %mul3A_243 = arith.muli %scan3A_34, %mul3A_242 : i32
      %add3A_244 = arith.constant 4 : i32
      %add3A_245 = arith.addi %mul3A_243, %add3A_244 : i32
      %slice3A_246 = vector.extract_strided_slice %get3A_37 {offsets = [4], sizes = [1], strides = [1]} : vector<16xi32> to vector<1xi32>
      %squeeze3A_247 = vector.extract %slice3A_246[0] : i32 from vector<1xi32>
      %dma_start3A_248 = arith.constant 0 : i32
      %dma_start3A_249 = tpu.memref_slice %arg14[%add3A_245, %dma_start3A_248] : memref<512x64xf32, #tpu.memory_space<vmem>> -> memref<1x64xf32, #tpu.memory_space<vmem>>
      %dma_start3A_250 = arith.constant 0 : i32
      %dma_start3A_251 = tpu.memref_slice %arg2[%squeeze3A_247, %dma_start3A_250] : memref<1000000x64xf32, #tpu.memory_space<hbm>> -> memref<1x64xf32, #tpu.memory_space<hbm>>
      %dma_start3A_252 = arith.constant 0 : i32
      %dma_start3A_253 = tpu.memref_slice %arg14[%add3A_245, %dma_start3A_252] : memref<512x64xf32, #tpu.memory_space<vmem>> -> memref<1x64xf32, #tpu.memory_space<vmem>>
      %dma_start3A_254 = arith.constant 0 : i32
      %dma_start3A_255 = tpu.memref_slice %arg2[%squeeze3A_247, %dma_start3A_254] : memref<1000000x64xf32, #tpu.memory_space<hbm>> -> memref<1x64xf32, #tpu.memory_space<hbm>>
      tpu.enqueue_dma source(%dma_start3A_255 : memref<1x64xf32, #tpu.memory_space<hbm>>) target(%dma_start3A_253 : memref<1x64xf32, #tpu.memory_space<vmem>>) target_semaphore(%arg19 : memref<!tpu.dma_semaphore, #tpu.memory_space<semaphore_mem>>)
      %slice3A_256 = vector.extract_strided_slice %get3A_39 {offsets = [4], sizes = [1], strides = [1]} : vector<16xi32> to vector<1xi32>
      %squeeze3A_257 = vector.extract %slice3A_256[0] : i32 from vector<1xi32>
      %add3A_258 = arith.constant 128 : i32
      %add3A_259 = arith.addi %add3A_258, %add3A_245 : i32
      %dma_start3A_260 = arith.constant 0 : i32
      %dma_start3A_261 = tpu.memref_slice %arg14[%add3A_259, %dma_start3A_260] : memref<512x64xf32, #tpu.memory_space<vmem>> -> memref<1x64xf32, #tpu.memory_space<vmem>>
      %dma_start3A_262 = arith.constant 0 : i32
      %dma_start3A_263 = tpu.memref_slice %arg2[%squeeze3A_257, %dma_start3A_262] : memref<1000000x64xf32, #tpu.memory_space<hbm>> -> memref<1x64xf32, #tpu.memory_space<hbm>>
      %dma_start3A_264 = arith.constant 0 : i32
      %dma_start3A_265 = tpu.memref_slice %arg14[%add3A_259, %dma_start3A_264] : memref<512x64xf32, #tpu.memory_space<vmem>> -> memref<1x64xf32, #tpu.memory_space<vmem>>
      %dma_start3A_266 = arith.constant 0 : i32
      %dma_start3A_267 = tpu.memref_slice %arg2[%squeeze3A_257, %dma_start3A_266] : memref<1000000x64xf32, #tpu.memory_space<hbm>> -> memref<1x64xf32, #tpu.memory_space<hbm>>
      tpu.enqueue_dma source(%dma_start3A_267 : memref<1x64xf32, #tpu.memory_space<hbm>>) target(%dma_start3A_265 : memref<1x64xf32, #tpu.memory_space<vmem>>) target_semaphore(%arg19 : memref<!tpu.dma_semaphore, #tpu.memory_space<semaphore_mem>>)
      %slice3A_268 = vector.extract_strided_slice %get3A_41 {offsets = [4], sizes = [1], strides = [1]} : vector<16xi32> to vector<1xi32>
      %squeeze3A_269 = vector.extract %slice3A_268[0] : i32 from vector<1xi32>
      %add3A_270 = arith.constant 256 : i32
      %add3A_271 = arith.addi %add3A_270, %add3A_245 : i32
      %dma_start3A_272 = arith.constant 0 : i32
      %dma_start3A_273 = tpu.memref_slice %arg14[%add3A_271, %dma_start3A_272] : memref<512x64xf32, #tpu.memory_space<vmem>> -> memref<1x64xf32, #tpu.memory_space<vmem>>
      %dma_start3A_274 = arith.constant 0 : i32
      %dma_start3A_275 = tpu.memref_slice %arg2[%squeeze3A_269, %dma_start3A_274] : memref<1000000x64xf32, #tpu.memory_space<hbm>> -> memref<1x64xf32, #tpu.memory_space<hbm>>
      %dma_start3A_276 = arith.constant 0 : i32
      %dma_start3A_277 = tpu.memref_slice %arg14[%add3A_271, %dma_start3A_276] : memref<512x64xf32, #tpu.memory_space<vmem>> -> memref<1x64xf32, #tpu.memory_space<vmem>>
      %dma_start3A_278 = arith.constant 0 : i32
      %dma_start3A_279 = tpu.memref_slice %arg2[%squeeze3A_269, %dma_start3A_278] : memref<1000000x64xf32, #tpu.memory_space<hbm>> -> memref<1x64xf32, #tpu.memory_space<hbm>>
      tpu.enqueue_dma source(%dma_start3A_279 : memref<1x64xf32, #tpu.memory_space<hbm>>) target(%dma_start3A_277 : memref<1x64xf32, #tpu.memory_space<vmem>>) target_semaphore(%arg19 : memref<!tpu.dma_semaphore, #tpu.memory_space<semaphore_mem>>)
      %slice3A_280 = vector.extract_strided_slice %get3A_43 {offsets = [4], sizes = [1], strides = [1]} : vector<16xi32> to vector<1xi32>
      %squeeze3A_281 = vector.extract %slice3A_280[0] : i32 from vector<1xi32>
      %add3A_282 = arith.constant 384 : i32
      %add3A_283 = arith.addi %add3A_282, %add3A_245 : i32
      %dma_start3A_284 = arith.constant 0 : i32
      %dma_start3A_285 = tpu.memref_slice %arg14[%add3A_283, %dma_start3A_284] : memref<512x64xf32, #tpu.memory_space<vmem>> -> memref<1x64xf32, #tpu.memory_space<vmem>>
      %dma_start3A_286 = arith.constant 0 : i32
      %dma_start3A_287 = tpu.memref_slice %arg2[%squeeze3A_281, %dma_start3A_286] : memref<1000000x64xf32, #tpu.memory_space<hbm>> -> memref<1x64xf32, #tpu.memory_space<hbm>>
      %dma_start3A_288 = arith.constant 0 : i32
      %dma_start3A_289 = tpu.memref_slice %arg14[%add3A_283, %dma_start3A_288] : memref<512x64xf32, #tpu.memory_space<vmem>> -> memref<1x64xf32, #tpu.memory_space<vmem>>
      %dma_start3A_290 = arith.constant 0 : i32
      %dma_start3A_291 = tpu.memref_slice %arg2[%squeeze3A_281, %dma_start3A_290] : memref<1000000x64xf32, #tpu.memory_space<hbm>> -> memref<1x64xf32, #tpu.memory_space<hbm>>
      tpu.enqueue_dma source(%dma_start3A_291 : memref<1x64xf32, #tpu.memory_space<hbm>>) target(%dma_start3A_289 : memref<1x64xf32, #tpu.memory_space<vmem>>) target_semaphore(%arg19 : memref<!tpu.dma_semaphore, #tpu.memory_space<semaphore_mem>>)
      %mul3A_292 = arith.constant 16 : i32
      %mul3A_293 = arith.muli %scan3A_34, %mul3A_292 : i32
      %add3A_294 = arith.constant 5 : i32
      %add3A_295 = arith.addi %mul3A_293, %add3A_294 : i32
      %slice3A_296 = vector.extract_strided_slice %get3A_37 {offsets = [5], sizes = [1], strides = [1]} : vector<16xi32> to vector<1xi32>
      %squeeze3A_297 = vector.extract %slice3A_296[0] : i32 from vector<1xi32>
      %dma_start3A_298 = arith.constant 0 : i32
      %dma_start3A_299 = tpu.memref_slice %arg14[%add3A_295, %dma_start3A_298] : memref<512x64xf32, #tpu.memory_space<vmem>> -> memref<1x64xf32, #tpu.memory_space<vmem>>
      %dma_start3A_300 = arith.constant 0 : i32
      %dma_start3A_301 = tpu.memref_slice %arg2[%squeeze3A_297, %dma_start3A_300] : memref<1000000x64xf32, #tpu.memory_space<hbm>> -> memref<1x64xf32, #tpu.memory_space<hbm>>
      %dma_start3A_302 = arith.constant 0 : i32
      %dma_start3A_303 = tpu.memref_slice %arg14[%add3A_295, %dma_start3A_302] : memref<512x64xf32, #tpu.memory_space<vmem>> -> memref<1x64xf32, #tpu.memory_space<vmem>>
      %dma_start3A_304 = arith.constant 0 : i32
      %dma_start3A_305 = tpu.memref_slice %arg2[%squeeze3A_297, %dma_start3A_304] : memref<1000000x64xf32, #tpu.memory_space<hbm>> -> memref<1x64xf32, #tpu.memory_space<hbm>>
      tpu.enqueue_dma source(%dma_start3A_305 : memref<1x64xf32, #tpu.memory_space<hbm>>) target(%dma_start3A_303 : memref<1x64xf32, #tpu.memory_space<vmem>>) target_semaphore(%arg19 : memref<!tpu.dma_semaphore, #tpu.memory_space<semaphore_mem>>)
      %slice3A_306 = vector.extract_strided_slice %get3A_39 {offsets = [5], sizes = [1], strides = [1]} : vector<16xi32> to vector<1xi32>
      %squeeze3A_307 = vector.extract %slice3A_306[0] : i32 from vector<1xi32>
      %add3A_308 = arith.constant 128 : i32
      %add3A_309 = arith.addi %add3A_308, %add3A_295 : i32
      %dma_start3A_310 = arith.constant 0 : i32
      %dma_start3A_311 = tpu.memref_slice %arg14[%add3A_309, %dma_start3A_310] : memref<512x64xf32, #tpu.memory_space<vmem>> -> memref<1x64xf32, #tpu.memory_space<vmem>>
      %dma_start3A_312 = arith.constant 0 : i32
      %dma_start3A_313 = tpu.memref_slice %arg2[%squeeze3A_307, %dma_start3A_312] : memref<1000000x64xf32, #tpu.memory_space<hbm>> -> memref<1x64xf32, #tpu.memory_space<hbm>>
      %dma_start3A_314 = arith.constant 0 : i32
      %dma_start3A_315 = tpu.memref_slice %arg14[%add3A_309, %dma_start3A_314] : memref<512x64xf32, #tpu.memory_space<vmem>> -> memref<1x64xf32, #tpu.memory_space<vmem>>
      %dma_start3A_316 = arith.constant 0 : i32
      %dma_start3A_317 = tpu.memref_slice %arg2[%squeeze3A_307, %dma_start3A_316] : memref<1000000x64xf32, #tpu.memory_space<hbm>> -> memref<1x64xf32, #tpu.memory_space<hbm>>
      tpu.enqueue_dma source(%dma_start3A_317 : memref<1x64xf32, #tpu.memory_space<hbm>>) target(%dma_start3A_315 : memref<1x64xf32, #tpu.memory_space<vmem>>) target_semaphore(%arg19 : memref<!tpu.dma_semaphore, #tpu.memory_space<semaphore_mem>>)
      %slice3A_318 = vector.extract_strided_slice %get3A_41 {offsets = [5], sizes = [1], strides = [1]} : vector<16xi32> to vector<1xi32>
      %squeeze3A_319 = vector.extract %slice3A_318[0] : i32 from vector<1xi32>
      %add3A_320 = arith.constant 256 : i32
      %add3A_321 = arith.addi %add3A_320, %add3A_295 : i32
      %dma_start3A_322 = arith.constant 0 : i32
      %dma_start3A_323 = tpu.memref_slice %arg14[%add3A_321, %dma_start3A_322] : memref<512x64xf32, #tpu.memory_space<vmem>> -> memref<1x64xf32, #tpu.memory_space<vmem>>
      %dma_start3A_324 = arith.constant 0 : i32
      %dma_start3A_325 = tpu.memref_slice %arg2[%squeeze3A_319, %dma_start3A_324] : memref<1000000x64xf32, #tpu.memory_space<hbm>> -> memref<1x64xf32, #tpu.memory_space<hbm>>
      %dma_start3A_326 = arith.constant 0 : i32
      %dma_start3A_327 = tpu.memref_slice %arg14[%add3A_321, %dma_start3A_326] : memref<512x64xf32, #tpu.memory_space<vmem>> -> memref<1x64xf32, #tpu.memory_space<vmem>>
      %dma_start3A_328 = arith.constant 0 : i32
      %dma_start3A_329 = tpu.memref_slice %arg2[%squeeze3A_319, %dma_start3A_328] : memref<1000000x64xf32, #tpu.memory_space<hbm>> -> memref<1x64xf32, #tpu.memory_space<hbm>>
      tpu.enqueue_dma source(%dma_start3A_329 : memref<1x64xf32, #tpu.memory_space<hbm>>) target(%dma_start3A_327 : memref<1x64xf32, #tpu.memory_space<vmem>>) target_semaphore(%arg19 : memref<!tpu.dma_semaphore, #tpu.memory_space<semaphore_mem>>)
      %slice3A_330 = vector.extract_strided_slice %get3A_43 {offsets = [5], sizes = [1], strides = [1]} : vector<16xi32> to vector<1xi32>
      %squeeze3A_331 = vector.extract %slice3A_330[0] : i32 from vector<1xi32>
      %add3A_332 = arith.constant 384 : i32
      %add3A_333 = arith.addi %add3A_332, %add3A_295 : i32
      %dma_start3A_334 = arith.constant 0 : i32
      %dma_start3A_335 = tpu.memref_slice %arg14[%add3A_333, %dma_start3A_334] : memref<512x64xf32, #tpu.memory_space<vmem>> -> memref<1x64xf32, #tpu.memory_space<vmem>>
      %dma_start3A_336 = arith.constant 0 : i32
      %dma_start3A_337 = tpu.memref_slice %arg2[%squeeze3A_331, %dma_start3A_336] : memref<1000000x64xf32, #tpu.memory_space<hbm>> -> memref<1x64xf32, #tpu.memory_space<hbm>>
      %dma_start3A_338 = arith.constant 0 : i32
      %dma_start3A_339 = tpu.memref_slice %arg14[%add3A_333, %dma_start3A_338] : memref<512x64xf32, #tpu.memory_space<vmem>> -> memref<1x64xf32, #tpu.memory_space<vmem>>
      %dma_start3A_340 = arith.constant 0 : i32
      %dma_start3A_341 = tpu.memref_slice %arg2[%squeeze3A_331, %dma_start3A_340] : memref<1000000x64xf32, #tpu.memory_space<hbm>> -> memref<1x64xf32, #tpu.memory_space<hbm>>
      tpu.enqueue_dma source(%dma_start3A_341 : memref<1x64xf32, #tpu.memory_space<hbm>>) target(%dma_start3A_339 : memref<1x64xf32, #tpu.memory_space<vmem>>) target_semaphore(%arg19 : memref<!tpu.dma_semaphore, #tpu.memory_space<semaphore_mem>>)
      %mul3A_342 = arith.constant 16 : i32
      %mul3A_343 = arith.muli %scan3A_34, %mul3A_342 : i32
      %add3A_344 = arith.constant 6 : i32
      %add3A_345 = arith.addi %mul3A_343, %add3A_344 : i32
      %slice3A_346 = vector.extract_strided_slice %get3A_37 {offsets = [6], sizes = [1], strides = [1]} : vector<16xi32> to vector<1xi32>
      %squeeze3A_347 = vector.extract %slice3A_346[0] : i32 from vector<1xi32>
      %dma_start3A_348 = arith.constant 0 : i32
      %dma_start3A_349 = tpu.memref_slice %arg14[%add3A_345, %dma_start3A_348] : memref<512x64xf32, #tpu.memory_space<vmem>> -> memref<1x64xf32, #tpu.memory_space<vmem>>
      %dma_start3A_350 = arith.constant 0 : i32
      %dma_start3A_351 = tpu.memref_slice %arg2[%squeeze3A_347, %dma_start3A_350] : memref<1000000x64xf32, #tpu.memory_space<hbm>> -> memref<1x64xf32, #tpu.memory_space<hbm>>
      %dma_start3A_352 = arith.constant 0 : i32
      %dma_start3A_353 = tpu.memref_slice %arg14[%add3A_345, %dma_start3A_352] : memref<512x64xf32, #tpu.memory_space<vmem>> -> memref<1x64xf32, #tpu.memory_space<vmem>>
      %dma_start3A_354 = arith.constant 0 : i32
      %dma_start3A_355 = tpu.memref_slice %arg2[%squeeze3A_347, %dma_start3A_354] : memref<1000000x64xf32, #tpu.memory_space<hbm>> -> memref<1x64xf32, #tpu.memory_space<hbm>>
      tpu.enqueue_dma source(%dma_start3A_355 : memref<1x64xf32, #tpu.memory_space<hbm>>) target(%dma_start3A_353 : memref<1x64xf32, #tpu.memory_space<vmem>>) target_semaphore(%arg19 : memref<!tpu.dma_semaphore, #tpu.memory_space<semaphore_mem>>)
      %slice3A_356 = vector.extract_strided_slice %get3A_39 {offsets = [6], sizes = [1], strides = [1]} : vector<16xi32> to vector<1xi32>
      %squeeze3A_357 = vector.extract %slice3A_356[0] : i32 from vector<1xi32>
      %add3A_358 = arith.constant 128 : i32
      %add3A_359 = arith.addi %add3A_358, %add3A_345 : i32
      %dma_start3A_360 = arith.constant 0 : i32
      %dma_start3A_361 = tpu.memref_slice %arg14[%add3A_359, %dma_start3A_360] : memref<512x64xf32, #tpu.memory_space<vmem>> -> memref<1x64xf32, #tpu.memory_space<vmem>>
      %dma_start3A_362 = arith.constant 0 : i32
      %dma_start3A_363 = tpu.memref_slice %arg2[%squeeze3A_357, %dma_start3A_362] : memref<1000000x64xf32, #tpu.memory_space<hbm>> -> memref<1x64xf32, #tpu.memory_space<hbm>>
      %dma_start3A_364 = arith.constant 0 : i32
      %dma_start3A_365 = tpu.memref_slice %arg14[%add3A_359, %dma_start3A_364] : memref<512x64xf32, #tpu.memory_space<vmem>> -> memref<1x64xf32, #tpu.memory_space<vmem>>
      %dma_start3A_366 = arith.constant 0 : i32
      %dma_start3A_367 = tpu.memref_slice %arg2[%squeeze3A_357, %dma_start3A_366] : memref<1000000x64xf32, #tpu.memory_space<hbm>> -> memref<1x64xf32, #tpu.memory_space<hbm>>
      tpu.enqueue_dma source(%dma_start3A_367 : memref<1x64xf32, #tpu.memory_space<hbm>>) target(%dma_start3A_365 : memref<1x64xf32, #tpu.memory_space<vmem>>) target_semaphore(%arg19 : memref<!tpu.dma_semaphore, #tpu.memory_space<semaphore_mem>>)
      %slice3A_368 = vector.extract_strided_slice %get3A_41 {offsets = [6], sizes = [1], strides = [1]} : vector<16xi32> to vector<1xi32>
      %squeeze3A_369 = vector.extract %slice3A_368[0] : i32 from vector<1xi32>
      %add3A_370 = arith.constant 256 : i32
      %add3A_371 = arith.addi %add3A_370, %add3A_345 : i32
      %dma_start3A_372 = arith.constant 0 : i32
      %dma_start3A_373 = tpu.memref_slice %arg14[%add3A_371, %dma_start3A_372] : memref<512x64xf32, #tpu.memory_space<vmem>> -> memref<1x64xf32, #tpu.memory_space<vmem>>
      %dma_start3A_374 = arith.constant 0 : i32
      %dma_start3A_375 = tpu.memref_slice %arg2[%squeeze3A_369, %dma_start3A_374] : memref<1000000x64xf32, #tpu.memory_space<hbm>> -> memref<1x64xf32, #tpu.memory_space<hbm>>
      %dma_start3A_376 = arith.constant 0 : i32
      %dma_start3A_377 = tpu.memref_slice %arg14[%add3A_371, %dma_start3A_376] : memref<512x64xf32, #tpu.memory_space<vmem>> -> memref<1x64xf32, #tpu.memory_space<vmem>>
      %dma_start3A_378 = arith.constant 0 : i32
      %dma_start3A_379 = tpu.memref_slice %arg2[%squeeze3A_369, %dma_start3A_378] : memref<1000000x64xf32, #tpu.memory_space<hbm>> -> memref<1x64xf32, #tpu.memory_space<hbm>>
      tpu.enqueue_dma source(%dma_start3A_379 : memref<1x64xf32, #tpu.memory_space<hbm>>) target(%dma_start3A_377 : memref<1x64xf32, #tpu.memory_space<vmem>>) target_semaphore(%arg19 : memref<!tpu.dma_semaphore, #tpu.memory_space<semaphore_mem>>)
      %slice3A_380 = vector.extract_strided_slice %get3A_43 {offsets = [6], sizes = [1], strides = [1]} : vector<16xi32> to vector<1xi32>
      %squeeze3A_381 = vector.extract %slice3A_380[0] : i32 from vector<1xi32>
      %add3A_382 = arith.constant 384 : i32
      %add3A_383 = arith.addi %add3A_382, %add3A_345 : i32
      %dma_start3A_384 = arith.constant 0 : i32
      %dma_start3A_385 = tpu.memref_slice %arg14[%add3A_383, %dma_start3A_384] : memref<512x64xf32, #tpu.memory_space<vmem>> -> memref<1x64xf32, #tpu.memory_space<vmem>>
      %dma_start3A_386 = arith.constant 0 : i32
      %dma_start3A_387 = tpu.memref_slice %arg2[%squeeze3A_381, %dma_start3A_386] : memref<1000000x64xf32, #tpu.memory_space<hbm>> -> memref<1x64xf32, #tpu.memory_space<hbm>>
      %dma_start3A_388 = arith.constant 0 : i32
      %dma_start3A_389 = tpu.memref_slice %arg14[%add3A_383, %dma_start3A_388] : memref<512x64xf32, #tpu.memory_space<vmem>> -> memref<1x64xf32, #tpu.memory_space<vmem>>
      %dma_start3A_390 = arith.constant 0 : i32
      %dma_start3A_391 = tpu.memref_slice %arg2[%squeeze3A_381, %dma_start3A_390] : memref<1000000x64xf32, #tpu.memory_space<hbm>> -> memref<1x64xf32, #tpu.memory_space<hbm>>
      tpu.enqueue_dma source(%dma_start3A_391 : memref<1x64xf32, #tpu.memory_space<hbm>>) target(%dma_start3A_389 : memref<1x64xf32, #tpu.memory_space<vmem>>) target_semaphore(%arg19 : memref<!tpu.dma_semaphore, #tpu.memory_space<semaphore_mem>>)
      %mul3A_392 = arith.constant 16 : i32
      %mul3A_393 = arith.muli %scan3A_34, %mul3A_392 : i32
      %add3A_394 = arith.constant 7 : i32
      %add3A_395 = arith.addi %mul3A_393, %add3A_394 : i32
      %slice3A_396 = vector.extract_strided_slice %get3A_37 {offsets = [7], sizes = [1], strides = [1]} : vector<16xi32> to vector<1xi32>
      %squeeze3A_397 = vector.extract %slice3A_396[0] : i32 from vector<1xi32>
      %dma_start3A_398 = arith.constant 0 : i32
      %dma_start3A_399 = tpu.memref_slice %arg14[%add3A_395, %dma_start3A_398] : memref<512x64xf32, #tpu.memory_space<vmem>> -> memref<1x64xf32, #tpu.memory_space<vmem>>
      %dma_start3A_400 = arith.constant 0 : i32
      %dma_start3A_401 = tpu.memref_slice %arg2[%squeeze3A_397, %dma_start3A_400] : memref<1000000x64xf32, #tpu.memory_space<hbm>> -> memref<1x64xf32, #tpu.memory_space<hbm>>
      %dma_start3A_402 = arith.constant 0 : i32
      %dma_start3A_403 = tpu.memref_slice %arg14[%add3A_395, %dma_start3A_402] : memref<512x64xf32, #tpu.memory_space<vmem>> -> memref<1x64xf32, #tpu.memory_space<vmem>>
      %dma_start3A_404 = arith.constant 0 : i32
      %dma_start3A_405 = tpu.memref_slice %arg2[%squeeze3A_397, %dma_start3A_404] : memref<1000000x64xf32, #tpu.memory_space<hbm>> -> memref<1x64xf32, #tpu.memory_space<hbm>>
      tpu.enqueue_dma source(%dma_start3A_405 : memref<1x64xf32, #tpu.memory_space<hbm>>) target(%dma_start3A_403 : memref<1x64xf32, #tpu.memory_space<vmem>>) target_semaphore(%arg19 : memref<!tpu.dma_semaphore, #tpu.memory_space<semaphore_mem>>)
      %slice3A_406 = vector.extract_strided_slice %get3A_39 {offsets = [7], sizes = [1], strides = [1]} : vector<16xi32> to vector<1xi32>
      %squeeze3A_407 = vector.extract %slice3A_406[0] : i32 from vector<1xi32>
      %add3A_408 = arith.constant 128 : i32
      %add3A_409 = arith.addi %add3A_408, %add3A_395 : i32
      %dma_start3A_410 = arith.constant 0 : i32
      %dma_start3A_411 = tpu.memref_slice %arg14[%add3A_409, %dma_start3A_410] : memref<512x64xf32, #tpu.memory_space<vmem>> -> memref<1x64xf32, #tpu.memory_space<vmem>>
      %dma_start3A_412 = arith.constant 0 : i32
      %dma_start3A_413 = tpu.memref_slice %arg2[%squeeze3A_407, %dma_start3A_412] : memref<1000000x64xf32, #tpu.memory_space<hbm>> -> memref<1x64xf32, #tpu.memory_space<hbm>>
      %dma_start3A_414 = arith.constant 0 : i32
      %dma_start3A_415 = tpu.memref_slice %arg14[%add3A_409, %dma_start3A_414] : memref<512x64xf32, #tpu.memory_space<vmem>> -> memref<1x64xf32, #tpu.memory_space<vmem>>
      %dma_start3A_416 = arith.constant 0 : i32
      %dma_start3A_417 = tpu.memref_slice %arg2[%squeeze3A_407, %dma_start3A_416] : memref<1000000x64xf32, #tpu.memory_space<hbm>> -> memref<1x64xf32, #tpu.memory_space<hbm>>
      tpu.enqueue_dma source(%dma_start3A_417 : memref<1x64xf32, #tpu.memory_space<hbm>>) target(%dma_start3A_415 : memref<1x64xf32, #tpu.memory_space<vmem>>) target_semaphore(%arg19 : memref<!tpu.dma_semaphore, #tpu.memory_space<semaphore_mem>>)
      %slice3A_418 = vector.extract_strided_slice %get3A_41 {offsets = [7], sizes = [1], strides = [1]} : vector<16xi32> to vector<1xi32>
      %squeeze3A_419 = vector.extract %slice3A_418[0] : i32 from vector<1xi32>
      %add3A_420 = arith.constant 256 : i32
      %add3A_421 = arith.addi %add3A_420, %add3A_395 : i32
      %dma_start3A_422 = arith.constant 0 : i32
      %dma_start3A_423 = tpu.memref_slice %arg14[%add3A_421, %dma_start3A_422] : memref<512x64xf32, #tpu.memory_space<vmem>> -> memref<1x64xf32, #tpu.memory_space<vmem>>
      %dma_start3A_424 = arith.constant 0 : i32
      %dma_start3A_425 = tpu.memref_slice %arg2[%squeeze3A_419, %dma_start3A_424] : memref<1000000x64xf32, #tpu.memory_space<hbm>> -> memref<1x64xf32, #tpu.memory_space<hbm>>
      %dma_start3A_426 = arith.constant 0 : i32
      %dma_start3A_427 = tpu.memref_slice %arg14[%add3A_421, %dma_start3A_426] : memref<512x64xf32, #tpu.memory_space<vmem>> -> memref<1x64xf32, #tpu.memory_space<vmem>>
      %dma_start3A_428 = arith.constant 0 : i32
      %dma_start3A_429 = tpu.memref_slice %arg2[%squeeze3A_419, %dma_start3A_428] : memref<1000000x64xf32, #tpu.memory_space<hbm>> -> memref<1x64xf32, #tpu.memory_space<hbm>>
      tpu.enqueue_dma source(%dma_start3A_429 : memref<1x64xf32, #tpu.memory_space<hbm>>) target(%dma_start3A_427 : memref<1x64xf32, #tpu.memory_space<vmem>>) target_semaphore(%arg19 : memref<!tpu.dma_semaphore, #tpu.memory_space<semaphore_mem>>)
      %slice3A_430 = vector.extract_strided_slice %get3A_43 {offsets = [7], sizes = [1], strides = [1]} : vector<16xi32> to vector<1xi32>
      %squeeze3A_431 = vector.extract %slice3A_430[0] : i32 from vector<1xi32>
      %add3A_432 = arith.constant 384 : i32
      %add3A_433 = arith.addi %add3A_432, %add3A_395 : i32
      %dma_start3A_434 = arith.constant 0 : i32
      %dma_start3A_435 = tpu.memref_slice %arg14[%add3A_433, %dma_start3A_434] : memref<512x64xf32, #tpu.memory_space<vmem>> -> memref<1x64xf32, #tpu.memory_space<vmem>>
      %dma_start3A_436 = arith.constant 0 : i32
      %dma_start3A_437 = tpu.memref_slice %arg2[%squeeze3A_431, %dma_start3A_436] : memref<1000000x64xf32, #tpu.memory_space<hbm>> -> memref<1x64xf32, #tpu.memory_space<hbm>>
      %dma_start3A_438 = arith.constant 0 : i32
      %dma_start3A_439 = tpu.memref_slice %arg14[%add3A_433, %dma_start3A_438] : memref<512x64xf32, #tpu.memory_space<vmem>> -> memref<1x64xf32, #tpu.memory_space<vmem>>
      %dma_start3A_440 = arith.constant 0 : i32
      %dma_start3A_441 = tpu.memref_slice %arg2[%squeeze3A_431, %dma_start3A_440] : memref<1000000x64xf32, #tpu.memory_space<hbm>> -> memref<1x64xf32, #tpu.memory_space<hbm>>
      tpu.enqueue_dma source(%dma_start3A_441 : memref<1x64xf32, #tpu.memory_space<hbm>>) target(%dma_start3A_439 : memref<1x64xf32, #tpu.memory_space<vmem>>) target_semaphore(%arg19 : memref<!tpu.dma_semaphore, #tpu.memory_space<semaphore_mem>>)
      %mul3A_442 = arith.constant 16 : i32
      %mul3A_443 = arith.muli %scan3A_34, %mul3A_442 : i32
      %add3A_444 = arith.constant 8 : i32
      %add3A_445 = arith.addi %mul3A_443, %add3A_444 : i32
      %slice3A_446 = vector.extract_strided_slice %get3A_37 {offsets = [8], sizes = [1], strides = [1]} : vector<16xi32> to vector<1xi32>
      %squeeze3A_447 = vector.extract %slice3A_446[0] : i32 from vector<1xi32>
      %dma_start3A_448 = arith.constant 0 : i32
      %dma_start3A_449 = tpu.memref_slice %arg14[%add3A_445, %dma_start3A_448] : memref<512x64xf32, #tpu.memory_space<vmem>> -> memref<1x64xf32, #tpu.memory_space<vmem>>
      %dma_start3A_450 = arith.constant 0 : i32
      %dma_start3A_451 = tpu.memref_slice %arg2[%squeeze3A_447, %dma_start3A_450] : memref<1000000x64xf32, #tpu.memory_space<hbm>> -> memref<1x64xf32, #tpu.memory_space<hbm>>
      %dma_start3A_452 = arith.constant 0 : i32
      %dma_start3A_453 = tpu.memref_slice %arg14[%add3A_445, %dma_start3A_452] : memref<512x64xf32, #tpu.memory_space<vmem>> -> memref<1x64xf32, #tpu.memory_space<vmem>>
      %dma_start3A_454 = arith.constant 0 : i32
      %dma_start3A_455 = tpu.memref_slice %arg2[%squeeze3A_447, %dma_start3A_454] : memref<1000000x64xf32, #tpu.memory_space<hbm>> -> memref<1x64xf32, #tpu.memory_space<hbm>>
      tpu.enqueue_dma source(%dma_start3A_455 : memref<1x64xf32, #tpu.memory_space<hbm>>) target(%dma_start3A_453 : memref<1x64xf32, #tpu.memory_space<vmem>>) target_semaphore(%arg19 : memref<!tpu.dma_semaphore, #tpu.memory_space<semaphore_mem>>)
      %slice3A_456 = vector.extract_strided_slice %get3A_39 {offsets = [8], sizes = [1], strides = [1]} : vector<16xi32> to vector<1xi32>
      %squeeze3A_457 = vector.extract %slice3A_456[0] : i32 from vector<1xi32>
      %add3A_458 = arith.constant 128 : i32
      %add3A_459 = arith.addi %add3A_458, %add3A_445 : i32
      %dma_start3A_460 = arith.constant 0 : i32
      %dma_start3A_461 = tpu.memref_slice %arg14[%add3A_459, %dma_start3A_460] : memref<512x64xf32, #tpu.memory_space<vmem>> -> memref<1x64xf32, #tpu.memory_space<vmem>>
      %dma_start3A_462 = arith.constant 0 : i32
      %dma_start3A_463 = tpu.memref_slice %arg2[%squeeze3A_457, %dma_start3A_462] : memref<1000000x64xf32, #tpu.memory_space<hbm>> -> memref<1x64xf32, #tpu.memory_space<hbm>>
      %dma_start3A_464 = arith.constant 0 : i32
      %dma_start3A_465 = tpu.memref_slice %arg14[%add3A_459, %dma_start3A_464] : memref<512x64xf32, #tpu.memory_space<vmem>> -> memref<1x64xf32, #tpu.memory_space<vmem>>
      %dma_start3A_466 = arith.constant 0 : i32
      %dma_start3A_467 = tpu.memref_slice %arg2[%squeeze3A_457, %dma_start3A_466] : memref<1000000x64xf32, #tpu.memory_space<hbm>> -> memref<1x64xf32, #tpu.memory_space<hbm>>
      tpu.enqueue_dma source(%dma_start3A_467 : memref<1x64xf32, #tpu.memory_space<hbm>>) target(%dma_start3A_465 : memref<1x64xf32, #tpu.memory_space<vmem>>) target_semaphore(%arg19 : memref<!tpu.dma_semaphore, #tpu.memory_space<semaphore_mem>>)
      %slice3A_468 = vector.extract_strided_slice %get3A_41 {offsets = [8], sizes = [1], strides = [1]} : vector<16xi32> to vector<1xi32>
      %squeeze3A_469 = vector.extract %slice3A_468[0] : i32 from vector<1xi32>
      %add3A_470 = arith.constant 256 : i32
      %add3A_471 = arith.addi %add3A_470, %add3A_445 : i32
      %dma_start3A_472 = arith.constant 0 : i32
      %dma_start3A_473 = tpu.memref_slice %arg14[%add3A_471, %dma_start3A_472] : memref<512x64xf32, #tpu.memory_space<vmem>> -> memref<1x64xf32, #tpu.memory_space<vmem>>
      %dma_start3A_474 = arith.constant 0 : i32
      %dma_start3A_475 = tpu.memref_slice %arg2[%squeeze3A_469, %dma_start3A_474] : memref<1000000x64xf32, #tpu.memory_space<hbm>> -> memref<1x64xf32, #tpu.memory_space<hbm>>
      %dma_start3A_476 = arith.constant 0 : i32
      %dma_start3A_477 = tpu.memref_slice %arg14[%add3A_471, %dma_start3A_476] : memref<512x64xf32, #tpu.memory_space<vmem>> -> memref<1x64xf32, #tpu.memory_space<vmem>>
      %dma_start3A_478 = arith.constant 0 : i32
      %dma_start3A_479 = tpu.memref_slice %arg2[%squeeze3A_469, %dma_start3A_478] : memref<1000000x64xf32, #tpu.memory_space<hbm>> -> memref<1x64xf32, #tpu.memory_space<hbm>>
      tpu.enqueue_dma source(%dma_start3A_479 : memref<1x64xf32, #tpu.memory_space<hbm>>) target(%dma_start3A_477 : memref<1x64xf32, #tpu.memory_space<vmem>>) target_semaphore(%arg19 : memref<!tpu.dma_semaphore, #tpu.memory_space<semaphore_mem>>)
      %slice3A_480 = vector.extract_strided_slice %get3A_43 {offsets = [8], sizes = [1], strides = [1]} : vector<16xi32> to vector<1xi32>
      %squeeze3A_481 = vector.extract %slice3A_480[0] : i32 from vector<1xi32>
      %add3A_482 = arith.constant 384 : i32
      %add3A_483 = arith.addi %add3A_482, %add3A_445 : i32
      %dma_start3A_484 = arith.constant 0 : i32
      %dma_start3A_485 = tpu.memref_slice %arg14[%add3A_483, %dma_start3A_484] : memref<512x64xf32, #tpu.memory_space<vmem>> -> memref<1x64xf32, #tpu.memory_space<vmem>>
      %dma_start3A_486 = arith.constant 0 : i32
      %dma_start3A_487 = tpu.memref_slice %arg2[%squeeze3A_481, %dma_start3A_486] : memref<1000000x64xf32, #tpu.memory_space<hbm>> -> memref<1x64xf32, #tpu.memory_space<hbm>>
      %dma_start3A_488 = arith.constant 0 : i32
      %dma_start3A_489 = tpu.memref_slice %arg14[%add3A_483, %dma_start3A_488] : memref<512x64xf32, #tpu.memory_space<vmem>> -> memref<1x64xf32, #tpu.memory_space<vmem>>
      %dma_start3A_490 = arith.constant 0 : i32
      %dma_start3A_491 = tpu.memref_slice %arg2[%squeeze3A_481, %dma_start3A_490] : memref<1000000x64xf32, #tpu.memory_space<hbm>> -> memref<1x64xf32, #tpu.memory_space<hbm>>
      tpu.enqueue_dma source(%dma_start3A_491 : memref<1x64xf32, #tpu.memory_space<hbm>>) target(%dma_start3A_489 : memref<1x64xf32, #tpu.memory_space<vmem>>) target_semaphore(%arg19 : memref<!tpu.dma_semaphore, #tpu.memory_space<semaphore_mem>>)
      %mul3A_492 = arith.constant 16 : i32
      %mul3A_493 = arith.muli %scan3A_34, %mul3A_492 : i32
      %add3A_494 = arith.constant 9 : i32
      %add3A_495 = arith.addi %mul3A_493, %add3A_494 : i32
      %slice3A_496 = vector.extract_strided_slice %get3A_37 {offsets = [9], sizes = [1], strides = [1]} : vector<16xi32> to vector<1xi32>
      %squeeze3A_497 = vector.extract %slice3A_496[0] : i32 from vector<1xi32>
      %dma_start3A_498 = arith.constant 0 : i32
      %dma_start3A_499 = tpu.memref_slice %arg14[%add3A_495, %dma_start3A_498] : memref<512x64xf32, #tpu.memory_space<vmem>> -> memref<1x64xf32, #tpu.memory_space<vmem>>
      %dma_start3A_500 = arith.constant 0 : i32
      %dma_start3A_501 = tpu.memref_slice %arg2[%squeeze3A_497, %dma_start3A_500] : memref<1000000x64xf32, #tpu.memory_space<hbm>> -> memref<1x64xf32, #tpu.memory_space<hbm>>
      %dma_start3A_502 = arith.constant 0 : i32
      %dma_start3A_503 = tpu.memref_slice %arg14[%add3A_495, %dma_start3A_502] : memref<512x64xf32, #tpu.memory_space<vmem>> -> memref<1x64xf32, #tpu.memory_space<vmem>>
      %dma_start3A_504 = arith.constant 0 : i32
      %dma_start3A_505 = tpu.memref_slice %arg2[%squeeze3A_497, %dma_start3A_504] : memref<1000000x64xf32, #tpu.memory_space<hbm>> -> memref<1x64xf32, #tpu.memory_space<hbm>>
      tpu.enqueue_dma source(%dma_start3A_505 : memref<1x64xf32, #tpu.memory_space<hbm>>) target(%dma_start3A_503 : memref<1x64xf32, #tpu.memory_space<vmem>>) target_semaphore(%arg19 : memref<!tpu.dma_semaphore, #tpu.memory_space<semaphore_mem>>)
      %slice3A_506 = vector.extract_strided_slice %get3A_39 {offsets = [9], sizes = [1], strides = [1]} : vector<16xi32> to vector<1xi32>
      %squeeze3A_507 = vector.extract %slice3A_506[0] : i32 from vector<1xi32>
      %add3A_508 = arith.constant 128 : i32
      %add3A_509 = arith.addi %add3A_508, %add3A_495 : i32
      %dma_start3A_510 = arith.constant 0 : i32
      %dma_start3A_511 = tpu.memref_slice %arg14[%add3A_509, %dma_start3A_510] : memref<512x64xf32, #tpu.memory_space<vmem>> -> memref<1x64xf32, #tpu.memory_space<vmem>>
      %dma_start3A_512 = arith.constant 0 : i32
      %dma_start3A_513 = tpu.memref_slice %arg2[%squeeze3A_507, %dma_start3A_512] : memref<1000000x64xf32, #tpu.memory_space<hbm>> -> memref<1x64xf32, #tpu.memory_space<hbm>>
      %dma_start3A_514 = arith.constant 0 : i32
      %dma_start3A_515 = tpu.memref_slice %arg14[%add3A_509, %dma_start3A_514] : memref<512x64xf32, #tpu.memory_space<vmem>> -> memref<1x64xf32, #tpu.memory_space<vmem>>
      %dma_start3A_516 = arith.constant 0 : i32
      %dma_start3A_517 = tpu.memref_slice %arg2[%squeeze3A_507, %dma_start3A_516] : memref<1000000x64xf32, #tpu.memory_space<hbm>> -> memref<1x64xf32, #tpu.memory_space<hbm>>
      tpu.enqueue_dma source(%dma_start3A_517 : memref<1x64xf32, #tpu.memory_space<hbm>>) target(%dma_start3A_515 : memref<1x64xf32, #tpu.memory_space<vmem>>) target_semaphore(%arg19 : memref<!tpu.dma_semaphore, #tpu.memory_space<semaphore_mem>>)
      %slice3A_518 = vector.extract_strided_slice %get3A_41 {offsets = [9], sizes = [1], strides = [1]} : vector<16xi32> to vector<1xi32>
      %squeeze3A_519 = vector.extract %slice3A_518[0] : i32 from vector<1xi32>
      %add3A_520 = arith.constant 256 : i32
      %add3A_521 = arith.addi %add3A_520, %add3A_495 : i32
      %dma_start3A_522 = arith.constant 0 : i32
      %dma_start3A_523 = tpu.memref_slice %arg14[%add3A_521, %dma_start3A_522] : memref<512x64xf32, #tpu.memory_space<vmem>> -> memref<1x64xf32, #tpu.memory_space<vmem>>
      %dma_start3A_524 = arith.constant 0 : i32
      %dma_start3A_525 = tpu.memref_slice %arg2[%squeeze3A_519, %dma_start3A_524] : memref<1000000x64xf32, #tpu.memory_space<hbm>> -> memref<1x64xf32, #tpu.memory_space<hbm>>
      %dma_start3A_526 = arith.constant 0 : i32
      %dma_start3A_527 = tpu.memref_slice %arg14[%add3A_521, %dma_start3A_526] : memref<512x64xf32, #tpu.memory_space<vmem>> -> memref<1x64xf32, #tpu.memory_space<vmem>>
      %dma_start3A_528 = arith.constant 0 : i32
      %dma_start3A_529 = tpu.memref_slice %arg2[%squeeze3A_519, %dma_start3A_528] : memref<1000000x64xf32, #tpu.memory_space<hbm>> -> memref<1x64xf32, #tpu.memory_space<hbm>>
      tpu.enqueue_dma source(%dma_start3A_529 : memref<1x64xf32, #tpu.memory_space<hbm>>) target(%dma_start3A_527 : memref<1x64xf32, #tpu.memory_space<vmem>>) target_semaphore(%arg19 : memref<!tpu.dma_semaphore, #tpu.memory_space<semaphore_mem>>)
      %slice3A_530 = vector.extract_strided_slice %get3A_43 {offsets = [9], sizes = [1], strides = [1]} : vector<16xi32> to vector<1xi32>
      %squeeze3A_531 = vector.extract %slice3A_530[0] : i32 from vector<1xi32>
      %add3A_532 = arith.constant 384 : i32
      %add3A_533 = arith.addi %add3A_532, %add3A_495 : i32
      %dma_start3A_534 = arith.constant 0 : i32
      %dma_start3A_535 = tpu.memref_slice %arg14[%add3A_533, %dma_start3A_534] : memref<512x64xf32, #tpu.memory_space<vmem>> -> memref<1x64xf32, #tpu.memory_space<vmem>>
      %dma_start3A_536 = arith.constant 0 : i32
      %dma_start3A_537 = tpu.memref_slice %arg2[%squeeze3A_531, %dma_start3A_536] : memref<1000000x64xf32, #tpu.memory_space<hbm>> -> memref<1x64xf32, #tpu.memory_space<hbm>>
      %dma_start3A_538 = arith.constant 0 : i32
      %dma_start3A_539 = tpu.memref_slice %arg14[%add3A_533, %dma_start3A_538] : memref<512x64xf32, #tpu.memory_space<vmem>> -> memref<1x64xf32, #tpu.memory_space<vmem>>
      %dma_start3A_540 = arith.constant 0 : i32
      %dma_start3A_541 = tpu.memref_slice %arg2[%squeeze3A_531, %dma_start3A_540] : memref<1000000x64xf32, #tpu.memory_space<hbm>> -> memref<1x64xf32, #tpu.memory_space<hbm>>
      tpu.enqueue_dma source(%dma_start3A_541 : memref<1x64xf32, #tpu.memory_space<hbm>>) target(%dma_start3A_539 : memref<1x64xf32, #tpu.memory_space<vmem>>) target_semaphore(%arg19 : memref<!tpu.dma_semaphore, #tpu.memory_space<semaphore_mem>>)
      %mul3A_542 = arith.constant 16 : i32
      %mul3A_543 = arith.muli %scan3A_34, %mul3A_542 : i32
      %add3A_544 = arith.constant 10 : i32
      %add3A_545 = arith.addi %mul3A_543, %add3A_544 : i32
      %slice3A_546 = vector.extract_strided_slice %get3A_37 {offsets = [10], sizes = [1], strides = [1]} : vector<16xi32> to vector<1xi32>
      %squeeze3A_547 = vector.extract %slice3A_546[0] : i32 from vector<1xi32>
      %dma_start3A_548 = arith.constant 0 : i32
      %dma_start3A_549 = tpu.memref_slice %arg14[%add3A_545, %dma_start3A_548] : memref<512x64xf32, #tpu.memory_space<vmem>> -> memref<1x64xf32, #tpu.memory_space<vmem>>
      %dma_start3A_550 = arith.constant 0 : i32
      %dma_start3A_551 = tpu.memref_slice %arg2[%squeeze3A_547, %dma_start3A_550] : memref<1000000x64xf32, #tpu.memory_space<hbm>> -> memref<1x64xf32, #tpu.memory_space<hbm>>
      %dma_start3A_552 = arith.constant 0 : i32
      %dma_start3A_553 = tpu.memref_slice %arg14[%add3A_545, %dma_start3A_552] : memref<512x64xf32, #tpu.memory_space<vmem>> -> memref<1x64xf32, #tpu.memory_space<vmem>>
      %dma_start3A_554 = arith.constant 0 : i32
      %dma_start3A_555 = tpu.memref_slice %arg2[%squeeze3A_547, %dma_start3A_554] : memref<1000000x64xf32, #tpu.memory_space<hbm>> -> memref<1x64xf32, #tpu.memory_space<hbm>>
      tpu.enqueue_dma source(%dma_start3A_555 : memref<1x64xf32, #tpu.memory_space<hbm>>) target(%dma_start3A_553 : memref<1x64xf32, #tpu.memory_space<vmem>>) target_semaphore(%arg19 : memref<!tpu.dma_semaphore, #tpu.memory_space<semaphore_mem>>)
      %slice3A_556 = vector.extract_strided_slice %get3A_39 {offsets = [10], sizes = [1], strides = [1]} : vector<16xi32> to vector<1xi32>
      %squeeze3A_557 = vector.extract %slice3A_556[0] : i32 from vector<1xi32>
      %add3A_558 = arith.constant 128 : i32
      %add3A_559 = arith.addi %add3A_558, %add3A_545 : i32
      %dma_start3A_560 = arith.constant 0 : i32
      %dma_start3A_561 = tpu.memref_slice %arg14[%add3A_559, %dma_start3A_560] : memref<512x64xf32, #tpu.memory_space<vmem>> -> memref<1x64xf32, #tpu.memory_space<vmem>>
      %dma_start3A_562 = arith.constant 0 : i32
      %dma_start3A_563 = tpu.memref_slice %arg2[%squeeze3A_557, %dma_start3A_562] : memref<1000000x64xf32, #tpu.memory_space<hbm>> -> memref<1x64xf32, #tpu.memory_space<hbm>>
      %dma_start3A_564 = arith.constant 0 : i32
      %dma_start3A_565 = tpu.memref_slice %arg14[%add3A_559, %dma_start3A_564] : memref<512x64xf32, #tpu.memory_space<vmem>> -> memref<1x64xf32, #tpu.memory_space<vmem>>
      %dma_start3A_566 = arith.constant 0 : i32
      %dma_start3A_567 = tpu.memref_slice %arg2[%squeeze3A_557, %dma_start3A_566] : memref<1000000x64xf32, #tpu.memory_space<hbm>> -> memref<1x64xf32, #tpu.memory_space<hbm>>
      tpu.enqueue_dma source(%dma_start3A_567 : memref<1x64xf32, #tpu.memory_space<hbm>>) target(%dma_start3A_565 : memref<1x64xf32, #tpu.memory_space<vmem>>) target_semaphore(%arg19 : memref<!tpu.dma_semaphore, #tpu.memory_space<semaphore_mem>>)
      %slice3A_568 = vector.extract_strided_slice %get3A_41 {offsets = [10], sizes = [1], strides = [1]} : vector<16xi32> to vector<1xi32>
      %squeeze3A_569 = vector.extract %slice3A_568[0] : i32 from vector<1xi32>
      %add3A_570 = arith.constant 256 : i32
      %add3A_571 = arith.addi %add3A_570, %add3A_545 : i32
      %dma_start3A_572 = arith.constant 0 : i32
      %dma_start3A_573 = tpu.memref_slice %arg14[%add3A_571, %dma_start3A_572] : memref<512x64xf32, #tpu.memory_space<vmem>> -> memref<1x64xf32, #tpu.memory_space<vmem>>
      %dma_start3A_574 = arith.constant 0 : i32
      %dma_start3A_575 = tpu.memref_slice %arg2[%squeeze3A_569, %dma_start3A_574] : memref<1000000x64xf32, #tpu.memory_space<hbm>> -> memref<1x64xf32, #tpu.memory_space<hbm>>
      %dma_start3A_576 = arith.constant 0 : i32
      %dma_start3A_577 = tpu.memref_slice %arg14[%add3A_571, %dma_start3A_576] : memref<512x64xf32, #tpu.memory_space<vmem>> -> memref<1x64xf32, #tpu.memory_space<vmem>>
      %dma_start3A_578 = arith.constant 0 : i32
      %dma_start3A_579 = tpu.memref_slice %arg2[%squeeze3A_569, %dma_start3A_578] : memref<1000000x64xf32, #tpu.memory_space<hbm>> -> memref<1x64xf32, #tpu.memory_space<hbm>>
      tpu.enqueue_dma source(%dma_start3A_579 : memref<1x64xf32, #tpu.memory_space<hbm>>) target(%dma_start3A_577 : memref<1x64xf32, #tpu.memory_space<vmem>>) target_semaphore(%arg19 : memref<!tpu.dma_semaphore, #tpu.memory_space<semaphore_mem>>)
      %slice3A_580 = vector.extract_strided_slice %get3A_43 {offsets = [10], sizes = [1], strides = [1]} : vector<16xi32> to vector<1xi32>
      %squeeze3A_581 = vector.extract %slice3A_580[0] : i32 from vector<1xi32>
      %add3A_582 = arith.constant 384 : i32
      %add3A_583 = arith.addi %add3A_582, %add3A_545 : i32
      %dma_start3A_584 = arith.constant 0 : i32
      %dma_start3A_585 = tpu.memref_slice %arg14[%add3A_583, %dma_start3A_584] : memref<512x64xf32, #tpu.memory_space<vmem>> -> memref<1x64xf32, #tpu.memory_space<vmem>>
      %dma_start3A_586 = arith.constant 0 : i32
      %dma_start3A_587 = tpu.memref_slice %arg2[%squeeze3A_581, %dma_start3A_586] : memref<1000000x64xf32, #tpu.memory_space<hbm>> -> memref<1x64xf32, #tpu.memory_space<hbm>>
      %dma_start3A_588 = arith.constant 0 : i32
      %dma_start3A_589 = tpu.memref_slice %arg14[%add3A_583, %dma_start3A_588] : memref<512x64xf32, #tpu.memory_space<vmem>> -> memref<1x64xf32, #tpu.memory_space<vmem>>
      %dma_start3A_590 = arith.constant 0 : i32
      %dma_start3A_591 = tpu.memref_slice %arg2[%squeeze3A_581, %dma_start3A_590] : memref<1000000x64xf32, #tpu.memory_space<hbm>> -> memref<1x64xf32, #tpu.memory_space<hbm>>
      tpu.enqueue_dma source(%dma_start3A_591 : memref<1x64xf32, #tpu.memory_space<hbm>>) target(%dma_start3A_589 : memref<1x64xf32, #tpu.memory_space<vmem>>) target_semaphore(%arg19 : memref<!tpu.dma_semaphore, #tpu.memory_space<semaphore_mem>>)
      %mul3A_592 = arith.constant 16 : i32
      %mul3A_593 = arith.muli %scan3A_34, %mul3A_592 : i32
      %add3A_594 = arith.constant 11 : i32
      %add3A_595 = arith.addi %mul3A_593, %add3A_594 : i32
      %slice3A_596 = vector.extract_strided_slice %get3A_37 {offsets = [11], sizes = [1], strides = [1]} : vector<16xi32> to vector<1xi32>
      %squeeze3A_597 = vector.extract %slice3A_596[0] : i32 from vector<1xi32>
      %dma_start3A_598 = arith.constant 0 : i32
      %dma_start3A_599 = tpu.memref_slice %arg14[%add3A_595, %dma_start3A_598] : memref<512x64xf32, #tpu.memory_space<vmem>> -> memref<1x64xf32, #tpu.memory_space<vmem>>
      %dma_start3A_600 = arith.constant 0 : i32
      %dma_start3A_601 = tpu.memref_slice %arg2[%squeeze3A_597, %dma_start3A_600] : memref<1000000x64xf32, #tpu.memory_space<hbm>> -> memref<1x64xf32, #tpu.memory_space<hbm>>
      %dma_start3A_602 = arith.constant 0 : i32
      %dma_start3A_603 = tpu.memref_slice %arg14[%add3A_595, %dma_start3A_602] : memref<512x64xf32, #tpu.memory_space<vmem>> -> memref<1x64xf32, #tpu.memory_space<vmem>>
      %dma_start3A_604 = arith.constant 0 : i32
      %dma_start3A_605 = tpu.memref_slice %arg2[%squeeze3A_597, %dma_start3A_604] : memref<1000000x64xf32, #tpu.memory_space<hbm>> -> memref<1x64xf32, #tpu.memory_space<hbm>>
      tpu.enqueue_dma source(%dma_start3A_605 : memref<1x64xf32, #tpu.memory_space<hbm>>) target(%dma_start3A_603 : memref<1x64xf32, #tpu.memory_space<vmem>>) target_semaphore(%arg19 : memref<!tpu.dma_semaphore, #tpu.memory_space<semaphore_mem>>)
      %slice3A_606 = vector.extract_strided_slice %get3A_39 {offsets = [11], sizes = [1], strides = [1]} : vector<16xi32> to vector<1xi32>
      %squeeze3A_607 = vector.extract %slice3A_606[0] : i32 from vector<1xi32>
      %add3A_608 = arith.constant 128 : i32
      %add3A_609 = arith.addi %add3A_608, %add3A_595 : i32
      %dma_start3A_610 = arith.constant 0 : i32
      %dma_start3A_611 = tpu.memref_slice %arg14[%add3A_609, %dma_start3A_610] : memref<512x64xf32, #tpu.memory_space<vmem>> -> memref<1x64xf32, #tpu.memory_space<vmem>>
      %dma_start3A_612 = arith.constant 0 : i32
      %dma_start3A_613 = tpu.memref_slice %arg2[%squeeze3A_607, %dma_start3A_612] : memref<1000000x64xf32, #tpu.memory_space<hbm>> -> memref<1x64xf32, #tpu.memory_space<hbm>>
      %dma_start3A_614 = arith.constant 0 : i32
      %dma_start3A_615 = tpu.memref_slice %arg14[%add3A_609, %dma_start3A_614] : memref<512x64xf32, #tpu.memory_space<vmem>> -> memref<1x64xf32, #tpu.memory_space<vmem>>
      %dma_start3A_616 = arith.constant 0 : i32
      %dma_start3A_617 = tpu.memref_slice %arg2[%squeeze3A_607, %dma_start3A_616] : memref<1000000x64xf32, #tpu.memory_space<hbm>> -> memref<1x64xf32, #tpu.memory_space<hbm>>
      tpu.enqueue_dma source(%dma_start3A_617 : memref<1x64xf32, #tpu.memory_space<hbm>>) target(%dma_start3A_615 : memref<1x64xf32, #tpu.memory_space<vmem>>) target_semaphore(%arg19 : memref<!tpu.dma_semaphore, #tpu.memory_space<semaphore_mem>>)
      %slice3A_618 = vector.extract_strided_slice %get3A_41 {offsets = [11], sizes = [1], strides = [1]} : vector<16xi32> to vector<1xi32>
      %squeeze3A_619 = vector.extract %slice3A_618[0] : i32 from vector<1xi32>
      %add3A_620 = arith.constant 256 : i32
      %add3A_621 = arith.addi %add3A_620, %add3A_595 : i32
      %dma_start3A_622 = arith.constant 0 : i32
      %dma_start3A_623 = tpu.memref_slice %arg14[%add3A_621, %dma_start3A_622] : memref<512x64xf32, #tpu.memory_space<vmem>> -> memref<1x64xf32, #tpu.memory_space<vmem>>
      %dma_start3A_624 = arith.constant 0 : i32
      %dma_start3A_625 = tpu.memref_slice %arg2[%squeeze3A_619, %dma_start3A_624] : memref<1000000x64xf32, #tpu.memory_space<hbm>> -> memref<1x64xf32, #tpu.memory_space<hbm>>
      %dma_start3A_626 = arith.constant 0 : i32
      %dma_start3A_627 = tpu.memref_slice %arg14[%add3A_621, %dma_start3A_626] : memref<512x64xf32, #tpu.memory_space<vmem>> -> memref<1x64xf32, #tpu.memory_space<vmem>>
      %dma_start3A_628 = arith.constant 0 : i32
      %dma_start3A_629 = tpu.memref_slice %arg2[%squeeze3A_619, %dma_start3A_628] : memref<1000000x64xf32, #tpu.memory_space<hbm>> -> memref<1x64xf32, #tpu.memory_space<hbm>>
      tpu.enqueue_dma source(%dma_start3A_629 : memref<1x64xf32, #tpu.memory_space<hbm>>) target(%dma_start3A_627 : memref<1x64xf32, #tpu.memory_space<vmem>>) target_semaphore(%arg19 : memref<!tpu.dma_semaphore, #tpu.memory_space<semaphore_mem>>)
      %slice3A_630 = vector.extract_strided_slice %get3A_43 {offsets = [11], sizes = [1], strides = [1]} : vector<16xi32> to vector<1xi32>
      %squeeze3A_631 = vector.extract %slice3A_630[0] : i32 from vector<1xi32>
      %add3A_632 = arith.constant 384 : i32
      %add3A_633 = arith.addi %add3A_632, %add3A_595 : i32
      %dma_start3A_634 = arith.constant 0 : i32
      %dma_start3A_635 = tpu.memref_slice %arg14[%add3A_633, %dma_start3A_634] : memref<512x64xf32, #tpu.memory_space<vmem>> -> memref<1x64xf32, #tpu.memory_space<vmem>>
      %dma_start3A_636 = arith.constant 0 : i32
      %dma_start3A_637 = tpu.memref_slice %arg2[%squeeze3A_631, %dma_start3A_636] : memref<1000000x64xf32, #tpu.memory_space<hbm>> -> memref<1x64xf32, #tpu.memory_space<hbm>>
      %dma_start3A_638 = arith.constant 0 : i32
      %dma_start3A_639 = tpu.memref_slice %arg14[%add3A_633, %dma_start3A_638] : memref<512x64xf32, #tpu.memory_space<vmem>> -> memref<1x64xf32, #tpu.memory_space<vmem>>
      %dma_start3A_640 = arith.constant 0 : i32
      %dma_start3A_641 = tpu.memref_slice %arg2[%squeeze3A_631, %dma_start3A_640] : memref<1000000x64xf32, #tpu.memory_space<hbm>> -> memref<1x64xf32, #tpu.memory_space<hbm>>
      tpu.enqueue_dma source(%dma_start3A_641 : memref<1x64xf32, #tpu.memory_space<hbm>>) target(%dma_start3A_639 : memref<1x64xf32, #tpu.memory_space<vmem>>) target_semaphore(%arg19 : memref<!tpu.dma_semaphore, #tpu.memory_space<semaphore_mem>>)
      %mul3A_642 = arith.constant 16 : i32
      %mul3A_643 = arith.muli %scan3A_34, %mul3A_642 : i32
      %add3A_644 = arith.constant 12 : i32
      %add3A_645 = arith.addi %mul3A_643, %add3A_644 : i32
      %slice3A_646 = vector.extract_strided_slice %get3A_37 {offsets = [12], sizes = [1], strides = [1]} : vector<16xi32> to vector<1xi32>
      %squeeze3A_647 = vector.extract %slice3A_646[0] : i32 from vector<1xi32>
      %dma_start3A_648 = arith.constant 0 : i32
      %dma_start3A_649 = tpu.memref_slice %arg14[%add3A_645, %dma_start3A_648] : memref<512x64xf32, #tpu.memory_space<vmem>> -> memref<1x64xf32, #tpu.memory_space<vmem>>
      %dma_start3A_650 = arith.constant 0 : i32
      %dma_start3A_651 = tpu.memref_slice %arg2[%squeeze3A_647, %dma_start3A_650] : memref<1000000x64xf32, #tpu.memory_space<hbm>> -> memref<1x64xf32, #tpu.memory_space<hbm>>
      %dma_start3A_652 = arith.constant 0 : i32
      %dma_start3A_653 = tpu.memref_slice %arg14[%add3A_645, %dma_start3A_652] : memref<512x64xf32, #tpu.memory_space<vmem>> -> memref<1x64xf32, #tpu.memory_space<vmem>>
      %dma_start3A_654 = arith.constant 0 : i32
      %dma_start3A_655 = tpu.memref_slice %arg2[%squeeze3A_647, %dma_start3A_654] : memref<1000000x64xf32, #tpu.memory_space<hbm>> -> memref<1x64xf32, #tpu.memory_space<hbm>>
      tpu.enqueue_dma source(%dma_start3A_655 : memref<1x64xf32, #tpu.memory_space<hbm>>) target(%dma_start3A_653 : memref<1x64xf32, #tpu.memory_space<vmem>>) target_semaphore(%arg19 : memref<!tpu.dma_semaphore, #tpu.memory_space<semaphore_mem>>)
      %slice3A_656 = vector.extract_strided_slice %get3A_39 {offsets = [12], sizes = [1], strides = [1]} : vector<16xi32> to vector<1xi32>
      %squeeze3A_657 = vector.extract %slice3A_656[0] : i32 from vector<1xi32>
      %add3A_658 = arith.constant 128 : i32
      %add3A_659 = arith.addi %add3A_658, %add3A_645 : i32
      %dma_start3A_660 = arith.constant 0 : i32
      %dma_start3A_661 = tpu.memref_slice %arg14[%add3A_659, %dma_start3A_660] : memref<512x64xf32, #tpu.memory_space<vmem>> -> memref<1x64xf32, #tpu.memory_space<vmem>>
      %dma_start3A_662 = arith.constant 0 : i32
      %dma_start3A_663 = tpu.memref_slice %arg2[%squeeze3A_657, %dma_start3A_662] : memref<1000000x64xf32, #tpu.memory_space<hbm>> -> memref<1x64xf32, #tpu.memory_space<hbm>>
      %dma_start3A_664 = arith.constant 0 : i32
      %dma_start3A_665 = tpu.memref_slice %arg14[%add3A_659, %dma_start3A_664] : memref<512x64xf32, #tpu.memory_space<vmem>> -> memref<1x64xf32, #tpu.memory_space<vmem>>
      %dma_start3A_666 = arith.constant 0 : i32
      %dma_start3A_667 = tpu.memref_slice %arg2[%squeeze3A_657, %dma_start3A_666] : memref<1000000x64xf32, #tpu.memory_space<hbm>> -> memref<1x64xf32, #tpu.memory_space<hbm>>
      tpu.enqueue_dma source(%dma_start3A_667 : memref<1x64xf32, #tpu.memory_space<hbm>>) target(%dma_start3A_665 : memref<1x64xf32, #tpu.memory_space<vmem>>) target_semaphore(%arg19 : memref<!tpu.dma_semaphore, #tpu.memory_space<semaphore_mem>>)
      %slice3A_668 = vector.extract_strided_slice %get3A_41 {offsets = [12], sizes = [1], strides = [1]} : vector<16xi32> to vector<1xi32>
      %squeeze3A_669 = vector.extract %slice3A_668[0] : i32 from vector<1xi32>
      %add3A_670 = arith.constant 256 : i32
      %add3A_671 = arith.addi %add3A_670, %add3A_645 : i32
      %dma_start3A_672 = arith.constant 0 : i32
      %dma_start3A_673 = tpu.memref_slice %arg14[%add3A_671, %dma_start3A_672] : memref<512x64xf32, #tpu.memory_space<vmem>> -> memref<1x64xf32, #tpu.memory_space<vmem>>
      %dma_start3A_674 = arith.constant 0 : i32
      %dma_start3A_675 = tpu.memref_slice %arg2[%squeeze3A_669, %dma_start3A_674] : memref<1000000x64xf32, #tpu.memory_space<hbm>> -> memref<1x64xf32, #tpu.memory_space<hbm>>
      %dma_start3A_676 = arith.constant 0 : i32
      %dma_start3A_677 = tpu.memref_slice %arg14[%add3A_671, %dma_start3A_676] : memref<512x64xf32, #tpu.memory_space<vmem>> -> memref<1x64xf32, #tpu.memory_space<vmem>>
      %dma_start3A_678 = arith.constant 0 : i32
      %dma_start3A_679 = tpu.memref_slice %arg2[%squeeze3A_669, %dma_start3A_678] : memref<1000000x64xf32, #tpu.memory_space<hbm>> -> memref<1x64xf32, #tpu.memory_space<hbm>>
      tpu.enqueue_dma source(%dma_start3A_679 : memref<1x64xf32, #tpu.memory_space<hbm>>) target(%dma_start3A_677 : memref<1x64xf32, #tpu.memory_space<vmem>>) target_semaphore(%arg19 : memref<!tpu.dma_semaphore, #tpu.memory_space<semaphore_mem>>)
      %slice3A_680 = vector.extract_strided_slice %get3A_43 {offsets = [12], sizes = [1], strides = [1]} : vector<16xi32> to vector<1xi32>
      %squeeze3A_681 = vector.extract %slice3A_680[0] : i32 from vector<1xi32>
      %add3A_682 = arith.constant 384 : i32
      %add3A_683 = arith.addi %add3A_682, %add3A_645 : i32
      %dma_start3A_684 = arith.constant 0 : i32
      %dma_start3A_685 = tpu.memref_slice %arg14[%add3A_683, %dma_start3A_684] : memref<512x64xf32, #tpu.memory_space<vmem>> -> memref<1x64xf32, #tpu.memory_space<vmem>>
      %dma_start3A_686 = arith.constant 0 : i32
      %dma_start3A_687 = tpu.memref_slice %arg2[%squeeze3A_681, %dma_start3A_686] : memref<1000000x64xf32, #tpu.memory_space<hbm>> -> memref<1x64xf32, #tpu.memory_space<hbm>>
      %dma_start3A_688 = arith.constant 0 : i32
      %dma_start3A_689 = tpu.memref_slice %arg14[%add3A_683, %dma_start3A_688] : memref<512x64xf32, #tpu.memory_space<vmem>> -> memref<1x64xf32, #tpu.memory_space<vmem>>
      %dma_start3A_690 = arith.constant 0 : i32
      %dma_start3A_691 = tpu.memref_slice %arg2[%squeeze3A_681, %dma_start3A_690] : memref<1000000x64xf32, #tpu.memory_space<hbm>> -> memref<1x64xf32, #tpu.memory_space<hbm>>
      tpu.enqueue_dma source(%dma_start3A_691 : memref<1x64xf32, #tpu.memory_space<hbm>>) target(%dma_start3A_689 : memref<1x64xf32, #tpu.memory_space<vmem>>) target_semaphore(%arg19 : memref<!tpu.dma_semaphore, #tpu.memory_space<semaphore_mem>>)
      %mul3A_692 = arith.constant 16 : i32
      %mul3A_693 = arith.muli %scan3A_34, %mul3A_692 : i32
      %add3A_694 = arith.constant 13 : i32
      %add3A_695 = arith.addi %mul3A_693, %add3A_694 : i32
      %slice3A_696 = vector.extract_strided_slice %get3A_37 {offsets = [13], sizes = [1], strides = [1]} : vector<16xi32> to vector<1xi32>
      %squeeze3A_697 = vector.extract %slice3A_696[0] : i32 from vector<1xi32>
      %dma_start3A_698 = arith.constant 0 : i32
      %dma_start3A_699 = tpu.memref_slice %arg14[%add3A_695, %dma_start3A_698] : memref<512x64xf32, #tpu.memory_space<vmem>> -> memref<1x64xf32, #tpu.memory_space<vmem>>
      %dma_start3A_700 = arith.constant 0 : i32
      %dma_start3A_701 = tpu.memref_slice %arg2[%squeeze3A_697, %dma_start3A_700] : memref<1000000x64xf32, #tpu.memory_space<hbm>> -> memref<1x64xf32, #tpu.memory_space<hbm>>
      %dma_start3A_702 = arith.constant 0 : i32
      %dma_start3A_703 = tpu.memref_slice %arg14[%add3A_695, %dma_start3A_702] : memref<512x64xf32, #tpu.memory_space<vmem>> -> memref<1x64xf32, #tpu.memory_space<vmem>>
      %dma_start3A_704 = arith.constant 0 : i32
      %dma_start3A_705 = tpu.memref_slice %arg2[%squeeze3A_697, %dma_start3A_704] : memref<1000000x64xf32, #tpu.memory_space<hbm>> -> memref<1x64xf32, #tpu.memory_space<hbm>>
      tpu.enqueue_dma source(%dma_start3A_705 : memref<1x64xf32, #tpu.memory_space<hbm>>) target(%dma_start3A_703 : memref<1x64xf32, #tpu.memory_space<vmem>>) target_semaphore(%arg19 : memref<!tpu.dma_semaphore, #tpu.memory_space<semaphore_mem>>)
      %slice3A_706 = vector.extract_strided_slice %get3A_39 {offsets = [13], sizes = [1], strides = [1]} : vector<16xi32> to vector<1xi32>
      %squeeze3A_707 = vector.extract %slice3A_706[0] : i32 from vector<1xi32>
      %add3A_708 = arith.constant 128 : i32
      %add3A_709 = arith.addi %add3A_708, %add3A_695 : i32
      %dma_start3A_710 = arith.constant 0 : i32
      %dma_start3A_711 = tpu.memref_slice %arg14[%add3A_709, %dma_start3A_710] : memref<512x64xf32, #tpu.memory_space<vmem>> -> memref<1x64xf32, #tpu.memory_space<vmem>>
      %dma_start3A_712 = arith.constant 0 : i32
      %dma_start3A_713 = tpu.memref_slice %arg2[%squeeze3A_707, %dma_start3A_712] : memref<1000000x64xf32, #tpu.memory_space<hbm>> -> memref<1x64xf32, #tpu.memory_space<hbm>>
      %dma_start3A_714 = arith.constant 0 : i32
      %dma_start3A_715 = tpu.memref_slice %arg14[%add3A_709, %dma_start3A_714] : memref<512x64xf32, #tpu.memory_space<vmem>> -> memref<1x64xf32, #tpu.memory_space<vmem>>
      %dma_start3A_716 = arith.constant 0 : i32
      %dma_start3A_717 = tpu.memref_slice %arg2[%squeeze3A_707, %dma_start3A_716] : memref<1000000x64xf32, #tpu.memory_space<hbm>> -> memref<1x64xf32, #tpu.memory_space<hbm>>
      tpu.enqueue_dma source(%dma_start3A_717 : memref<1x64xf32, #tpu.memory_space<hbm>>) target(%dma_start3A_715 : memref<1x64xf32, #tpu.memory_space<vmem>>) target_semaphore(%arg19 : memref<!tpu.dma_semaphore, #tpu.memory_space<semaphore_mem>>)
      %slice3A_718 = vector.extract_strided_slice %get3A_41 {offsets = [13], sizes = [1], strides = [1]} : vector<16xi32> to vector<1xi32>
      %squeeze3A_719 = vector.extract %slice3A_718[0] : i32 from vector<1xi32>
      %add3A_720 = arith.constant 256 : i32
      %add3A_721 = arith.addi %add3A_720, %add3A_695 : i32
      %dma_start3A_722 = arith.constant 0 : i32
      %dma_start3A_723 = tpu.memref_slice %arg14[%add3A_721, %dma_start3A_722] : memref<512x64xf32, #tpu.memory_space<vmem>> -> memref<1x64xf32, #tpu.memory_space<vmem>>
      %dma_start3A_724 = arith.constant 0 : i32
      %dma_start3A_725 = tpu.memref_slice %arg2[%squeeze3A_719, %dma_start3A_724] : memref<1000000x64xf32, #tpu.memory_space<hbm>> -> memref<1x64xf32, #tpu.memory_space<hbm>>
      %dma_start3A_726 = arith.constant 0 : i32
      %dma_start3A_727 = tpu.memref_slice %arg14[%add3A_721, %dma_start3A_726] : memref<512x64xf32, #tpu.memory_space<vmem>> -> memref<1x64xf32, #tpu.memory_space<vmem>>
      %dma_start3A_728 = arith.constant 0 : i32
      %dma_start3A_729 = tpu.memref_slice %arg2[%squeeze3A_719, %dma_start3A_728] : memref<1000000x64xf32, #tpu.memory_space<hbm>> -> memref<1x64xf32, #tpu.memory_space<hbm>>
      tpu.enqueue_dma source(%dma_start3A_729 : memref<1x64xf32, #tpu.memory_space<hbm>>) target(%dma_start3A_727 : memref<1x64xf32, #tpu.memory_space<vmem>>) target_semaphore(%arg19 : memref<!tpu.dma_semaphore, #tpu.memory_space<semaphore_mem>>)
      %slice3A_730 = vector.extract_strided_slice %get3A_43 {offsets = [13], sizes = [1], strides = [1]} : vector<16xi32> to vector<1xi32>
      %squeeze3A_731 = vector.extract %slice3A_730[0] : i32 from vector<1xi32>
      %add3A_732 = arith.constant 384 : i32
      %add3A_733 = arith.addi %add3A_732, %add3A_695 : i32
      %dma_start3A_734 = arith.constant 0 : i32
      %dma_start3A_735 = tpu.memref_slice %arg14[%add3A_733, %dma_start3A_734] : memref<512x64xf32, #tpu.memory_space<vmem>> -> memref<1x64xf32, #tpu.memory_space<vmem>>
      %dma_start3A_736 = arith.constant 0 : i32
      %dma_start3A_737 = tpu.memref_slice %arg2[%squeeze3A_731, %dma_start3A_736] : memref<1000000x64xf32, #tpu.memory_space<hbm>> -> memref<1x64xf32, #tpu.memory_space<hbm>>
      %dma_start3A_738 = arith.constant 0 : i32
      %dma_start3A_739 = tpu.memref_slice %arg14[%add3A_733, %dma_start3A_738] : memref<512x64xf32, #tpu.memory_space<vmem>> -> memref<1x64xf32, #tpu.memory_space<vmem>>
      %dma_start3A_740 = arith.constant 0 : i32
      %dma_start3A_741 = tpu.memref_slice %arg2[%squeeze3A_731, %dma_start3A_740] : memref<1000000x64xf32, #tpu.memory_space<hbm>> -> memref<1x64xf32, #tpu.memory_space<hbm>>
      tpu.enqueue_dma source(%dma_start3A_741 : memref<1x64xf32, #tpu.memory_space<hbm>>) target(%dma_start3A_739 : memref<1x64xf32, #tpu.memory_space<vmem>>) target_semaphore(%arg19 : memref<!tpu.dma_semaphore, #tpu.memory_space<semaphore_mem>>)
      %mul3A_742 = arith.constant 16 : i32
      %mul3A_743 = arith.muli %scan3A_34, %mul3A_742 : i32
      %add3A_744 = arith.constant 14 : i32
      %add3A_745 = arith.addi %mul3A_743, %add3A_744 : i32
      %slice3A_746 = vector.extract_strided_slice %get3A_37 {offsets = [14], sizes = [1], strides = [1]} : vector<16xi32> to vector<1xi32>
      %squeeze3A_747 = vector.extract %slice3A_746[0] : i32 from vector<1xi32>
      %dma_start3A_748 = arith.constant 0 : i32
      %dma_start3A_749 = tpu.memref_slice %arg14[%add3A_745, %dma_start3A_748] : memref<512x64xf32, #tpu.memory_space<vmem>> -> memref<1x64xf32, #tpu.memory_space<vmem>>
      %dma_start3A_750 = arith.constant 0 : i32
      %dma_start3A_751 = tpu.memref_slice %arg2[%squeeze3A_747, %dma_start3A_750] : memref<1000000x64xf32, #tpu.memory_space<hbm>> -> memref<1x64xf32, #tpu.memory_space<hbm>>
      %dma_start3A_752 = arith.constant 0 : i32
      %dma_start3A_753 = tpu.memref_slice %arg14[%add3A_745, %dma_start3A_752] : memref<512x64xf32, #tpu.memory_space<vmem>> -> memref<1x64xf32, #tpu.memory_space<vmem>>
      %dma_start3A_754 = arith.constant 0 : i32
      %dma_start3A_755 = tpu.memref_slice %arg2[%squeeze3A_747, %dma_start3A_754] : memref<1000000x64xf32, #tpu.memory_space<hbm>> -> memref<1x64xf32, #tpu.memory_space<hbm>>
      tpu.enqueue_dma source(%dma_start3A_755 : memref<1x64xf32, #tpu.memory_space<hbm>>) target(%dma_start3A_753 : memref<1x64xf32, #tpu.memory_space<vmem>>) target_semaphore(%arg19 : memref<!tpu.dma_semaphore, #tpu.memory_space<semaphore_mem>>)
      %slice3A_756 = vector.extract_strided_slice %get3A_39 {offsets = [14], sizes = [1], strides = [1]} : vector<16xi32> to vector<1xi32>
      %squeeze3A_757 = vector.extract %slice3A_756[0] : i32 from vector<1xi32>
      %add3A_758 = arith.constant 128 : i32
      %add3A_759 = arith.addi %add3A_758, %add3A_745 : i32
      %dma_start3A_760 = arith.constant 0 : i32
      %dma_start3A_761 = tpu.memref_slice %arg14[%add3A_759, %dma_start3A_760] : memref<512x64xf32, #tpu.memory_space<vmem>> -> memref<1x64xf32, #tpu.memory_space<vmem>>
      %dma_start3A_762 = arith.constant 0 : i32
      %dma_start3A_763 = tpu.memref_slice %arg2[%squeeze3A_757, %dma_start3A_762] : memref<1000000x64xf32, #tpu.memory_space<hbm>> -> memref<1x64xf32, #tpu.memory_space<hbm>>
      %dma_start3A_764 = arith.constant 0 : i32
      %dma_start3A_765 = tpu.memref_slice %arg14[%add3A_759, %dma_start3A_764] : memref<512x64xf32, #tpu.memory_space<vmem>> -> memref<1x64xf32, #tpu.memory_space<vmem>>
      %dma_start3A_766 = arith.constant 0 : i32
      %dma_start3A_767 = tpu.memref_slice %arg2[%squeeze3A_757, %dma_start3A_766] : memref<1000000x64xf32, #tpu.memory_space<hbm>> -> memref<1x64xf32, #tpu.memory_space<hbm>>
      tpu.enqueue_dma source(%dma_start3A_767 : memref<1x64xf32, #tpu.memory_space<hbm>>) target(%dma_start3A_765 : memref<1x64xf32, #tpu.memory_space<vmem>>) target_semaphore(%arg19 : memref<!tpu.dma_semaphore, #tpu.memory_space<semaphore_mem>>)
      %slice3A_768 = vector.extract_strided_slice %get3A_41 {offsets = [14], sizes = [1], strides = [1]} : vector<16xi32> to vector<1xi32>
      %squeeze3A_769 = vector.extract %slice3A_768[0] : i32 from vector<1xi32>
      %add3A_770 = arith.constant 256 : i32
      %add3A_771 = arith.addi %add3A_770, %add3A_745 : i32
      %dma_start3A_772 = arith.constant 0 : i32
      %dma_start3A_773 = tpu.memref_slice %arg14[%add3A_771, %dma_start3A_772] : memref<512x64xf32, #tpu.memory_space<vmem>> -> memref<1x64xf32, #tpu.memory_space<vmem>>
      %dma_start3A_774 = arith.constant 0 : i32
      %dma_start3A_775 = tpu.memref_slice %arg2[%squeeze3A_769, %dma_start3A_774] : memref<1000000x64xf32, #tpu.memory_space<hbm>> -> memref<1x64xf32, #tpu.memory_space<hbm>>
      %dma_start3A_776 = arith.constant 0 : i32
      %dma_start3A_777 = tpu.memref_slice %arg14[%add3A_771, %dma_start3A_776] : memref<512x64xf32, #tpu.memory_space<vmem>> -> memref<1x64xf32, #tpu.memory_space<vmem>>
      %dma_start3A_778 = arith.constant 0 : i32
      %dma_start3A_779 = tpu.memref_slice %arg2[%squeeze3A_769, %dma_start3A_778] : memref<1000000x64xf32, #tpu.memory_space<hbm>> -> memref<1x64xf32, #tpu.memory_space<hbm>>
      tpu.enqueue_dma source(%dma_start3A_779 : memref<1x64xf32, #tpu.memory_space<hbm>>) target(%dma_start3A_777 : memref<1x64xf32, #tpu.memory_space<vmem>>) target_semaphore(%arg19 : memref<!tpu.dma_semaphore, #tpu.memory_space<semaphore_mem>>)
      %slice3A_780 = vector.extract_strided_slice %get3A_43 {offsets = [14], sizes = [1], strides = [1]} : vector<16xi32> to vector<1xi32>
      %squeeze3A_781 = vector.extract %slice3A_780[0] : i32 from vector<1xi32>
      %add3A_782 = arith.constant 384 : i32
      %add3A_783 = arith.addi %add3A_782, %add3A_745 : i32
      %dma_start3A_784 = arith.constant 0 : i32
      %dma_start3A_785 = tpu.memref_slice %arg14[%add3A_783, %dma_start3A_784] : memref<512x64xf32, #tpu.memory_space<vmem>> -> memref<1x64xf32, #tpu.memory_space<vmem>>
      %dma_start3A_786 = arith.constant 0 : i32
      %dma_start3A_787 = tpu.memref_slice %arg2[%squeeze3A_781, %dma_start3A_786] : memref<1000000x64xf32, #tpu.memory_space<hbm>> -> memref<1x64xf32, #tpu.memory_space<hbm>>
      %dma_start3A_788 = arith.constant 0 : i32
      %dma_start3A_789 = tpu.memref_slice %arg14[%add3A_783, %dma_start3A_788] : memref<512x64xf32, #tpu.memory_space<vmem>> -> memref<1x64xf32, #tpu.memory_space<vmem>>
      %dma_start3A_790 = arith.constant 0 : i32
      %dma_start3A_791 = tpu.memref_slice %arg2[%squeeze3A_781, %dma_start3A_790] : memref<1000000x64xf32, #tpu.memory_space<hbm>> -> memref<1x64xf32, #tpu.memory_space<hbm>>
      tpu.enqueue_dma source(%dma_start3A_791 : memref<1x64xf32, #tpu.memory_space<hbm>>) target(%dma_start3A_789 : memref<1x64xf32, #tpu.memory_space<vmem>>) target_semaphore(%arg19 : memref<!tpu.dma_semaphore, #tpu.memory_space<semaphore_mem>>)
      %mul3A_792 = arith.constant 16 : i32
      %mul3A_793 = arith.muli %scan3A_34, %mul3A_792 : i32
      %add3A_794 = arith.constant 15 : i32
      %add3A_795 = arith.addi %mul3A_793, %add3A_794 : i32
      %slice3A_796 = vector.extract_strided_slice %get3A_37 {offsets = [15], sizes = [1], strides = [1]} : vector<16xi32> to vector<1xi32>
      %squeeze3A_797 = vector.extract %slice3A_796[0] : i32 from vector<1xi32>
      %dma_start3A_798 = arith.constant 0 : i32
      %dma_start3A_799 = tpu.memref_slice %arg14[%add3A_795, %dma_start3A_798] : memref<512x64xf32, #tpu.memory_space<vmem>> -> memref<1x64xf32, #tpu.memory_space<vmem>>
      %dma_start3A_800 = arith.constant 0 : i32
      %dma_start3A_801 = tpu.memref_slice %arg2[%squeeze3A_797, %dma_start3A_800] : memref<1000000x64xf32, #tpu.memory_space<hbm>> -> memref<1x64xf32, #tpu.memory_space<hbm>>
      %dma_start3A_802 = arith.constant 0 : i32
      %dma_start3A_803 = tpu.memref_slice %arg14[%add3A_795, %dma_start3A_802] : memref<512x64xf32, #tpu.memory_space<vmem>> -> memref<1x64xf32, #tpu.memory_space<vmem>>
      %dma_start3A_804 = arith.constant 0 : i32
      %dma_start3A_805 = tpu.memref_slice %arg2[%squeeze3A_797, %dma_start3A_804] : memref<1000000x64xf32, #tpu.memory_space<hbm>> -> memref<1x64xf32, #tpu.memory_space<hbm>>
      tpu.enqueue_dma source(%dma_start3A_805 : memref<1x64xf32, #tpu.memory_space<hbm>>) target(%dma_start3A_803 : memref<1x64xf32, #tpu.memory_space<vmem>>) target_semaphore(%arg19 : memref<!tpu.dma_semaphore, #tpu.memory_space<semaphore_mem>>)
      %slice3A_806 = vector.extract_strided_slice %get3A_39 {offsets = [15], sizes = [1], strides = [1]} : vector<16xi32> to vector<1xi32>
      %squeeze3A_807 = vector.extract %slice3A_806[0] : i32 from vector<1xi32>
      %add3A_808 = arith.constant 128 : i32
      %add3A_809 = arith.addi %add3A_808, %add3A_795 : i32
      %dma_start3A_810 = arith.constant 0 : i32
      %dma_start3A_811 = tpu.memref_slice %arg14[%add3A_809, %dma_start3A_810] : memref<512x64xf32, #tpu.memory_space<vmem>> -> memref<1x64xf32, #tpu.memory_space<vmem>>
      %dma_start3A_812 = arith.constant 0 : i32
      %dma_start3A_813 = tpu.memref_slice %arg2[%squeeze3A_807, %dma_start3A_812] : memref<1000000x64xf32, #tpu.memory_space<hbm>> -> memref<1x64xf32, #tpu.memory_space<hbm>>
      %dma_start3A_814 = arith.constant 0 : i32
      %dma_start3A_815 = tpu.memref_slice %arg14[%add3A_809, %dma_start3A_814] : memref<512x64xf32, #tpu.memory_space<vmem>> -> memref<1x64xf32, #tpu.memory_space<vmem>>
      %dma_start3A_816 = arith.constant 0 : i32
      %dma_start3A_817 = tpu.memref_slice %arg2[%squeeze3A_807, %dma_start3A_816] : memref<1000000x64xf32, #tpu.memory_space<hbm>> -> memref<1x64xf32, #tpu.memory_space<hbm>>
      tpu.enqueue_dma source(%dma_start3A_817 : memref<1x64xf32, #tpu.memory_space<hbm>>) target(%dma_start3A_815 : memref<1x64xf32, #tpu.memory_space<vmem>>) target_semaphore(%arg19 : memref<!tpu.dma_semaphore, #tpu.memory_space<semaphore_mem>>)
      %slice3A_818 = vector.extract_strided_slice %get3A_41 {offsets = [15], sizes = [1], strides = [1]} : vector<16xi32> to vector<1xi32>
      %squeeze3A_819 = vector.extract %slice3A_818[0] : i32 from vector<1xi32>
      %add3A_820 = arith.constant 256 : i32
      %add3A_821 = arith.addi %add3A_820, %add3A_795 : i32
      %dma_start3A_822 = arith.constant 0 : i32
      %dma_start3A_823 = tpu.memref_slice %arg14[%add3A_821, %dma_start3A_822] : memref<512x64xf32, #tpu.memory_space<vmem>> -> memref<1x64xf32, #tpu.memory_space<vmem>>
      %dma_start3A_824 = arith.constant 0 : i32
      %dma_start3A_825 = tpu.memref_slice %arg2[%squeeze3A_819, %dma_start3A_824] : memref<1000000x64xf32, #tpu.memory_space<hbm>> -> memref<1x64xf32, #tpu.memory_space<hbm>>
      %dma_start3A_826 = arith.constant 0 : i32
      %dma_start3A_827 = tpu.memref_slice %arg14[%add3A_821, %dma_start3A_826] : memref<512x64xf32, #tpu.memory_space<vmem>> -> memref<1x64xf32, #tpu.memory_space<vmem>>
      %dma_start3A_828 = arith.constant 0 : i32
      %dma_start3A_829 = tpu.memref_slice %arg2[%squeeze3A_819, %dma_start3A_828] : memref<1000000x64xf32, #tpu.memory_space<hbm>> -> memref<1x64xf32, #tpu.memory_space<hbm>>
      tpu.enqueue_dma source(%dma_start3A_829 : memref<1x64xf32, #tpu.memory_space<hbm>>) target(%dma_start3A_827 : memref<1x64xf32, #tpu.memory_space<vmem>>) target_semaphore(%arg19 : memref<!tpu.dma_semaphore, #tpu.memory_space<semaphore_mem>>)
      %slice3A_830 = vector.extract_strided_slice %get3A_43 {offsets = [15], sizes = [1], strides = [1]} : vector<16xi32> to vector<1xi32>
      %squeeze3A_831 = vector.extract %slice3A_830[0] : i32 from vector<1xi32>
      %add3A_832 = arith.constant 384 : i32
      %add3A_833 = arith.addi %add3A_832, %add3A_795 : i32
      %dma_start3A_834 = arith.constant 0 : i32
      %dma_start3A_835 = tpu.memref_slice %arg14[%add3A_833, %dma_start3A_834] : memref<512x64xf32, #tpu.memory_space<vmem>> -> memref<1x64xf32, #tpu.memory_space<vmem>>
      %dma_start3A_836 = arith.constant 0 : i32
      %dma_start3A_837 = tpu.memref_slice %arg2[%squeeze3A_831, %dma_start3A_836] : memref<1000000x64xf32, #tpu.memory_space<hbm>> -> memref<1x64xf32, #tpu.memory_space<hbm>>
      %dma_start3A_838 = arith.constant 0 : i32
      %dma_start3A_839 = tpu.memref_slice %arg14[%add3A_833, %dma_start3A_838] : memref<512x64xf32, #tpu.memory_space<vmem>> -> memref<1x64xf32, #tpu.memory_space<vmem>>
      %dma_start3A_840 = arith.constant 0 : i32
      %dma_start3A_841 = tpu.memref_slice %arg2[%squeeze3A_831, %dma_start3A_840] : memref<1000000x64xf32, #tpu.memory_space<hbm>> -> memref<1x64xf32, #tpu.memory_space<hbm>>
      tpu.enqueue_dma source(%dma_start3A_841 : memref<1x64xf32, #tpu.memory_space<hbm>>) target(%dma_start3A_839 : memref<1x64xf32, #tpu.memory_space<vmem>>) target_semaphore(%arg19 : memref<!tpu.dma_semaphore, #tpu.memory_space<semaphore_mem>>)
    }
    %scan3A_14 = arith.constant 8 : i32
    %dma_wait3A = arith.constant 0 : i32
    %dma_wait3A_15 = arith.constant 0 : i32
    %dma_wait3A_16 = tpu.memref_slice %arg2[%dma_wait3A, %dma_wait3A_15] : memref<1000000x64xf32, #tpu.memory_space<hbm>> -> memref<512x64xf32, #tpu.memory_space<hbm>>
    %dma_wait3A_17 = arith.constant 0 : i32
    %dma_wait3A_18 = arith.constant 0 : i32
    %dma_wait3A_19 = tpu.memref_slice %arg2[%dma_wait3A_17, %dma_wait3A_18] : memref<1000000x64xf32, #tpu.memory_space<hbm>> -> memref<512x64xf32, #tpu.memory_space<hbm>>
    tpu.wait_dma2 semaphore(%arg19 : memref<!tpu.dma_semaphore, #tpu.memory_space<semaphore_mem>>) src(%dma_wait3A_19 : memref<512x64xf32, #tpu.memory_space<hbm>>) dst(%arg14 : memref<512x64xf32, #tpu.memory_space<vmem>>)
    %dma_wait3A_20 = arith.constant 0 : i32
    %dma_wait3A_21 = arith.constant 0 : i32
    %dma_wait3A_22 = tpu.memref_slice %arg3[%dma_wait3A_20, %dma_wait3A_21] : memref<1000x128xf32, #tpu.memory_space<hbm>> -> memref<1000x128xf32, #tpu.memory_space<hbm>>
    tpu.wait_indirect_dma semaphore(%arg18 : memref<!tpu.dma_semaphore, #tpu.memory_space<semaphore_mem>>) src(%dma_wait3A_22 : memref<1000x128xf32, #tpu.memory_space<hbm>>) dst(%arg15 : memref<128x128xf32, #tpu.memory_space<vmem>>)
    %dma_wait3A_23 = arith.constant 0 : i32
    %dma_wait3A_24 = arith.constant 0 : i32
    %dma_wait3A_25 = tpu.memref_slice %arg3[%dma_wait3A_23, %dma_wait3A_24] : memref<1000x128xf32, #tpu.memory_space<hbm>> -> memref<1000x128xf32, #tpu.memory_space<hbm>>
    tpu.wait_indirect_dma semaphore(%arg18 : memref<!tpu.dma_semaphore, #tpu.memory_space<semaphore_mem>>) src(%dma_wait3A_25 : memref<1000x128xf32, #tpu.memory_space<hbm>>) dst(%arg16 : memref<128x128xf32, #tpu.memory_space<vmem>>)
    %iota3A = tpu.iota {dimensions = array<i32: 0>} : vector<16xi32>
    %broadcast_in_dim3A = arith.constant 0.000000e+00 : f32
    %broadcast_in_dim3A_26 = vector.broadcast %broadcast_in_dim3A : f32 to vector<16xf32>
    %scan3A_27 = arith.constant 0 : i32
    %scan3A_28 = arith.constant 8 : i32
    %scan3A_29 = arith.addi %scan3A_27, %scan3A_28 : i32
    %scan3A_30 = arith.constant 1 : i32
    %scan3A_31 = scf.for %scan3A_34 = %scan3A_27 to %scan3A_29 step %scan3A_30 iter_args(%scan3A_35 = %broadcast_in_dim3A_26) -> (vector<16xf32>)  : i32 {
      %mul3A_36 = arith.constant 16 : i32
      %mul3A_37 = arith.muli %scan3A_34, %mul3A_36 : i32
      %add3A_38 = vector.broadcast %mul3A_37 : i32 to vector<16xi32>
      %add3A_39 = arith.addi %add3A_38, %iota3A : vector<16xi32>
      %broadcast_in_dim3A_40 = arith.constant 0.000000e+00 : f32
      %broadcast_in_dim3A_41 = vector.broadcast %broadcast_in_dim3A_40 : f32 to vector<16xf32>
      %scan3A_42 = arith.constant 0 : i32
      %scan3A_43 = arith.constant 16 : i32
      %scan3A_44 = arith.addi %scan3A_42, %scan3A_43 : i32
      %scan3A_45 = arith.constant 1 : i32
      %scan3A_46:5 = scf.for %scan3A_247 = %scan3A_42 to %scan3A_44 step %scan3A_45 iter_args(%scan3A_248 = %broadcast_in_dim3A_41, %scan3A_249 = %broadcast_in_dim3A_41, %scan3A_250 = %broadcast_in_dim3A_41, %scan3A_251 = %broadcast_in_dim3A_41, %scan3A_252 = %broadcast_in_dim3A_41) -> (vector<16xf32>, vector<16xf32>, vector<16xf32>, vector<16xf32>, vector<16xf32>)  : i32 {
        %mul3A_253 = arith.constant 4 : i32
        %mul3A_254 = arith.muli %scan3A_247, %mul3A_253 : i32
        %add3A_255 = arith.constant 0 : i32
        %add3A_256 = arith.addi %mul3A_254, %add3A_255 : i32
        %broadcast_in_dim3A_257 = vector.broadcast %add3A_256 : i32 to vector<16xi32>
        %add3A_258 = arith.constant 0 : i32
        %add3A_259 = vector.broadcast %add3A_258 : i32 to vector<16xi32>
        %add3A_260 = arith.addi %add3A_259, %add3A_39 : vector<16xi32>
        %gather3A = tpu.vector_load_idx %arg14[%add3A_260, %broadcast_in_dim3A_257] : memref<512x64xf32, #tpu.memory_space<vmem>>[vector<16xi32>, vector<16xi32>], vector<16xf32>,
        %add3A_261 = arith.constant 128 : i32
        %add3A_262 = vector.broadcast %add3A_261 : i32 to vector<16xi32>
        %add3A_263 = arith.addi %add3A_262, %add3A_39 : vector<16xi32>
        %gather3A_264 = tpu.vector_load_idx %arg14[%add3A_263, %broadcast_in_dim3A_257] : memref<512x64xf32, #tpu.memory_space<vmem>>[vector<16xi32>, vector<16xi32>], vector<16xf32>,
        %gather3A_265 = tpu.vector_load_idx %arg15[%add3A_39, %broadcast_in_dim3A_257] : memref<128x128xf32, #tpu.memory_space<vmem>>[vector<16xi32>, vector<16xi32>], vector<16xf32>,
        %add3A_266 = arith.constant 64 : i32
        %add3A_267 = vector.broadcast %add3A_266 : i32 to vector<16xi32>
        %add3A_268 = arith.addi %broadcast_in_dim3A_257, %add3A_267 : vector<16xi32>
        %gather3A_269 = tpu.vector_load_idx %arg15[%add3A_39, %add3A_268] : memref<128x128xf32, #tpu.memory_space<vmem>>[vector<16xi32>, vector<16xi32>], vector<16xf32>,
        %add3A_270 = arith.addf %gather3A, %gather3A_265 : vector<16xf32>
        %sub3A_271 = arith.subf %add3A_270, %gather3A_264 : vector<16xf32>
        %mul3A_272 = arith.mulf %gather3A_269, %gather3A_269 : vector<16xf32>
        %add3A_273 = arith.addf %scan3A_248, %mul3A_272 : vector<16xf32>
        %mul3A_274 = arith.mulf %gather3A, %gather3A_269 : vector<16xf32>
        %add3A_275 = arith.addf %scan3A_249, %mul3A_274 : vector<16xf32>
        %mul3A_276 = arith.mulf %gather3A_264, %gather3A_269 : vector<16xf32>
        %add3A_277 = arith.addf %scan3A_250, %mul3A_276 : vector<16xf32>
        %mul3A_278 = arith.mulf %sub3A_271, %sub3A_271 : vector<16xf32>
        %add3A_279 = arith.addf %scan3A_251, %mul3A_278 : vector<16xf32>
        %mul3A_280 = arith.mulf %sub3A_271, %gather3A_269 : vector<16xf32>
        %add3A_281 = arith.addf %scan3A_252, %mul3A_280 : vector<16xf32>
        %add3A_282 = arith.constant 1 : i32
        %add3A_283 = arith.addi %mul3A_254, %add3A_282 : i32
        %broadcast_in_dim3A_284 = vector.broadcast %add3A_283 : i32 to vector<16xi32>
        %add3A_285 = arith.constant 0 : i32
        %add3A_286 = vector.broadcast %add3A_285 : i32 to vector<16xi32>
        %add3A_287 = arith.addi %add3A_286, %add3A_39 : vector<16xi32>
        %gather3A_288 = tpu.vector_load_idx %arg14[%add3A_287, %broadcast_in_dim3A_284] : memref<512x64xf32, #tpu.memory_space<vmem>>[vector<16xi32>, vector<16xi32>], vector<16xf32>,
        %add3A_289 = arith.constant 128 : i32
        %add3A_290 = vector.broadcast %add3A_289 : i32 to vector<16xi32>
        %add3A_291 = arith.addi %add3A_290, %add3A_39 : vector<16xi32>
        %gather3A_292 = tpu.vector_load_idx %arg14[%add3A_291, %broadcast_in_dim3A_284] : memref<512x64xf32, #tpu.memory_space<vmem>>[vector<16xi32>, vector<16xi32>], vector<16xf32>,
        %gather3A_293 = tpu.vector_load_idx %arg15[%add3A_39, %broadcast_in_dim3A_284] : memref<128x128xf32, #tpu.memory_space<vmem>>[vector<16xi32>, vector<16xi32>], vector<16xf32>,
        %add3A_294 = arith.constant 64 : i32
        %add3A_295 = vector.broadcast %add3A_294 : i32 to vector<16xi32>
        %add3A_296 = arith.addi %broadcast_in_dim3A_284, %add3A_295 : vector<16xi32>
        %gather3A_297 = tpu.vector_load_idx %arg15[%add3A_39, %add3A_296] : memref<128x128xf32, #tpu.memory_space<vmem>>[vector<16xi32>, vector<16xi32>], vector<16xf32>,
        %add3A_298 = arith.addf %gather3A_288, %gather3A_293 : vector<16xf32>
        %sub3A_299 = arith.subf %add3A_298, %gather3A_292 : vector<16xf32>
        %mul3A_300 = arith.mulf %gather3A_297, %gather3A_297 : vector<16xf32>
        %add3A_301 = arith.addf %add3A_273, %mul3A_300 : vector<16xf32>
        %mul3A_302 = arith.mulf %gather3A_288, %gather3A_297 : vector<16xf32>
        %add3A_303 = arith.addf %add3A_275, %mul3A_302 : vector<16xf32>
        %mul3A_304 = arith.mulf %gather3A_292, %gather3A_297 : vector<16xf32>
        %add3A_305 = arith.addf %add3A_277, %mul3A_304 : vector<16xf32>
        %mul3A_306 = arith.mulf %sub3A_299, %sub3A_299 : vector<16xf32>
        %add3A_307 = arith.addf %add3A_279, %mul3A_306 : vector<16xf32>
        %mul3A_308 = arith.mulf %sub3A_299, %gather3A_297 : vector<16xf32>
        %add3A_309 = arith.addf %add3A_281, %mul3A_308 : vector<16xf32>
        %add3A_310 = arith.constant 2 : i32
        %add3A_311 = arith.addi %mul3A_254, %add3A_310 : i32
        %broadcast_in_dim3A_312 = vector.broadcast %add3A_311 : i32 to vector<16xi32>
        %add3A_313 = arith.constant 0 : i32
        %add3A_314 = vector.broadcast %add3A_313 : i32 to vector<16xi32>
        %add3A_315 = arith.addi %add3A_314, %add3A_39 : vector<16xi32>
        %gather3A_316 = tpu.vector_load_idx %arg14[%add3A_315, %broadcast_in_dim3A_312] : memref<512x64xf32, #tpu.memory_space<vmem>>[vector<16xi32>, vector<16xi32>], vector<16xf32>,
        %add3A_317 = arith.constant 128 : i32
        %add3A_318 = vector.broadcast %add3A_317 : i32 to vector<16xi32>
        %add3A_319 = arith.addi %add3A_318, %add3A_39 : vector<16xi32>
        %gather3A_320 = tpu.vector_load_idx %arg14[%add3A_319, %broadcast_in_dim3A_312] : memref<512x64xf32, #tpu.memory_space<vmem>>[vector<16xi32>, vector<16xi32>], vector<16xf32>,
        %gather3A_321 = tpu.vector_load_idx %arg15[%add3A_39, %broadcast_in_dim3A_312] : memref<128x128xf32, #tpu.memory_space<vmem>>[vector<16xi32>, vector<16xi32>], vector<16xf32>,
        %add3A_322 = arith.constant 64 : i32
        %add3A_323 = vector.broadcast %add3A_322 : i32 to vector<16xi32>
        %add3A_324 = arith.addi %broadcast_in_dim3A_312, %add3A_323 : vector<16xi32>
        %gather3A_325 = tpu.vector_load_idx %arg15[%add3A_39, %add3A_324] : memref<128x128xf32, #tpu.memory_space<vmem>>[vector<16xi32>, vector<16xi32>], vector<16xf32>,
        %add3A_326 = arith.addf %gather3A_316, %gather3A_321 : vector<16xf32>
        %sub3A_327 = arith.subf %add3A_326, %gather3A_320 : vector<16xf32>
        %mul3A_328 = arith.mulf %gather3A_325, %gather3A_325 : vector<16xf32>
        %add3A_329 = arith.addf %add3A_301, %mul3A_328 : vector<16xf32>
        %mul3A_330 = arith.mulf %gather3A_316, %gather3A_325 : vector<16xf32>
        %add3A_331 = arith.addf %add3A_303, %mul3A_330 : vector<16xf32>
        %mul3A_332 = arith.mulf %gather3A_320, %gather3A_325 : vector<16xf32>
        %add3A_333 = arith.addf %add3A_305, %mul3A_332 : vector<16xf32>
        %mul3A_334 = arith.mulf %sub3A_327, %sub3A_327 : vector<16xf32>
        %add3A_335 = arith.addf %add3A_307, %mul3A_334 : vector<16xf32>
        %mul3A_336 = arith.mulf %sub3A_327, %gather3A_325 : vector<16xf32>
        %add3A_337 = arith.addf %add3A_309, %mul3A_336 : vector<16xf32>
        %add3A_338 = arith.constant 3 : i32
        %add3A_339 = arith.addi %mul3A_254, %add3A_338 : i32
        %broadcast_in_dim3A_340 = vector.broadcast %add3A_339 : i32 to vector<16xi32>
        %add3A_341 = arith.constant 0 : i32
        %add3A_342 = vector.broadcast %add3A_341 : i32 to vector<16xi32>
        %add3A_343 = arith.addi %add3A_342, %add3A_39 : vector<16xi32>
        %gather3A_344 = tpu.vector_load_idx %arg14[%add3A_343, %broadcast_in_dim3A_340] : memref<512x64xf32, #tpu.memory_space<vmem>>[vector<16xi32>, vector<16xi32>], vector<16xf32>,
        %add3A_345 = arith.constant 128 : i32
        %add3A_346 = vector.broadcast %add3A_345 : i32 to vector<16xi32>
        %add3A_347 = arith.addi %add3A_346, %add3A_39 : vector<16xi32>
        %gather3A_348 = tpu.vector_load_idx %arg14[%add3A_347, %broadcast_in_dim3A_340] : memref<512x64xf32, #tpu.memory_space<vmem>>[vector<16xi32>, vector<16xi32>], vector<16xf32>,
        %gather3A_349 = tpu.vector_load_idx %arg15[%add3A_39, %broadcast_in_dim3A_340] : memref<128x128xf32, #tpu.memory_space<vmem>>[vector<16xi32>, vector<16xi32>], vector<16xf32>,
        %add3A_350 = arith.constant 64 : i32
        %add3A_351 = vector.broadcast %add3A_350 : i32 to vector<16xi32>
        %add3A_352 = arith.addi %broadcast_in_dim3A_340, %add3A_351 : vector<16xi32>
        %gather3A_353 = tpu.vector_load_idx %arg15[%add3A_39, %add3A_352] : memref<128x128xf32, #tpu.memory_space<vmem>>[vector<16xi32>, vector<16xi32>], vector<16xf32>,
        %add3A_354 = arith.addf %gather3A_344, %gather3A_349 : vector<16xf32>
        %sub3A_355 = arith.subf %add3A_354, %gather3A_348 : vector<16xf32>
        %mul3A_356 = arith.mulf %gather3A_353, %gather3A_353 : vector<16xf32>
        %add3A_357 = arith.addf %add3A_329, %mul3A_356 : vector<16xf32>
        %mul3A_358 = arith.mulf %gather3A_344, %gather3A_353 : vector<16xf32>
        %add3A_359 = arith.addf %add3A_331, %mul3A_358 : vector<16xf32>
        %mul3A_360 = arith.mulf %gather3A_348, %gather3A_353 : vector<16xf32>
        %add3A_361 = arith.addf %add3A_333, %mul3A_360 : vector<16xf32>
        %mul3A_362 = arith.mulf %sub3A_355, %sub3A_355 : vector<16xf32>
        %add3A_363 = arith.addf %add3A_335, %mul3A_362 : vector<16xf32>
        %mul3A_364 = arith.mulf %sub3A_355, %gather3A_353 : vector<16xf32>
        %add3A_365 = arith.addf %add3A_337, %mul3A_364 : vector<16xf32>
        scf.yield %add3A_357, %add3A_359, %add3A_361, %add3A_363, %add3A_365 : vector<16xf32>, vector<16xf32>, vector<16xf32>, vector<16xf32>, vector<16xf32>
      }
      %scan3A_47 = arith.constant 16 : i32
      %max3A = arith.constant 1.000000e-30 : f32
      %max3A_48 = vector.broadcast %max3A : f32 to vector<16xf32>
      %max3A_49 = arith.maximumf %scan3A_46#0, %max3A_48 : vector<16xf32>
      %bitcast3A = vector.bitcast %max3A_49 : vector<16xf32> to vector<16xi32>
      %shift_right_arithmetic3A = arith.constant 1 : i32
      %shift_right_arithmetic3A_50 = vector.broadcast %shift_right_arithmetic3A : i32 to vector<16xi32>
      %shift_right_arithmetic3A_51 = arith.shrsi %bitcast3A, %shift_right_arithmetic3A_50 : vector<16xi32>
      %sub3A = arith.constant 1597463007 : i32
      %sub3A_52 = vector.broadcast %sub3A : i32 to vector<16xi32>
      %sub3A_53 = arith.subi %sub3A_52, %shift_right_arithmetic3A_51 : vector<16xi32>
      %bitcast3A_54 = vector.bitcast %sub3A_53 : vector<16xi32> to vector<16xf32>
      %mul3A_55 = arith.constant 5.000000e-01 : f32
      %mul3A_56 = vector.broadcast %mul3A_55 : f32 to vector<16xf32>
      %mul3A_57 = arith.mulf %mul3A_56, %max3A_49 : vector<16xf32>
      %mul3A_58 = arith.mulf %mul3A_57, %bitcast3A_54 : vector<16xf32>
      %mul3A_59 = arith.mulf %mul3A_58, %bitcast3A_54 : vector<16xf32>
      %sub3A_60 = arith.constant 1.500000e+00 : f32
      %sub3A_61 = vector.broadcast %sub3A_60 : f32 to vector<16xf32>
      %sub3A_62 = arith.subf %sub3A_61, %mul3A_59 : vector<16xf32>
      %mul3A_63 = arith.mulf %bitcast3A_54, %sub3A_62 : vector<16xf32>
      %mul3A_64 = arith.constant 5.000000e-01 : f32
      %mul3A_65 = vector.broadcast %mul3A_64 : f32 to vector<16xf32>
      %mul3A_66 = arith.mulf %mul3A_65, %max3A_49 : vector<16xf32>
      %mul3A_67 = arith.mulf %mul3A_66, %mul3A_63 : vector<16xf32>
      %mul3A_68 = arith.mulf %mul3A_67, %mul3A_63 : vector<16xf32>
      %sub3A_69 = arith.constant 1.500000e+00 : f32
      %sub3A_70 = vector.broadcast %sub3A_69 : f32 to vector<16xf32>
      %sub3A_71 = arith.subf %sub3A_70, %mul3A_68 : vector<16xf32>
      %mul3A_72 = arith.mulf %mul3A_63, %sub3A_71 : vector<16xf32>
      %mul3A_73 = arith.constant 5.000000e-01 : f32
      %mul3A_74 = vector.broadcast %mul3A_73 : f32 to vector<16xf32>
      %mul3A_75 = arith.mulf %mul3A_74, %max3A_49 : vector<16xf32>
      %mul3A_76 = arith.mulf %mul3A_75, %mul3A_72 : vector<16xf32>
      %mul3A_77 = arith.mulf %mul3A_76, %mul3A_72 : vector<16xf32>
      %sub3A_78 = arith.constant 1.500000e+00 : f32
      %sub3A_79 = vector.broadcast %sub3A_78 : f32 to vector<16xf32>
      %sub3A_80 = arith.subf %sub3A_79, %mul3A_77 : vector<16xf32>
      %mul3A_81 = arith.mulf %mul3A_72, %sub3A_80 : vector<16xf32>
      %min3A = arith.constant 9.99999995E+11 : f32
      %min3A_82 = vector.broadcast %min3A : f32 to vector<16xf32>
      %min3A_83 = arith.minimumf %mul3A_81, %min3A_82 : vector<16xf32>
      %sub3A_84 = arith.subf %scan3A_46#1, %scan3A_46#2 : vector<16xf32>
      %mul3A_85 = arith.mulf %sub3A_84, %min3A_83 : vector<16xf32>
      %mul3A_86 = arith.mulf %mul3A_85, %min3A_83 : vector<16xf32>
      %mul3A_87 = arith.constant 2.000000e+00 : f32
      %mul3A_88 = vector.broadcast %mul3A_87 : f32 to vector<16xf32>
      %mul3A_89 = arith.mulf %mul3A_88, %mul3A_86 : vector<16xf32>
      %mul3A_90 = arith.mulf %mul3A_89, %scan3A_46#4 : vector<16xf32>
      %sub3A_91 = arith.subf %scan3A_46#3, %mul3A_90 : vector<16xf32>
      %mul3A_92 = arith.mulf %mul3A_86, %mul3A_86 : vector<16xf32>
      %mul3A_93 = arith.mulf %mul3A_92, %scan3A_46#0 : vector<16xf32>
      %add3A_94 = arith.addf %sub3A_91, %mul3A_93 : vector<16xf32>
      %max3A_95 = arith.constant 0.000000e+00 : f32
      %max3A_96 = vector.broadcast %max3A_95 : f32 to vector<16xf32>
      %max3A_97 = arith.maximumf %add3A_94, %max3A_96 : vector<16xf32>
      %max3A_98 = arith.constant 1.000000e-30 : f32
      %max3A_99 = vector.broadcast %max3A_98 : f32 to vector<16xf32>
      %max3A_100 = arith.maximumf %max3A_97, %max3A_99 : vector<16xf32>
      %bitcast3A_101 = vector.bitcast %max3A_100 : vector<16xf32> to vector<16xi32>
      %shift_right_arithmetic3A_102 = arith.constant 1 : i32
      %shift_right_arithmetic3A_103 = vector.broadcast %shift_right_arithmetic3A_102 : i32 to vector<16xi32>
      %shift_right_arithmetic3A_104 = arith.shrsi %bitcast3A_101, %shift_right_arithmetic3A_103 : vector<16xi32>
      %sub3A_105 = arith.constant 1597463007 : i32
      %sub3A_106 = vector.broadcast %sub3A_105 : i32 to vector<16xi32>
      %sub3A_107 = arith.subi %sub3A_106, %shift_right_arithmetic3A_104 : vector<16xi32>
      %bitcast3A_108 = vector.bitcast %sub3A_107 : vector<16xi32> to vector<16xf32>
      %mul3A_109 = arith.constant 5.000000e-01 : f32
      %mul3A_110 = vector.broadcast %mul3A_109 : f32 to vector<16xf32>
      %mul3A_111 = arith.mulf %mul3A_110, %max3A_100 : vector<16xf32>
      %mul3A_112 = arith.mulf %mul3A_111, %bitcast3A_108 : vector<16xf32>
      %mul3A_113 = arith.mulf %mul3A_112, %bitcast3A_108 : vector<16xf32>
      %sub3A_114 = arith.constant 1.500000e+00 : f32
      %sub3A_115 = vector.broadcast %sub3A_114 : f32 to vector<16xf32>
      %sub3A_116 = arith.subf %sub3A_115, %mul3A_113 : vector<16xf32>
      %mul3A_117 = arith.mulf %bitcast3A_108, %sub3A_116 : vector<16xf32>
      %mul3A_118 = arith.constant 5.000000e-01 : f32
      %mul3A_119 = vector.broadcast %mul3A_118 : f32 to vector<16xf32>
      %mul3A_120 = arith.mulf %mul3A_119, %max3A_100 : vector<16xf32>
      %mul3A_121 = arith.mulf %mul3A_120, %mul3A_117 : vector<16xf32>
      %mul3A_122 = arith.mulf %mul3A_121, %mul3A_117 : vector<16xf32>
      %sub3A_123 = arith.constant 1.500000e+00 : f32
      %sub3A_124 = vector.broadcast %sub3A_123 : f32 to vector<16xf32>
      %sub3A_125 = arith.subf %sub3A_124, %mul3A_122 : vector<16xf32>
      %mul3A_126 = arith.mulf %mul3A_117, %sub3A_125 : vector<16xf32>
      %mul3A_127 = arith.constant 5.000000e-01 : f32
      %mul3A_128 = vector.broadcast %mul3A_127 : f32 to vector<16xf32>
      %mul3A_129 = arith.mulf %mul3A_128, %max3A_100 : vector<16xf32>
      %mul3A_130 = arith.mulf %mul3A_129, %mul3A_126 : vector<16xf32>
      %mul3A_131 = arith.mulf %mul3A_130, %mul3A_126 : vector<16xf32>
      %sub3A_132 = arith.constant 1.500000e+00 : f32
      %sub3A_133 = vector.broadcast %sub3A_132 : f32 to vector<16xf32>
      %sub3A_134 = arith.subf %sub3A_133, %mul3A_131 : vector<16xf32>
      %mul3A_135 = arith.mulf %mul3A_126, %sub3A_134 : vector<16xf32>
      %mul3A_136 = arith.mulf %max3A_97, %mul3A_135 : vector<16xf32>
      %broadcast_in_dim3A_137 = arith.constant 0.000000e+00 : f32
      %broadcast_in_dim3A_138 = vector.broadcast %broadcast_in_dim3A_137 : f32 to vector<16xf32>
      %scan3A_139 = arith.constant 0 : i32
      %scan3A_140 = arith.constant 16 : i32
      %scan3A_141 = arith.addi %scan3A_139, %scan3A_140 : i32
      %scan3A_142 = arith.constant 1 : i32
      %scan3A_143:5 = scf.for %scan3A_247 = %scan3A_139 to %scan3A_141 step %scan3A_142 iter_args(%scan3A_248 = %broadcast_in_dim3A_138, %scan3A_249 = %broadcast_in_dim3A_138, %scan3A_250 = %broadcast_in_dim3A_138, %scan3A_251 = %broadcast_in_dim3A_138, %scan3A_252 = %broadcast_in_dim3A_138) -> (vector<16xf32>, vector<16xf32>, vector<16xf32>, vector<16xf32>, vector<16xf32>)  : i32 {
        %mul3A_253 = arith.constant 4 : i32
        %mul3A_254 = arith.muli %scan3A_247, %mul3A_253 : i32
        %add3A_255 = arith.constant 0 : i32
        %add3A_256 = arith.addi %mul3A_254, %add3A_255 : i32
        %broadcast_in_dim3A_257 = vector.broadcast %add3A_256 : i32 to vector<16xi32>
        %add3A_258 = arith.constant 256 : i32
        %add3A_259 = vector.broadcast %add3A_258 : i32 to vector<16xi32>
        %add3A_260 = arith.addi %add3A_259, %add3A_39 : vector<16xi32>
        %gather3A = tpu.vector_load_idx %arg14[%add3A_260, %broadcast_in_dim3A_257] : memref<512x64xf32, #tpu.memory_space<vmem>>[vector<16xi32>, vector<16xi32>], vector<16xf32>,
        %add3A_261 = arith.constant 384 : i32
        %add3A_262 = vector.broadcast %add3A_261 : i32 to vector<16xi32>
        %add3A_263 = arith.addi %add3A_262, %add3A_39 : vector<16xi32>
        %gather3A_264 = tpu.vector_load_idx %arg14[%add3A_263, %broadcast_in_dim3A_257] : memref<512x64xf32, #tpu.memory_space<vmem>>[vector<16xi32>, vector<16xi32>], vector<16xf32>,
        %gather3A_265 = tpu.vector_load_idx %arg16[%add3A_39, %broadcast_in_dim3A_257] : memref<128x128xf32, #tpu.memory_space<vmem>>[vector<16xi32>, vector<16xi32>], vector<16xf32>,
        %add3A_266 = arith.constant 64 : i32
        %add3A_267 = vector.broadcast %add3A_266 : i32 to vector<16xi32>
        %add3A_268 = arith.addi %broadcast_in_dim3A_257, %add3A_267 : vector<16xi32>
        %gather3A_269 = tpu.vector_load_idx %arg16[%add3A_39, %add3A_268] : memref<128x128xf32, #tpu.memory_space<vmem>>[vector<16xi32>, vector<16xi32>], vector<16xf32>,
        %add3A_270 = arith.addf %gather3A, %gather3A_265 : vector<16xf32>
        %sub3A_271 = arith.subf %add3A_270, %gather3A_264 : vector<16xf32>
        %mul3A_272 = arith.mulf %gather3A_269, %gather3A_269 : vector<16xf32>
        %add3A_273 = arith.addf %scan3A_248, %mul3A_272 : vector<16xf32>
        %mul3A_274 = arith.mulf %gather3A, %gather3A_269 : vector<16xf32>
        %add3A_275 = arith.addf %scan3A_249, %mul3A_274 : vector<16xf32>
        %mul3A_276 = arith.mulf %gather3A_264, %gather3A_269 : vector<16xf32>
        %add3A_277 = arith.addf %scan3A_250, %mul3A_276 : vector<16xf32>
        %mul3A_278 = arith.mulf %sub3A_271, %sub3A_271 : vector<16xf32>
        %add3A_279 = arith.addf %scan3A_251, %mul3A_278 : vector<16xf32>
        %mul3A_280 = arith.mulf %sub3A_271, %gather3A_269 : vector<16xf32>
        %add3A_281 = arith.addf %scan3A_252, %mul3A_280 : vector<16xf32>
        %add3A_282 = arith.constant 1 : i32
        %add3A_283 = arith.addi %mul3A_254, %add3A_282 : i32
        %broadcast_in_dim3A_284 = vector.broadcast %add3A_283 : i32 to vector<16xi32>
        %add3A_285 = arith.constant 256 : i32
        %add3A_286 = vector.broadcast %add3A_285 : i32 to vector<16xi32>
        %add3A_287 = arith.addi %add3A_286, %add3A_39 : vector<16xi32>
        %gather3A_288 = tpu.vector_load_idx %arg14[%add3A_287, %broadcast_in_dim3A_284] : memref<512x64xf32, #tpu.memory_space<vmem>>[vector<16xi32>, vector<16xi32>], vector<16xf32>,
        %add3A_289 = arith.constant 384 : i32
        %add3A_290 = vector.broadcast %add3A_289 : i32 to vector<16xi32>
        %add3A_291 = arith.addi %add3A_290, %add3A_39 : vector<16xi32>
        %gather3A_292 = tpu.vector_load_idx %arg14[%add3A_291, %broadcast_in_dim3A_284] : memref<512x64xf32, #tpu.memory_space<vmem>>[vector<16xi32>, vector<16xi32>], vector<16xf32>,
        %gather3A_293 = tpu.vector_load_idx %arg16[%add3A_39, %broadcast_in_dim3A_284] : memref<128x128xf32, #tpu.memory_space<vmem>>[vector<16xi32>, vector<16xi32>], vector<16xf32>,
        %add3A_294 = arith.constant 64 : i32
        %add3A_295 = vector.broadcast %add3A_294 : i32 to vector<16xi32>
        %add3A_296 = arith.addi %broadcast_in_dim3A_284, %add3A_295 : vector<16xi32>
        %gather3A_297 = tpu.vector_load_idx %arg16[%add3A_39, %add3A_296] : memref<128x128xf32, #tpu.memory_space<vmem>>[vector<16xi32>, vector<16xi32>], vector<16xf32>,
        %add3A_298 = arith.addf %gather3A_288, %gather3A_293 : vector<16xf32>
        %sub3A_299 = arith.subf %add3A_298, %gather3A_292 : vector<16xf32>
        %mul3A_300 = arith.mulf %gather3A_297, %gather3A_297 : vector<16xf32>
        %add3A_301 = arith.addf %add3A_273, %mul3A_300 : vector<16xf32>
        %mul3A_302 = arith.mulf %gather3A_288, %gather3A_297 : vector<16xf32>
        %add3A_303 = arith.addf %add3A_275, %mul3A_302 : vector<16xf32>
        %mul3A_304 = arith.mulf %gather3A_292, %gather3A_297 : vector<16xf32>
        %add3A_305 = arith.addf %add3A_277, %mul3A_304 : vector<16xf32>
        %mul3A_306 = arith.mulf %sub3A_299, %sub3A_299 : vector<16xf32>
        %add3A_307 = arith.addf %add3A_279, %mul3A_306 : vector<16xf32>
        %mul3A_308 = arith.mulf %sub3A_299, %gather3A_297 : vector<16xf32>
        %add3A_309 = arith.addf %add3A_281, %mul3A_308 : vector<16xf32>
        %add3A_310 = arith.constant 2 : i32
        %add3A_311 = arith.addi %mul3A_254, %add3A_310 : i32
        %broadcast_in_dim3A_312 = vector.broadcast %add3A_311 : i32 to vector<16xi32>
        %add3A_313 = arith.constant 256 : i32
        %add3A_314 = vector.broadcast %add3A_313 : i32 to vector<16xi32>
        %add3A_315 = arith.addi %add3A_314, %add3A_39 : vector<16xi32>
        %gather3A_316 = tpu.vector_load_idx %arg14[%add3A_315, %broadcast_in_dim3A_312] : memref<512x64xf32, #tpu.memory_space<vmem>>[vector<16xi32>, vector<16xi32>], vector<16xf32>,
        %add3A_317 = arith.constant 384 : i32
        %add3A_318 = vector.broadcast %add3A_317 : i32 to vector<16xi32>
        %add3A_319 = arith.addi %add3A_318, %add3A_39 : vector<16xi32>
        %gather3A_320 = tpu.vector_load_idx %arg14[%add3A_319, %broadcast_in_dim3A_312] : memref<512x64xf32, #tpu.memory_space<vmem>>[vector<16xi32>, vector<16xi32>], vector<16xf32>,
        %gather3A_321 = tpu.vector_load_idx %arg16[%add3A_39, %broadcast_in_dim3A_312] : memref<128x128xf32, #tpu.memory_space<vmem>>[vector<16xi32>, vector<16xi32>], vector<16xf32>,
        %add3A_322 = arith.constant 64 : i32
        %add3A_323 = vector.broadcast %add3A_322 : i32 to vector<16xi32>
        %add3A_324 = arith.addi %broadcast_in_dim3A_312, %add3A_323 : vector<16xi32>
        %gather3A_325 = tpu.vector_load_idx %arg16[%add3A_39, %add3A_324] : memref<128x128xf32, #tpu.memory_space<vmem>>[vector<16xi32>, vector<16xi32>], vector<16xf32>,
        %add3A_326 = arith.addf %gather3A_316, %gather3A_321 : vector<16xf32>
        %sub3A_327 = arith.subf %add3A_326, %gather3A_320 : vector<16xf32>
        %mul3A_328 = arith.mulf %gather3A_325, %gather3A_325 : vector<16xf32>
        %add3A_329 = arith.addf %add3A_301, %mul3A_328 : vector<16xf32>
        %mul3A_330 = arith.mulf %gather3A_316, %gather3A_325 : vector<16xf32>
        %add3A_331 = arith.addf %add3A_303, %mul3A_330 : vector<16xf32>
        %mul3A_332 = arith.mulf %gather3A_320, %gather3A_325 : vector<16xf32>
        %add3A_333 = arith.addf %add3A_305, %mul3A_332 : vector<16xf32>
        %mul3A_334 = arith.mulf %sub3A_327, %sub3A_327 : vector<16xf32>
        %add3A_335 = arith.addf %add3A_307, %mul3A_334 : vector<16xf32>
        %mul3A_336 = arith.mulf %sub3A_327, %gather3A_325 : vector<16xf32>
        %add3A_337 = arith.addf %add3A_309, %mul3A_336 : vector<16xf32>
        %add3A_338 = arith.constant 3 : i32
        %add3A_339 = arith.addi %mul3A_254, %add3A_338 : i32
        %broadcast_in_dim3A_340 = vector.broadcast %add3A_339 : i32 to vector<16xi32>
        %add3A_341 = arith.constant 256 : i32
        %add3A_342 = vector.broadcast %add3A_341 : i32 to vector<16xi32>
        %add3A_343 = arith.addi %add3A_342, %add3A_39 : vector<16xi32>
        %gather3A_344 = tpu.vector_load_idx %arg14[%add3A_343, %broadcast_in_dim3A_340] : memref<512x64xf32, #tpu.memory_space<vmem>>[vector<16xi32>, vector<16xi32>], vector<16xf32>,
        %add3A_345 = arith.constant 384 : i32
        %add3A_346 = vector.broadcast %add3A_345 : i32 to vector<16xi32>
        %add3A_347 = arith.addi %add3A_346, %add3A_39 : vector<16xi32>
        %gather3A_348 = tpu.vector_load_idx %arg14[%add3A_347, %broadcast_in_dim3A_340] : memref<512x64xf32, #tpu.memory_space<vmem>>[vector<16xi32>, vector<16xi32>], vector<16xf32>,
        %gather3A_349 = tpu.vector_load_idx %arg16[%add3A_39, %broadcast_in_dim3A_340] : memref<128x128xf32, #tpu.memory_space<vmem>>[vector<16xi32>, vector<16xi32>], vector<16xf32>,
        %add3A_350 = arith.constant 64 : i32
        %add3A_351 = vector.broadcast %add3A_350 : i32 to vector<16xi32>
        %add3A_352 = arith.addi %broadcast_in_dim3A_340, %add3A_351 : vector<16xi32>
        %gather3A_353 = tpu.vector_load_idx %arg16[%add3A_39, %add3A_352] : memref<128x128xf32, #tpu.memory_space<vmem>>[vector<16xi32>, vector<16xi32>], vector<16xf32>,
        %add3A_354 = arith.addf %gather3A_344, %gather3A_349 : vector<16xf32>
        %sub3A_355 = arith.subf %add3A_354, %gather3A_348 : vector<16xf32>
        %mul3A_356 = arith.mulf %gather3A_353, %gather3A_353 : vector<16xf32>
        %add3A_357 = arith.addf %add3A_329, %mul3A_356 : vector<16xf32>
        %mul3A_358 = arith.mulf %gather3A_344, %gather3A_353 : vector<16xf32>
        %add3A_359 = arith.addf %add3A_331, %mul3A_358 : vector<16xf32>
        %mul3A_360 = arith.mulf %gather3A_348, %gather3A_353 : vector<16xf32>
        %add3A_361 = arith.addf %add3A_333, %mul3A_360 : vector<16xf32>
        %mul3A_362 = arith.mulf %sub3A_355, %sub3A_355 : vector<16xf32>
        %add3A_363 = arith.addf %add3A_335, %mul3A_362 : vector<16xf32>
        %mul3A_364 = arith.mulf %sub3A_355, %gather3A_353 : vector<16xf32>
        %add3A_365 = arith.addf %add3A_337, %mul3A_364 : vector<16xf32>
        scf.yield %add3A_357, %add3A_359, %add3A_361, %add3A_363, %add3A_365 : vector<16xf32>, vector<16xf32>, vector<16xf32>, vector<16xf32>, vector<16xf32>
      }
      %scan3A_144 = arith.constant 16 : i32
      %max3A_145 = arith.constant 1.000000e-30 : f32
      %max3A_146 = vector.broadcast %max3A_145 : f32 to vector<16xf32>
      %max3A_147 = arith.maximumf %scan3A_143#0, %max3A_146 : vector<16xf32>
      %bitcast3A_148 = vector.bitcast %max3A_147 : vector<16xf32> to vector<16xi32>
      %shift_right_arithmetic3A_149 = arith.constant 1 : i32
      %shift_right_arithmetic3A_150 = vector.broadcast %shift_right_arithmetic3A_149 : i32 to vector<16xi32>
      %shift_right_arithmetic3A_151 = arith.shrsi %bitcast3A_148, %shift_right_arithmetic3A_150 : vector<16xi32>
      %sub3A_152 = arith.constant 1597463007 : i32
      %sub3A_153 = vector.broadcast %sub3A_152 : i32 to vector<16xi32>
      %sub3A_154 = arith.subi %sub3A_153, %shift_right_arithmetic3A_151 : vector<16xi32>
      %bitcast3A_155 = vector.bitcast %sub3A_154 : vector<16xi32> to vector<16xf32>
      %mul3A_156 = arith.constant 5.000000e-01 : f32
      %mul3A_157 = vector.broadcast %mul3A_156 : f32 to vector<16xf32>
      %mul3A_158 = arith.mulf %mul3A_157, %max3A_147 : vector<16xf32>
      %mul3A_159 = arith.mulf %mul3A_158, %bitcast3A_155 : vector<16xf32>
      %mul3A_160 = arith.mulf %mul3A_159, %bitcast3A_155 : vector<16xf32>
      %sub3A_161 = arith.constant 1.500000e+00 : f32
      %sub3A_162 = vector.broadcast %sub3A_161 : f32 to vector<16xf32>
      %sub3A_163 = arith.subf %sub3A_162, %mul3A_160 : vector<16xf32>
      %mul3A_164 = arith.mulf %bitcast3A_155, %sub3A_163 : vector<16xf32>
      %mul3A_165 = arith.constant 5.000000e-01 : f32
      %mul3A_166 = vector.broadcast %mul3A_165 : f32 to vector<16xf32>
      %mul3A_167 = arith.mulf %mul3A_166, %max3A_147 : vector<16xf32>
      %mul3A_168 = arith.mulf %mul3A_167, %mul3A_164 : vector<16xf32>
      %mul3A_169 = arith.mulf %mul3A_168, %mul3A_164 : vector<16xf32>
      %sub3A_170 = arith.constant 1.500000e+00 : f32
      %sub3A_171 = vector.broadcast %sub3A_170 : f32 to vector<16xf32>
      %sub3A_172 = arith.subf %sub3A_171, %mul3A_169 : vector<16xf32>
      %mul3A_173 = arith.mulf %mul3A_164, %sub3A_172 : vector<16xf32>
      %mul3A_174 = arith.constant 5.000000e-01 : f32
      %mul3A_175 = vector.broadcast %mul3A_174 : f32 to vector<16xf32>
      %mul3A_176 = arith.mulf %mul3A_175, %max3A_147 : vector<16xf32>
      %mul3A_177 = arith.mulf %mul3A_176, %mul3A_173 : vector<16xf32>
      %mul3A_178 = arith.mulf %mul3A_177, %mul3A_173 : vector<16xf32>
      %sub3A_179 = arith.constant 1.500000e+00 : f32
      %sub3A_180 = vector.broadcast %sub3A_179 : f32 to vector<16xf32>
      %sub3A_181 = arith.subf %sub3A_180, %mul3A_178 : vector<16xf32>
      %mul3A_182 = arith.mulf %mul3A_173, %sub3A_181 : vector<16xf32>
      %min3A_183 = arith.constant 9.99999995E+11 : f32
      %min3A_184 = vector.broadcast %min3A_183 : f32 to vector<16xf32>
      %min3A_185 = arith.minimumf %mul3A_182, %min3A_184 : vector<16xf32>
      %sub3A_186 = arith.subf %scan3A_143#1, %scan3A_143#2 : vector<16xf32>
      %mul3A_187 = arith.mulf %sub3A_186, %min3A_185 : vector<16xf32>
      %mul3A_188 = arith.mulf %mul3A_187, %min3A_185 : vector<16xf32>
      %mul3A_189 = arith.constant 2.000000e+00 : f32
      %mul3A_190 = vector.broadcast %mul3A_189 : f32 to vector<16xf32>
      %mul3A_191 = arith.mulf %mul3A_190, %mul3A_188 : vector<16xf32>
      %mul3A_192 = arith.mulf %mul3A_191, %scan3A_143#4 : vector<16xf32>
      %sub3A_193 = arith.subf %scan3A_143#3, %mul3A_192 : vector<16xf32>
      %mul3A_194 = arith.mulf %mul3A_188, %mul3A_188 : vector<16xf32>
      %mul3A_195 = arith.mulf %mul3A_194, %scan3A_143#0 : vector<16xf32>
      %add3A_196 = arith.addf %sub3A_193, %mul3A_195 : vector<16xf32>
      %max3A_197 = arith.constant 0.000000e+00 : f32
      %max3A_198 = vector.broadcast %max3A_197 : f32 to vector<16xf32>
      %max3A_199 = arith.maximumf %add3A_196, %max3A_198 : vector<16xf32>
      %max3A_200 = arith.constant 1.000000e-30 : f32
      %max3A_201 = vector.broadcast %max3A_200 : f32 to vector<16xf32>
      %max3A_202 = arith.maximumf %max3A_199, %max3A_201 : vector<16xf32>
      %bitcast3A_203 = vector.bitcast %max3A_202 : vector<16xf32> to vector<16xi32>
      %shift_right_arithmetic3A_204 = arith.constant 1 : i32
      %shift_right_arithmetic3A_205 = vector.broadcast %shift_right_arithmetic3A_204 : i32 to vector<16xi32>
      %shift_right_arithmetic3A_206 = arith.shrsi %bitcast3A_203, %shift_right_arithmetic3A_205 : vector<16xi32>
      %sub3A_207 = arith.constant 1597463007 : i32
      %sub3A_208 = vector.broadcast %sub3A_207 : i32 to vector<16xi32>
      %sub3A_209 = arith.subi %sub3A_208, %shift_right_arithmetic3A_206 : vector<16xi32>
      %bitcast3A_210 = vector.bitcast %sub3A_209 : vector<16xi32> to vector<16xf32>
      %mul3A_211 = arith.constant 5.000000e-01 : f32
      %mul3A_212 = vector.broadcast %mul3A_211 : f32 to vector<16xf32>
      %mul3A_213 = arith.mulf %mul3A_212, %max3A_202 : vector<16xf32>
      %mul3A_214 = arith.mulf %mul3A_213, %bitcast3A_210 : vector<16xf32>
      %mul3A_215 = arith.mulf %mul3A_214, %bitcast3A_210 : vector<16xf32>
      %sub3A_216 = arith.constant 1.500000e+00 : f32
      %sub3A_217 = vector.broadcast %sub3A_216 : f32 to vector<16xf32>
      %sub3A_218 = arith.subf %sub3A_217, %mul3A_215 : vector<16xf32>
      %mul3A_219 = arith.mulf %bitcast3A_210, %sub3A_218 : vector<16xf32>
      %mul3A_220 = arith.constant 5.000000e-01 : f32
      %mul3A_221 = vector.broadcast %mul3A_220 : f32 to vector<16xf32>
      %mul3A_222 = arith.mulf %mul3A_221, %max3A_202 : vector<16xf32>
      %mul3A_223 = arith.mulf %mul3A_222, %mul3A_219 : vector<16xf32>
      %mul3A_224 = arith.mulf %mul3A_223, %mul3A_219 : vector<16xf32>
      %sub3A_225 = arith.constant 1.500000e+00 : f32
      %sub3A_226 = vector.broadcast %sub3A_225 : f32 to vector<16xf32>
      %sub3A_227 = arith.subf %sub3A_226, %mul3A_224 : vector<16xf32>
      %mul3A_228 = arith.mulf %mul3A_219, %sub3A_227 : vector<16xf32>
      %mul3A_229 = arith.constant 5.000000e-01 : f32
      %mul3A_230 = vector.broadcast %mul3A_229 : f32 to vector<16xf32>
      %mul3A_231 = arith.mulf %mul3A_230, %max3A_202 : vector<16xf32>
      %mul3A_232 = arith.mulf %mul3A_231, %mul3A_228 : vector<16xf32>
      %mul3A_233 = arith.mulf %mul3A_232, %mul3A_228 : vector<16xf32>
      %sub3A_234 = arith.constant 1.500000e+00 : f32
      %sub3A_235 = vector.broadcast %sub3A_234 : f32 to vector<16xf32>
      %sub3A_236 = arith.subf %sub3A_235, %mul3A_233 : vector<16xf32>
      %mul3A_237 = arith.mulf %mul3A_228, %sub3A_236 : vector<16xf32>
      %mul3A_238 = arith.mulf %max3A_199, %mul3A_237 : vector<16xf32>
      %sub3A_239 = arith.subf %mul3A_136, %mul3A_238 : vector<16xf32>
      %add3A_240 = arith.constant 1.000000e+00 : f32
      %add3A_241 = vector.broadcast %add3A_240 : f32 to vector<16xf32>
      %add3A_242 = arith.addf %sub3A_239, %add3A_241 : vector<16xf32>
      %max3A_243 = arith.constant 0.000000e+00 : f32
      %max3A_244 = vector.broadcast %max3A_243 : f32 to vector<16xf32>
      %max3A_245 = arith.maximumf %add3A_242, %max3A_244 : vector<16xf32>
      %add3A_246 = arith.addf %scan3A_35, %max3A_245 : vector<16xf32>
      scf.yield %add3A_246 : vector<16xf32>
    }
    %scan3A_32 = arith.constant 8 : i32
    %swap3A = arith.constant 0 : index
    %swap3A_33 = tpu.vector_load %arg17[%swap3A] {strides = array<i32>} : memref<16xf32, #tpu.memory_space<vmem>>, vector<16xf32>,
    tpu.vector_store %arg17[%swap3A], %scan3A_31 {strides = array<i32>} : memref<16xf32, #tpu.memory_space<vmem>>, vector<16xf32>,
    "tpu.region"() ({
      %run_scoped3A = tpu.sem_alloc : memref<!tpu.dma_semaphore, #tpu.memory_space<semaphore_mem>>
      %dma_start3A_34 = arith.constant 0 : i32
      %dma_start3A_35 = tpu.memref_slice %arg7[%add3A, %dma_start3A_34] : memref<32x16xf32, #tpu.memory_space<hbm>> -> memref<1x16xf32, #tpu.memory_space<hbm>>
      %dma_start3A_36 = tpu.memref_squeeze %dma_start3A_35 : memref<1x16xf32, #tpu.memory_space<hbm>> -> memref<16xf32, #tpu.memory_space<hbm>>
      %dma_start3A_37 = arith.constant 0 : i32
      %dma_start3A_38 = tpu.memref_slice %arg7[%add3A, %dma_start3A_37] : memref<32x16xf32, #tpu.memory_space<hbm>> -> memref<1x16xf32, #tpu.memory_space<hbm>>
      %dma_start3A_39 = tpu.memref_squeeze %dma_start3A_38 : memref<1x16xf32, #tpu.memory_space<hbm>> -> memref<16xf32, #tpu.memory_space<hbm>>
      tpu.enqueue_dma source(%arg17 : memref<16xf32, #tpu.memory_space<vmem>>) target(%dma_start3A_39 : memref<16xf32, #tpu.memory_space<hbm>>) target_semaphore(%run_scoped3A : memref<!tpu.dma_semaphore, #tpu.memory_space<semaphore_mem>>)
      %dma_wait3A_40 = arith.constant 0 : i32
      %dma_wait3A_41 = tpu.memref_slice %arg7[%add3A, %dma_wait3A_40] : memref<32x16xf32, #tpu.memory_space<hbm>> -> memref<1x16xf32, #tpu.memory_space<hbm>>
      %dma_wait3A_42 = tpu.memref_squeeze %dma_wait3A_41 : memref<1x16xf32, #tpu.memory_space<hbm>> -> memref<16xf32, #tpu.memory_space<hbm>>
      %dma_wait3A_43 = arith.constant 0 : i32
      %dma_wait3A_44 = tpu.memref_slice %arg7[%add3A, %dma_wait3A_43] : memref<32x16xf32, #tpu.memory_space<hbm>> -> memref<1x16xf32, #tpu.memory_space<hbm>>
      %dma_wait3A_45 = tpu.memref_squeeze %dma_wait3A_44 : memref<1x16xf32, #tpu.memory_space<hbm>> -> memref<16xf32, #tpu.memory_space<hbm>>
      tpu.wait_dma2 semaphore(%run_scoped3A : memref<!tpu.dma_semaphore, #tpu.memory_space<semaphore_mem>>) src(%arg17 : memref<16xf32, #tpu.memory_space<vmem>>) dst(%dma_wait3A_45 : memref<16xf32, #tpu.memory_space<hbm>>)
      tpu.yield
    }) : () -> ()
    return
  }
}

</mosaic_0001>

<sc_bundles>
// kernel: kernel.3.cloned.1.call-start
scs
__scs_entry_jumppad:
0x0: {  	(pc) =	sbr.rel $0x88, $3  }
0x1: {  	(tag) =	ssettag $0x0;
	lr =	simm.s32 $0x1  }
0x2: {  	[smem:$0x3F9B] =	sst lr;
	_ =	strace $0xD0000000  }
0x3: {  	_ = 	snop  }
0x4: {  	_ = 	snop  }
0x5: {  	_ = 	snop  }
0x6: {  	_ = 	snop  }
0x7: {  	_ = 	snop  }
__scs_overlays_trampoline_lowered:
0x8: {  	[smem:$0x3FAA] =	sst s0  }
0x9: {  	[smem:$0x3FAB] =	sst s1  }
0xa: {  	[smem:$0x3FAC] =	sst s2  }
0xb: {  	[smem:$0x3FAD] =	sst s3  }
0xc: {  	[smem:$0x3FAE] =	sst s4  }
0xd: {  	[smem:$0x3FAF] =	sst s5  }
0xe: {  	[smem:$0x3FB0] =	sst s6  }
0xf: {  	[smem:$0x3FB1] =	sst s7  }
0x10: {  	[smem:$0x3FB2] =	sst s8  }
0x11: {  	[smem:$0x3FB3] =	sst s9;
	s0 =	simm.s32 @!p0 $0x0  }
0x12: {  	s1 =	sld [smem:$0x3F99];
	s0 =	simm.s32 @p0 $0x1  }
0x13: {  	[smem:$0x3FB4] =	sst s0;
	s0 =	simm.s32 @!p1 $0x0  }
0x14: {  	s2 =	sld [smem:$0x3F98];
	s0 =	simm.s32 @p1 $0x1  }
0x15: {  	[smem:$0x3FB5] =	sst s0;
	s0 =	simm.s32 @!p2 $0x0  }
0x16: {  	s3 =	sld [smem:$0x3FDB];
	s0 =	simm.s32 @p2 $0x1  }
0x17: {  	s4 =	simm.s32 $0x1BF5;
	[smem:$0x3FB7] =	sst s0  }
0x18: {  	s0 =	sld [smem:$0x3F9A];
	_ =	swait.ge [sflag:s4], $0x0  }
0x19: {  	s7 =	sld [smem:$0x3F9B]  }
0x1a: {  	s8 =	sadd.s32 $0xFFFFE003, lr  }
0x1b: {  	s9 =	sadd.s32 $0xFFFFFEF7, lr;
	s5 =	simm.s32 $0xFFFFFFFF;
	p2 =	slt.u32 s8, $0xFFFFF086  }
0x1c: {  	p1 =	slt.u32 s9, $0xF7A;
	s5 =	simm.s32 @!p2 $0x0  }
0x1d: {  	s5 =	simm.s32 @p1 $0x1;
	p0 =	seq.s32 s7, s2  }
0x1e: {  	s7 =	smul.u32 @!p0 $0xF7A, s2;
	p2 =	seq.s32 @!p0 s5, $0x0  }
0x1f: {  	s9 =	smul.u32 $0xF7A, s1;
	s8 =	simm.s32 @!p0 $0x1BF5;
	p2 =	por !p2, p0  }
0x20: {  	[sflag:s8] =	ssyncset.s32 @!p0 $0xFFFFF086;
	s6 =	sadd.s32 @!p0 s3, s7;
	s7 =	simm.s32 @!p0 $0x108  }
0x21: {  	s3 =	sadd.s32 s3, s9;
	s6 =	sadd.s32 @!p0 $0x88, s6;
	s7 =	simm.s32 @p2 $0x1082  }
0x22: {  	[simem:s7], [sflag:s8] =	dma.local @!p0 [hbm:s6], $0xF7A  }
0x23: {  	s9 =	sor.u32 $0xD0000000, s2;
	s6 =	simm.s32 $0x108;
	_ =	swait.ge @!p0 [sflag:s8], $0x0  }
0x24: {  	s3 =	sadd.s32 $0x88, s3;
	s6 =	simm.s32 @!p1 $0x1082;
	[sflag:s4] =	ssyncset.s32 $0xFFFFF086  }
0x25: {  	[simem:s6], [sflag:s4] =	dma.local [hbm:s3], $0xF7A  }
0x26: {  	[smem:$0x3F9B] =	sst s1;
	(tag) =	ssettag s2;
	_ =	strace s9  }
0x27: {  	s1 =	sld [smem:$0x3FAB]  }
0x28: {  	s2 =	sld [smem:$0x3FAC]  }
0x29: {  	s4 =	sld [smem:$0x3FAE]  }
0x2a: {  	p0 =	seq.s32 s5, $0x0;
	s5 =	sld [smem:$0x3FAF]  }
0x2b: {  	s6 =	sld [smem:$0x3FB0]  }
0x2c: {  	s7 =	sld [smem:$0x3FB1]  }
0x2d: {  	s3 =	simm.s32 $0x108;
	s8 =	sld [smem:$0x3FB2]  }
0x2e: {  	s3 =	simm.s32 @!p0 $0x1082;
	s9 =	sld [smem:$0x3FB3]  }
0x2f: {  	lr =	sadd.s32 s0, s3;
	s0 =	sld [smem:$0x3FAA]  }
0x30: {  	s3 =	sld [smem:$0x3FAD]  }
0x31: {  	[smem:$0x3FB6] =	sst s10  }
0x32: {  	s10 =	sld [smem:$0x3FB4];
	_ =	sdelay $0x3  }
0x33: {  	p0 =	seq.s32 s10, $0x1;
	s10 =	sld [smem:$0x3FB6];
	_ =	sdelay $0x3  }
0x34: {  	[smem:$0x3FB6] =	sst s10  }
0x35: {  	s10 =	sld [smem:$0x3FB5];
	_ =	sdelay $0x3  }
0x36: {  	p1 =	seq.s32 s10, $0x1;
	s10 =	sld [smem:$0x3FB6];
	_ =	sdelay $0x3  }
0x37: {  	[smem:$0x3FB6] =	sst s10  }
0x38: {  	s10 =	sld [smem:$0x3FB7]  }
0x39: {  	_ = 	snop;
	(pc) =	sbr.ind lr, $3  }
0x3a: {  	_ = 	snop  }
0x3b: {  	_ = 	snop  }
0x3c: {  	p2 =	seq.s32 s10, $0x1;
	s10 =	sld [smem:$0x3FB6]  }
0x3d: {  	_ =	shalt  }
0x3e: {  	_ =	shalt  }
0x3f: {  	_ =	shalt  }
0x40: {  	_ =	shalt  }
0x41: {  	_ =	shalt  }
0x42: {  	_ =	shalt  }
0x43: {  	_ =	shalt  }
0x44: {  	_ =	shalt  }
0x45: {  	_ =	shalt  }
0x46: {  	_ =	shalt  }
0x47: {  	_ =	shalt  }
0x48: {  	_ =	shalt  }
0x49: {  	_ =	shalt  }
0x4a: {  	_ =	shalt  }
0x4b: {  	_ =	shalt  }
0x4c: {  	_ =	shalt  }
0x4d: {  	_ =	shalt  }
0x4e: {  	_ =	shalt  }
0x4f: {  	_ =	shalt  }
0x50: {  	_ =	shalt  }
0x51: {  	_ =	shalt  }
0x52: {  	_ =	shalt  }
0x53: {  	_ =	shalt  }
0x54: {  	_ =	shalt  }
0x55: {  	_ =	shalt  }
0x56: {  	_ =	shalt  }
0x57: {  	_ =	shalt  }
0x58: {  	_ =	shalt  }
0x59: {  	_ =	shalt  }
0x5a: {  	_ =	shalt  }
0x5b: {  	_ =	shalt  }
0x5c: {  	_ =	shalt  }
0x5d: {  	_ =	shalt  }
0x5e: {  	_ =	shalt  }
0x5f: {  	_ =	shalt  }
0x60: {  	_ =	shalt  }
0x61: {  	_ =	shalt  }
0x62: {  	_ =	shalt  }
0x63: {  	_ =	shalt  }
0x64: {  	_ =	shalt  }
0x65: {  	_ =	shalt  }
0x66: {  	_ =	shalt  }
0x67: {  	_ =	shalt  }
0x68: {  	_ =	shalt  }
0x69: {  	_ =	shalt  }
0x6a: {  	_ =	shalt  }
0x6b: {  	_ =	shalt  }
0x6c: {  	_ =	shalt  }
0x6d: {  	_ =	shalt  }
0x6e: {  	_ =	shalt  }
0x6f: {  	_ =	shalt  }
0x70: {  	_ =	shalt  }
0x71: {  	_ =	shalt  }
0x72: {  	_ =	shalt  }
0x73: {  	_ =	shalt  }
0x74: {  	_ =	shalt  }
0x75: {  	_ =	shalt  }
0x76: {  	_ =	shalt  }
0x77: {  	_ =	shalt  }
0x78: {  	_ =	shalt  }
0x79: {  	_ =	shalt  }
0x7a: {  	_ =	shalt  }
0x7b: {  	_ =	shalt  }
0x7c: {  	_ =	shalt  }
0x7d: {  	_ =	shalt  }
0x7e: {  	_ =	shalt  }
0x7f: {  	_ =	shalt  }
0x80: {  	_ =	shalt  }
0x81: {  	_ =	shalt  }
0x82: {  	_ =	shalt  }
0x83: {  	_ =	shalt  }
0x84: {  	_ =	shalt  }
0x85: {  	_ =	shalt  }
0x86: {  	_ =	shalt  }
0x87: {  	_ =	shalt  }
.Lfunc_end0:
.L_simem_size_0:
called_computation_lowered:
.L_overlay_start_0:
0x88: {  	s2 =	sld [smem:$0x3FD9]  }
0x89: {  	s3 =	sld [smem:$0x3FFE];
	_ =	sdelay $0x1  }
0x8a: {  	s1 =	srdreg.scid  }
0x8b: {  	s0 =	sand.u32 $0x1, s1  }
0x8c: {  	s17 =	sshll.u32 s0, $0xA;
	s2 =	sadd.s32 s3, s2  }
0x8d: {  	s2 =	sadd.s32 s2, s17  }
0x8e: {  	[smem:$0x3FC2] =	sst s2  }
0x8f: {  	_ = 	snop  }
0x90: {  	s2 =	sld [smem:$0x3FC6]  }
0x91: {  	s18 =	sld [smem:$0x3FC5]  }
0x92: {  	s4 =	sld [smem:$0x3FC4];
	(tm) =	ssettm $0x1  }
0x93: {  	s5 =	sld [smem:$0x3FFB];
	_ =	sdelay $0x3  }
0x94: {  	_ =	strace s5  }
0x95: {  	s5 =	sld [smem:$0x3FFC];
	_ =	sdelay $0x3  }
0x96: {  	_ =	strace s5  }
0x97: {  	s5 =	sld [smem:$0x3FFD];
	_ =	sdelay $0x3  }
0x98: {  	_ =	strace s5  }
0x99: {  	_ =	strace $0x8FFFFFFF  }
0x9a: {  	s19 =	sld [smem:$0x3FDB];
	_ =	sdelay $0x1  }
0x9b: {  	s6 =	simm.s32 $_scs_section_size  }
0x9c: {  	s7 =	simm.s32 $_size__tile_overlayer_lowered;
	s8 =	simm.s32 $_tile_overlayer_lowered  }
0x9d: {  	s22 =	simm.s32 $0x1BFF;
	s21 =	sshll.u32 s8, $0x1;
	s5 =	sadd.s32 s6, s19  }
0x9e: {  	s9 =	simm.s32 $0x0;
	s20 =	sshll.u32 s7, $0x1;
	s7 =	sadd.s32 s21, s5  }
0x9f: {  	[timem:s9], [sflag:s22] =	dma.local [hbm:s7], s20  }
0xa0: {  	_ =	swait.ge [sflag:s22], s20  }
0xa1: {  	s6 =	ssub.s32 $0x0, s20;
	[sflag:s22] =	ssyncset.done $0x0  }
0xa2: {  	[sflag:s22] =	ssyncadd.s32 s6;
	_ =	sdelay $0x1  }
0xa3: {  	s23 =	simm.s32 $0x1B8B  }
0xa4: {  	_ =	swait.ge [sflag:s23], $0x1  }
0xa5: {  	[sflag:s23] =	ssyncset.done $0x0  }
0xa6: {  	s25 =	simm.s32 $0x1B8E;
	s24 =	sld [smem:$0x3FFE];
	[sflag:s23] =	ssyncadd.s32 $0xFFFFFFFF  }
0xa7: {  	s26 =	simm.s32 $execute0_lowered;
	[smem:$0x3FD2] =	sst s25  }
0xa8: {  	s7 =	sshll.u32 s26, $0x1;
	_ =	strace $0x80000046;
	[dreg:$0x1] =	wrdreg $0xFFFFFFFF  }
0xa9: {  	s28 =	simm.s32 $_size_execute0_lowered;
	s5 =	sadd.s32 s5, s7;
	[dreg:$0x0] =	wrdreg $0x0  }
0xaa: {  	s7 =	sshll.u32 s28, $0x1;
	[dreg:$0x2] =	wrdreg s5  }
0xab: {  	[dreg:$0x3] =	wrdreg s7  }
0xac: {  	[dreg:$0x4] =	wrdreg $0xC0  }
0xad: {  	_ =	task [dreg:s9], $0x5FFFF  }
0xae: {  	[dreg:$0x1] =	wrdreg $0xFFFFFFFF  }
0xaf: {  	[dreg:$0x0] =	wrdreg $0x60  }
0xb0: {  	[dreg:$0x2] =	wrdreg s24  }
0xb1: {  	[dreg:$0x3] =	wrdreg s2  }
0xb2: {  	[dreg:$0x4] =	wrdreg s18  }
0xb3: {  	[dreg:$0x5] =	wrdreg s4  }
0xb4: {  	[dreg:$0x6] =	wrdreg $0x9  }
0xb5: {  	_ =	task.clear_ibuf [dreg:s9], $0x7FFFF;
	_ =	strace $0x90000046  }
0xb6: {  	s29 =	simm.s32 $0x9;
	_ =	strace $0x80000048  }
0xb7: {  	_ =	swait.ge [sflag:s29], $0x1  }
0xb8: {  	[sflag:s29] =	ssyncadd.s32 $0xFFFFFFFF  }
0xb9: {  	_ =	strace $0x90000048  }
0xba: {  	_ =	sfence  }
0xbb: {  	s30 =	sld [smem:$0x0];
	_ =	sdelay $0x2  }
0xbc: {  	s31 =	sshll.u32 s1, $0xD;
	s1 =	sshrl.u32 s1, $0x2  }
0xbd: {  	s3 =	sand.u32 $0x4000, s31;
	s1 =	sadd.s32 s1, s30  }
0xbe: {  	s0 =	sor.u32 s3, s0;
	s1 =	sshll.u32 s1, $0x11  }
0xbf: {  	s0 =	sor.u32 s1, s0  }
0xc0: {  	s0 =	sadd.s32 $0x8F2B, s0  }
0xc1: {  	[sflag:s0] =	ssyncadd.remote.s32 $0x1  }
0xc2: {  	_ =	sfence.sel $0xFFFF  }
0xc3: {  	[dreg:$0x0] =	wrdreg $0xFFFFFFFF;
	(pc) =	sbr.abs _section_cstart, $3  }
0xc4: {  	[dreg:$0x1] =	wrdreg $0xFFFFFFFF  }
0xc5: {  	_ =	task.clear_ibuf [dreg:s9], $0x2FFFF;
	_ =	strace $0x9FFFFFFF  }
0xc6: {  	(tm) =	ssettm $0x7FFFFFFF  }
0xc7: {  	_ =	shalt  }
tec
execute0_lowered:
.L_overlay_start_1:
0x0: {  	(tag) =	ssettag $0x1  }
0x1: {  	s5 =	rddreg [dreg:$0x0]  }
0x2: {  	s9 =	rddreg [dreg:$0x1]  }
0x3: {  	s10 =	rddreg [dreg:$0x2]  }
0x4: {  	s6 =	rddreg [dreg:$0x3]  }
0x5: {  	s0 =	rddreg [dreg:$0x4]  }
0x6: {  	s2 =	simm.s32 $0x0;
	s1 =	stileid.u32;
	s7 =	srdreg.scid  }
0x7: {  	s15 =	simm.s32 $0x10300;
	s16 =	simm.s32 $0x14300;
	s17 =	simm.s32 $0x2  }
0x8: {  	s18 =	simm.s32 $0x1;
	s19 =	simm.s32 $0x300;
	s20 =	simm.s32 $0x18300  }
0x9: {  	s21 =	simm.s32 $0x0;
	[smem:$0x7FF] =	sst s2;
	s3 =	sadd.s32 $0x8400, s5  }
0xa: {  	s4 =	sadd.s32 $0x400, s5;
	s8 =	sshll.u32 s1, $0x4;
	s7 =	sand.u32 $0x1, s7  }
0xb: {  	_ =	strace $0x80000047;
	s12 =	ssub.s32 $0x2, s7;
	s7 =	sshll.u32 s7, $0x8  }
0xc: {  	s11 =	sand.u32 $0x70, s8;
	s31 =	sshrl.u32 s12, $0x1;
	s8 =	sor.u32 s8, s7  }
0xd: {  	s11 =	sadd.s32 s11, s5;
	s12 =	ssub.s32 s12, s31;
	s5 =	sadd.s32 s6, s8  }
0xe: {  	v0 =	vlaneseq.u32;
	s13 =	sor.u32 $0x200, s8;
	s7 =	sadd.s32 s9, s8;
	s14 =	sand.u32 $0x180, s8  }
0xf: {  	v0 =	vmul.u32 $0x80, v0;
	s8 =	sadd.s32 s10, s8;
	s6 =	sadd.s32 s6, s13;
	s9 =	sadd.s32 s9, s13  }
0x10: {  	s11 =	sadd.s32 s14, s11;
	s10 =	sadd.s32 s10, s13;
	s12 =	smax.u32 s12, $0x1  }
0x11: {  	v1 =	vor.u32 $0x4000, v0;
	v2 =	vor.u32 $0x8000, v0;
	v3 =	vor.u32 $0xC000, v0;
	s13 =	simm.s32 $0x3;
	s14 =	simm.s32 $0x80;
	s11 =	sadd.s32 $0x4400, s11  }
.LBB2_1:
0x12: {  	[tilespmem:s2], [sflag:$0x3] =	stream.linear.gather [hbm4b:s5+s2], $0x80, $0x38;
	[tilespmem:$0x18380] =	vst v63  }
0x13: {  	_ =	swait.ge [sflag:s13], $0x80  }
0x14: {  	[sflag:s13] =	ssyncset.done $0x0  }
0x15: {  	[sflag:s13] =	ssyncadd.s32 $0xFFFFFF80  }
0x16: {  	[tilespmem:s14], [sflag:$0x3] =	stream.linear.gather [hbm4b:s6+s2], $0x80, $0x38;
	[tilespmem:$0x18380] =	vst v63  }
0x17: {  	_ =	swait.ge [sflag:s13], $0x80  }
0x18: {  	[sflag:s13] =	ssyncset.done $0x0  }
0x19: {  	[sflag:s13] =	ssyncadd.s32 $0xFFFFFF80  }
0x1a: {  	[tilespmem:s15], [sflag:$0x1] =	stream.indirect.gather [hbm4b:s4+s14], $0x80, s2, s14, $0xb8;
	[tilespmem:$0x18380] =	vst v63  }
0x1b: {  	_ = 	snop  }
0x1c: {  	[tilespmem:s16], [sflag:$0x1] =	stream.indirect.gather [hbm4b:s4+s14], $0x80, s14, s14, $0xb8;
	[tilespmem:$0x18380] =	vst v63  }
0x1d: {  	s22 =	simm.s32 $0x100  }
0x1e: {  	[tilespmem:s22], [sflag:$0x3] =	stream.linear.gather [hbm4b:s7+s2], $0x80, $0x38;
	[tilespmem:$0x18380] =	vst v63  }
0x1f: {  	_ =	swait.ge [sflag:s13], $0x80  }
0x20: {  	[sflag:s13] =	ssyncset.done $0x0  }
0x21: {  	s23 =	simm.s32 $0x180;
	[sflag:s13] =	ssyncadd.s32 $0xFFFFFF80  }
0x22: {  	[tilespmem:s23], [sflag:$0x3] =	stream.linear.gather [hbm4b:s8+s2], $0x80, $0x38;
	[tilespmem:$0x18380] =	vst v63  }
0x23: {  	_ =	swait.ge [sflag:s13], $0x80  }
0x24: {  	[sflag:s13] =	ssyncset.done $0x0  }
0x25: {  	s24 =	simm.s32 $0x200;
	[sflag:s13] =	ssyncadd.s32 $0xFFFFFF80  }
0x26: {  	[tilespmem:s24], [sflag:$0x3] =	stream.linear.gather [hbm4b:s9+s2], $0x80, $0x38;
	[tilespmem:$0x18380] =	vst v63  }
0x27: {  	_ =	swait.ge [sflag:s13], $0x80  }
0x28: {  	[sflag:s13] =	ssyncset.done $0x0  }
0x29: {  	s25 =	simm.s32 $0x280;
	[sflag:s13] =	ssyncadd.s32 $0xFFFFFF80  }
0x2a: {  	[tilespmem:s25], [sflag:$0x3] =	stream.linear.gather [hbm4b:s10+s2], $0x80, $0x38;
	[tilespmem:$0x18380] =	vst v63  }
0x2b: {  	_ =	swait.ge [sflag:s13], $0x80  }
0x2c: {  	[sflag:s13] =	ssyncset.done $0x0  }
0x2d: {  	s26 =	simm.s32 $0x0;
	[sflag:s13] =	ssyncadd.s32 $0xFFFFFF80  }
.LBB2_2:
0x2e: {  	v4 =	vld [tilespmem:s22+$0x0];
	_ =	sdelay $0x3  }
0x2f: {  	v5 =	vld [tilespmem:s23+$0x0]  }
0x30: {  	v7 =	vshll.u32 v4, $0x4  }
0x31: {  	v4 =	vld [tilespmem:s24+$0x0];
	(v2sf) =	vpush v7, $0x0;
	_ =	sdelay $0x2  }
0x32: {  	v6 =	vshll.u32 v5, $0x4  }
0x33: {  	v8 =	vld [tilespmem:s25+$0x0];
	(v2sf) =	vpush v6, $0x0  }
0x34: {  	v5 =	vshll.u32 v4, $0x4  }
0x35: {  	(v2sf) =	vpush v5, $0x0;
	_ =	sdelay $0x2  }
0x36: {  	v4 =	vshll.u32 v8, $0x4  }
0x37: {  	(v2sf) =	vpush v4, $0x0;
	_ =	sdelay $0x4  }
0x38: {  	s29 =	spop (v2sf);
	(v2sf) =	vpush v7, $0x1  }
0x39: {  	s28 =	sshra.s32 s26, $0x2;
	s29 =	sand.u32 $0x1FFFFFF0, s29  }
0x3a: {  	s30 =	sadd.s32 $0x300, s28;
	s29 =	sadd.s32 s3, s29  }
0x3b: {  	[tilespmem:s30], [sflag:$0x2] =	stream.linear.gather [hbm4b:s29+s2], $0x80, $0x38;
	[tilespmem:$0x18380] =	vst v63  }
0x3c: {  	s30 =	spop (v2sf);
	(v2sf) =	vpush v6, $0x1;
	_ =	sdelay $0x1  }
0x3d: {  	s29 =	sand.u32 $0x1FFFFFF0, s30;
	s30 =	spop (v2sf);
	(v2sf) =	vpush v5, $0x1;
	_ =	sdelay $0x1  }
0x3e: {  	s31 =	sadd.s32 $0x4300, s28;
	s29 =	sadd.s32 s3, s29  }
0x3f: {  	[tilespmem:s31], [sflag:$0x2] =	stream.linear.gather [hbm4b:s29+s2], $0x80, $0x38;
	[tilespmem:$0x18380] =	vst v63  }
0x40: {  	s29 =	sand.u32 $0x1FFFFFF0, s30;
	s30 =	spop (v2sf);
	(v2sf) =	vpush v4, $0x1;
	_ =	sdelay $0x2  }
0x41: {  	s31 =	sadd.s32 $0x8300, s28;
	s29 =	sadd.s32 s3, s29  }
0x42: {  	[tilespmem:s31], [sflag:$0x2] =	stream.linear.gather [hbm4b:s29+s2], $0x80, $0x38;
	[tilespmem:$0x18380] =	vst v63  }
0x43: {  	s29 =	sand.u32 $0x1FFFFFF0, s30;
	s30 =	spop (v2sf);
	(v2sf) =	vpush v7, $0x2  }
0x44: {  	s31 =	sadd.s32 $0xC300, s28;
	s29 =	sadd.s32 s3, s29  }
0x45: {  	[tilespmem:s31], [sflag:$0x2] =	stream.linear.gather [hbm4b:s29+s2], $0x80, $0x38;
	[tilespmem:$0x18380] =	vst v63  }
0x46: {  	s29 =	sand.u32 $0x1FFFFFF0, s30  }
0x47: {  	s31 =	sadd.s32 $0x380, s28;
	s29 =	sadd.s32 s3, s29;
	s30 =	spop (v2sf);
	(v2sf) =	vpush v6, $0x2  }
0x48: {  	[tilespmem:s31], [sflag:$0x2] =	stream.linear.gather [hbm4b:s29+s2], $0x80, $0x38;
	[tilespmem:$0x18380] =	vst v63  }
0x49: {  	s29 =	sand.u32 $0x1FFFFFF0, s30;
	s30 =	spop (v2sf);
	(v2sf) =	vpush v5, $0x2;
	_ =	sdelay $0x1  }
0x4a: {  	s31 =	sadd.s32 $0x4380, s28;
	s29 =	sadd.s32 s3, s29  }
0x4b: {  	[tilespmem:s31], [sflag:$0x2] =	stream.linear.gather [hbm4b:s29+s2], $0x80, $0x38;
	[tilespmem:$0x18380] =	vst v63  }
0x4c: {  	s29 =	sand.u32 $0x1FFFFFF0, s30;
	s30 =	spop (v2sf);
	(v2sf) =	vpush v4, $0x2;
	_ =	sdelay $0x2  }
0x4d: {  	s31 =	sadd.s32 $0x8380, s28;
	s29 =	sadd.s32 s3, s29  }
0x4e: {  	[tilespmem:s31], [sflag:$0x2] =	stream.linear.gather [hbm4b:s29+s2], $0x80, $0x38;
	[tilespmem:$0x18380] =	vst v63  }
0x4f: {  	s29 =	sand.u32 $0x1FFFFFF0, s30;
	s30 =	spop (v2sf);
	(v2sf) =	vpush v7, $0x3  }
0x50: {  	s31 =	sadd.s32 $0xC380, s28;
	s29 =	sadd.s32 s3, s29  }
0x51: {  	[tilespmem:s31], [sflag:$0x2] =	stream.linear.gather [hbm4b:s29+s2], $0x80, $0x38;
	[tilespmem:$0x18380] =	vst v63  }
0x52: {  	s29 =	sand.u32 $0x1FFFFFF0, s30  }
0x53: {  	s31 =	sadd.s32 $0x400, s28;
	s29 =	sadd.s32 s3, s29;
	s30 =	spop (v2sf);
	(v2sf) =	vpush v6, $0x3  }
0x54: {  	[tilespmem:s31], [sflag:$0x2] =	stream.linear.gather [hbm4b:s29+s2], $0x80, $0x38;
	[tilespmem:$0x18380] =	vst v63  }
0x55: {  	s29 =	sand.u32 $0x1FFFFFF0, s30;
	s30 =	spop (v2sf);
	(v2sf) =	vpush v5, $0x3;
	_ =	sdelay $0x1  }
0x56: {  	s31 =	sadd.s32 $0x4400, s28;
	s29 =	sadd.s32 s3, s29  }
0x57: {  	[tilespmem:s31], [sflag:$0x2] =	stream.linear.gather [hbm4b:s29+s2], $0x80, $0x38;
	[tilespmem:$0x18380] =	vst v63  }
0x58: {  	s29 =	sand.u32 $0x1FFFFFF0, s30;
	s30 =	spop (v2sf);
	(v2sf) =	vpush v4, $0x3;
	_ =	sdelay $0x2  }
0x59: {  	s31 =	sadd.s32 $0x8400, s28;
	s29 =	sadd.s32 s3, s29  }
0x5a: {  	[tilespmem:s31], [sflag:$0x2] =	stream.linear.gather [hbm4b:s29+s2], $0x80, $0x38;
	[tilespmem:$0x18380] =	vst v63  }
0x5b: {  	s29 =	sand.u32 $0x1FFFFFF0, s30;
	s30 =	spop (v2sf);
	(v2sf) =	vpush v7, $0x4  }
0x5c: {  	s31 =	sadd.s32 $0xC400, s28;
	s29 =	sadd.s32 s3, s29  }
0x5d: {  	[tilespmem:s31], [sflag:$0x2] =	stream.linear.gather [hbm4b:s29+s2], $0x80, $0x38;
	[tilespmem:$0x18380] =	vst v63  }
0x5e: {  	s29 =	sand.u32 $0x1FFFFFF0, s30  }
0x5f: {  	s31 =	sadd.s32 $0x480, s28;
	s29 =	sadd.s32 s3, s29;
	s30 =	spop (v2sf);
	(v2sf) =	vpush v6, $0x4  }
0x60: {  	[tilespmem:s31], [sflag:$0x2] =	stream.linear.gather [hbm4b:s29+s2], $0x80, $0x38;
	[tilespmem:$0x18380] =	vst v63  }
0x61: {  	s29 =	sand.u32 $0x1FFFFFF0, s30;
	s30 =	spop (v2sf);
	(v2sf) =	vpush v5, $0x4;
	_ =	sdelay $0x1  }
0x62: {  	s31 =	sadd.s32 $0x4480, s28;
	s29 =	sadd.s32 s3, s29  }
0x63: {  	[tilespmem:s31], [sflag:$0x2] =	stream.linear.gather [hbm4b:s29+s2], $0x80, $0x38;
	[tilespmem:$0x18380] =	vst v63  }
0x64: {  	s29 =	sand.u32 $0x1FFFFFF0, s30;
	s30 =	spop (v2sf);
	(v2sf) =	vpush v4, $0x4;
	_ =	sdelay $0x2  }
0x65: {  	s31 =	sadd.s32 $0x8480, s28;
	s29 =	sadd.s32 s3, s29  }
0x66: {  	[tilespmem:s31], [sflag:$0x2] =	stream.linear.gather [hbm4b:s29+s2], $0x80, $0x38;
	[tilespmem:$0x18380] =	vst v63  }
0x67: {  	s29 =	sand.u32 $0x1FFFFFF0, s30;
	s30 =	spop (v2sf);
	(v2sf) =	vpush v7, $0x5  }
0x68: {  	s31 =	sadd.s32 $0xC480, s28;
	s29 =	sadd.s32 s3, s29  }
0x69: {  	[tilespmem:s31], [sflag:$0x2] =	stream.linear.gather [hbm4b:s29+s2], $0x80, $0x38;
	[tilespmem:$0x18380] =	vst v63  }
0x6a: {  	s29 =	sand.u32 $0x1FFFFFF0, s30  }
0x6b: {  	s31 =	sadd.s32 $0x500, s28;
	s29 =	sadd.s32 s3, s29;
	s30 =	spop (v2sf);
	(v2sf) =	vpush v6, $0x5  }
0x6c: {  	[tilespmem:s31], [sflag:$0x2] =	stream.linear.gather [hbm4b:s29+s2], $0x80, $0x38;
	[tilespmem:$0x18380] =	vst v63  }
0x6d: {  	s29 =	sand.u32 $0x1FFFFFF0, s30;
	s30 =	spop (v2sf);
	(v2sf) =	vpush v5, $0x5;
	_ =	sdelay $0x1  }
0x6e: {  	s31 =	sadd.s32 $0x4500, s28;
	s29 =	sadd.s32 s3, s29  }
0x6f: {  	[tilespmem:s31], [sflag:$0x2] =	stream.linear.gather [hbm4b:s29+s2], $0x80, $0x38;
	[tilespmem:$0x18380] =	vst v63  }
0x70: {  	s29 =	sand.u32 $0x1FFFFFF0, s30;
	s30 =	spop (v2sf);
	(v2sf) =	vpush v4, $0x5;
	_ =	sdelay $0x2  }
0x71: {  	s31 =	sadd.s32 $0x8500, s28;
	s29 =	sadd.s32 s3, s29  }
0x72: {  	[tilespmem:s31], [sflag:$0x2] =	stream.linear.gather [hbm4b:s29+s2], $0x80, $0x38;
	[tilespmem:$0x18380] =	vst v63  }
0x73: {  	s29 =	sand.u32 $0x1FFFFFF0, s30;
	s30 =	spop (v2sf);
	(v2sf) =	vpush v7, $0x6  }
0x74: {  	s31 =	sadd.s32 $0xC500, s28;
	s29 =	sadd.s32 s3, s29  }
0x75: {  	[tilespmem:s31], [sflag:$0x2] =	stream.linear.gather [hbm4b:s29+s2], $0x80, $0x38;
	[tilespmem:$0x18380] =	vst v63  }
0x76: {  	s29 =	sand.u32 $0x1FFFFFF0, s30  }
0x77: {  	s31 =	sadd.s32 $0x580, s28;
	s29 =	sadd.s32 s3, s29;
	s30 =	spop (v2sf);
	(v2sf) =	vpush v6, $0x6  }
0x78: {  	[tilespmem:s31], [sflag:$0x2] =	stream.linear.gather [hbm4b:s29+s2], $0x80, $0x38;
	[tilespmem:$0x18380] =	vst v63  }
0x79: {  	s29 =	sand.u32 $0x1FFFFFF0, s30;
	s30 =	spop (v2sf);
	(v2sf) =	vpush v5, $0x6;
	_ =	sdelay $0x1  }
0x7a: {  	s31 =	sadd.s32 $0x4580, s28;
	s29 =	sadd.s32 s3, s29  }
0x7b: {  	[tilespmem:s31], [sflag:$0x2] =	stream.linear.gather [hbm4b:s29+s2], $0x80, $0x38;
	[tilespmem:$0x18380] =	vst v63  }
0x7c: {  	s29 =	sand.u32 $0x1FFFFFF0, s30;
	s30 =	spop (v2sf);
	(v2sf) =	vpush v4, $0x6;
	_ =	sdelay $0x2  }
0x7d: {  	s31 =	sadd.s32 $0x8580, s28;
	s29 =	sadd.s32 s3, s29  }
0x7e: {  	[tilespmem:s31], [sflag:$0x2] =	stream.linear.gather [hbm4b:s29+s2], $0x80, $0x38;
	[tilespmem:$0x18380] =	vst v63  }
0x7f: {  	s29 =	sand.u32 $0x1FFFFFF0, s30;
	s30 =	spop (v2sf);
	(v2sf) =	vpush v7, $0x7  }
0x80: {  	s31 =	sadd.s32 $0xC580, s28;
	s29 =	sadd.s32 s3, s29  }
0x81: {  	[tilespmem:s31], [sflag:$0x2] =	stream.linear.gather [hbm4b:s29+s2], $0x80, $0x38;
	[tilespmem:$0x18380] =	vst v63  }
0x82: {  	s29 =	sand.u32 $0x1FFFFFF0, s30  }
0x83: {  	s31 =	sadd.s32 $0x600, s28;
	s29 =	sadd.s32 s3, s29;
	s30 =	spop (v2sf);
	(v2sf) =	vpush v6, $0x7  }
0x84: {  	[tilespmem:s31], [sflag:$0x2] =	stream.linear.gather [hbm4b:s29+s2], $0x80, $0x38;
	[tilespmem:$0x18380] =	vst v63  }
0x85: {  	s29 =	sand.u32 $0x1FFFFFF0, s30;
	s30 =	spop (v2sf);
	(v2sf) =	vpush v5, $0x7;
	_ =	sdelay $0x1  }
0x86: {  	s31 =	sadd.s32 $0x4600, s28;
	s29 =	sadd.s32 s3, s29  }
0x87: {  	[tilespmem:s31], [sflag:$0x2] =	stream.linear.gather [hbm4b:s29+s2], $0x80, $0x38;
	[tilespmem:$0x18380] =	vst v63  }
0x88: {  	s29 =	sand.u32 $0x1FFFFFF0, s30;
	s30 =	spop (v2sf);
	(v2sf) =	vpush v4, $0x7;
	_ =	sdelay $0x2  }
0x89: {  	s31 =	sadd.s32 $0x8600, s28;
	s29 =	sadd.s32 s3, s29  }
0x8a: {  	[tilespmem:s31], [sflag:$0x2] =	stream.linear.gather [hbm4b:s29+s2], $0x80, $0x38;
	[tilespmem:$0x18380] =	vst v63  }
0x8b: {  	s29 =	sand.u32 $0x1FFFFFF0, s30;
	s30 =	spop (v2sf);
	(v2sf) =	vpush v7, $0x8  }
0x8c: {  	s31 =	sadd.s32 $0xC600, s28;
	s29 =	sadd.s32 s3, s29  }
0x8d: {  	[tilespmem:s31], [sflag:$0x2] =	stream.linear.gather [hbm4b:s29+s2], $0x80, $0x38;
	[tilespmem:$0x18380] =	vst v63  }
0x8e: {  	s29 =	sand.u32 $0x1FFFFFF0, s30  }
0x8f: {  	s31 =	sadd.s32 $0x680, s28;
	s29 =	sadd.s32 s3, s29;
	s30 =	spop (v2sf);
	(v2sf) =	vpush v6, $0x8  }
0x90: {  	[tilespmem:s31], [sflag:$0x2] =	stream.linear.gather [hbm4b:s29+s2], $0x80, $0x38;
	[tilespmem:$0x18380] =	vst v63  }
0x91: {  	s29 =	sand.u32 $0x1FFFFFF0, s30;
	s30 =	spop (v2sf);
	(v2sf) =	vpush v5, $0x8;
	_ =	sdelay $0x1  }
0x92: {  	s31 =	sadd.s32 $0x4680, s28;
	s29 =	sadd.s32 s3, s29  }
0x93: {  	[tilespmem:s31], [sflag:$0x2] =	stream.linear.gather [hbm4b:s29+s2], $0x80, $0x38;
	[tilespmem:$0x18380] =	vst v63  }
0x94: {  	s29 =	sand.u32 $0x1FFFFFF0, s30;
	s30 =	spop (v2sf);
	(v2sf) =	vpush v4, $0x8;
	_ =	sdelay $0x2  }
0x95: {  	s31 =	sadd.s32 $0x8680, s28;
	s29 =	sadd.s32 s3, s29  }
0x96: {  	[tilespmem:s31], [sflag:$0x2] =	stream.linear.gather [hbm4b:s29+s2], $0x80, $0x38;
	[tilespmem:$0x18380] =	vst v63  }
0x97: {  	s29 =	sand.u32 $0x1FFFFFF0, s30;
	s30 =	spop (v2sf);
	(v2sf) =	vpush v7, $0x9  }
0x98: {  	s31 =	sadd.s32 $0xC680, s28;
	s29 =	sadd.s32 s3, s29  }
0x99: {  	[tilespmem:s31], [sflag:$0x2] =	stream.linear.gather [hbm4b:s29+s2], $0x80, $0x38;
	[tilespmem:$0x18380] =	vst v63  }
0x9a: {  	s29 =	sand.u32 $0x1FFFFFF0, s30  }
0x9b: {  	s31 =	sadd.s32 $0x700, s28;
	s29 =	sadd.s32 s3, s29;
	s30 =	spop (v2sf);
	(v2sf) =	vpush v6, $0x9  }
0x9c: {  	[tilespmem:s31], [sflag:$0x2] =	stream.linear.gather [hbm4b:s29+s2], $0x80, $0x38;
	[tilespmem:$0x18380] =	vst v63  }
0x9d: {  	s29 =	sand.u32 $0x1FFFFFF0, s30;
	s30 =	spop (v2sf);
	(v2sf) =	vpush v5, $0x9;
	_ =	sdelay $0x1  }
0x9e: {  	s31 =	sadd.s32 $0x4700, s28;
	s29 =	sadd.s32 s3, s29  }
0x9f: {  	[tilespmem:s31], [sflag:$0x2] =	stream.linear.gather [hbm4b:s29+s2], $0x80, $0x38;
	[tilespmem:$0x18380] =	vst v63  }
0xa0: {  	s29 =	sand.u32 $0x1FFFFFF0, s30;
	s30 =	spop (v2sf);
	(v2sf) =	vpush v4, $0x9;
	_ =	sdelay $0x2  }
0xa1: {  	s31 =	sadd.s32 $0x8700, s28;
	s29 =	sadd.s32 s3, s29  }
0xa2: {  	[tilespmem:s31], [sflag:$0x2] =	stream.linear.gather [hbm4b:s29+s2], $0x80, $0x38;
	[tilespmem:$0x18380] =	vst v63  }
0xa3: {  	s29 =	sand.u32 $0x1FFFFFF0, s30;
	s30 =	spop (v2sf);
	(v2sf) =	vpush v7, $0xA  }
0xa4: {  	s31 =	sadd.s32 $0xC700, s28;
	s29 =	sadd.s32 s3, s29  }
0xa5: {  	[tilespmem:s31], [sflag:$0x2] =	stream.linear.gather [hbm4b:s29+s2], $0x80, $0x38;
	[tilespmem:$0x18380] =	vst v63  }
0xa6: {  	s29 =	sand.u32 $0x1FFFFFF0, s30  }
0xa7: {  	s31 =	sadd.s32 $0x780, s28;
	s29 =	sadd.s32 s3, s29;
	s30 =	spop (v2sf);
	(v2sf) =	vpush v6, $0xA  }
0xa8: {  	[tilespmem:s31], [sflag:$0x2] =	stream.linear.gather [hbm4b:s29+s2], $0x80, $0x38;
	[tilespmem:$0x18380] =	vst v63  }
0xa9: {  	s29 =	sand.u32 $0x1FFFFFF0, s30;
	s30 =	spop (v2sf);
	(v2sf) =	vpush v5, $0xA;
	_ =	sdelay $0x1  }
0xaa: {  	s31 =	sadd.s32 $0x4780, s28;
	s29 =	sadd.s32 s3, s29  }
0xab: {  	[tilespmem:s31], [sflag:$0x2] =	stream.linear.gather [hbm4b:s29+s2], $0x80, $0x38;
	[tilespmem:$0x18380] =	vst v63  }
0xac: {  	s29 =	sand.u32 $0x1FFFFFF0, s30;
	s30 =	spop (v2sf);
	(v2sf) =	vpush v4, $0xA;
	_ =	sdelay $0x2  }
0xad: {  	s31 =	sadd.s32 $0x8780, s28;
	s29 =	sadd.s32 s3, s29  }
0xae: {  	[tilespmem:s31], [sflag:$0x2] =	stream.linear.gather [hbm4b:s29+s2], $0x80, $0x38;
	[tilespmem:$0x18380] =	vst v63  }
0xaf: {  	s29 =	sand.u32 $0x1FFFFFF0, s30;
	s30 =	spop (v2sf);
	(v2sf) =	vpush v7, $0xB  }
0xb0: {  	s31 =	sadd.s32 $0xC780, s28;
	s29 =	sadd.s32 s3, s29  }
0xb1: {  	[tilespmem:s31], [sflag:$0x2] =	stream.linear.gather [hbm4b:s29+s2], $0x80, $0x38;
	[tilespmem:$0x18380] =	vst v63  }
0xb2: {  	s29 =	sand.u32 $0x1FFFFFF0, s30  }
0xb3: {  	s31 =	sadd.s32 $0x800, s28;
	s29 =	sadd.s32 s3, s29;
	s30 =	spop (v2sf);
	(v2sf) =	vpush v6, $0xB  }
0xb4: {  	[tilespmem:s31], [sflag:$0x2] =	stream.linear.gather [hbm4b:s29+s2], $0x80, $0x38;
	[tilespmem:$0x18380] =	vst v63  }
0xb5: {  	s29 =	sand.u32 $0x1FFFFFF0, s30;
	s30 =	spop (v2sf);
	(v2sf) =	vpush v5, $0xB;
	_ =	sdelay $0x1  }
0xb6: {  	s31 =	sadd.s32 $0x4800, s28;
	s29 =	sadd.s32 s3, s29  }
0xb7: {  	[tilespmem:s31], [sflag:$0x2] =	stream.linear.gather [hbm4b:s29+s2], $0x80, $0x38;
	[tilespmem:$0x18380] =	vst v63  }
0xb8: {  	s29 =	sand.u32 $0x1FFFFFF0, s30;
	s30 =	spop (v2sf);
	(v2sf) =	vpush v4, $0xB;
	_ =	sdelay $0x2  }
0xb9: {  	s31 =	sadd.s32 $0x8800, s28;
	s29 =	sadd.s32 s3, s29  }
0xba: {  	[tilespmem:s31], [sflag:$0x2] =	stream.linear.gather [hbm4b:s29+s2], $0x80, $0x38;
	[tilespmem:$0x18380] =	vst v63  }
0xbb: {  	s29 =	sand.u32 $0x1FFFFFF0, s30;
	s30 =	spop (v2sf);
	(v2sf) =	vpush v7, $0xC  }
0xbc: {  	s31 =	sadd.s32 $0xC800, s28;
	s29 =	sadd.s32 s3, s29  }
0xbd: {  	[tilespmem:s31], [sflag:$0x2] =	stream.linear.gather [hbm4b:s29+s2], $0x80, $0x38;
	[tilespmem:$0x18380] =	vst v63  }
0xbe: {  	s29 =	sand.u32 $0x1FFFFFF0, s30  }
0xbf: {  	s31 =	sadd.s32 $0x880, s28;
	s29 =	sadd.s32 s3, s29;
	s30 =	spop (v2sf);
	(v2sf) =	vpush v6, $0xC  }
0xc0: {  	[tilespmem:s31], [sflag:$0x2] =	stream.linear.gather [hbm4b:s29+s2], $0x80, $0x38;
	[tilespmem:$0x18380] =	vst v63  }
0xc1: {  	s29 =	sand.u32 $0x1FFFFFF0, s30;
	s30 =	spop (v2sf);
	(v2sf) =	vpush v5, $0xC;
	_ =	sdelay $0x1  }
0xc2: {  	s31 =	sadd.s32 $0x4880, s28;
	s29 =	sadd.s32 s3, s29  }
0xc3: {  	[tilespmem:s31], [sflag:$0x2] =	stream.linear.gather [hbm4b:s29+s2], $0x80, $0x38;
	[tilespmem:$0x18380] =	vst v63  }
0xc4: {  	s29 =	sand.u32 $0x1FFFFFF0, s30;
	s30 =	spop (v2sf);
	(v2sf) =	vpush v4, $0xC;
	_ =	sdelay $0x2  }
0xc5: {  	s31 =	sadd.s32 $0x8880, s28;
	s29 =	sadd.s32 s3, s29  }
0xc6: {  	[tilespmem:s31], [sflag:$0x2] =	stream.linear.gather [hbm4b:s29+s2], $0x80, $0x38;
	[tilespmem:$0x18380] =	vst v63  }
0xc7: {  	s29 =	sand.u32 $0x1FFFFFF0, s30;
	s30 =	spop (v2sf);
	(v2sf) =	vpush v7, $0xD  }
0xc8: {  	s31 =	sadd.s32 $0xC880, s28;
	s29 =	sadd.s32 s3, s29  }
0xc9: {  	[tilespmem:s31], [sflag:$0x2] =	stream.linear.gather [hbm4b:s29+s2], $0x80, $0x38;
	[tilespmem:$0x18380] =	vst v63  }
0xca: {  	s29 =	sand.u32 $0x1FFFFFF0, s30  }
0xcb: {  	s31 =	sadd.s32 $0x900, s28;
	s29 =	sadd.s32 s3, s29;
	s30 =	spop (v2sf);
	(v2sf) =	vpush v6, $0xD  }
0xcc: {  	[tilespmem:s31], [sflag:$0x2] =	stream.linear.gather [hbm4b:s29+s2], $0x80, $0x38;
	[tilespmem:$0x18380] =	vst v63  }
0xcd: {  	s29 =	sand.u32 $0x1FFFFFF0, s30;
	s30 =	spop (v2sf);
	(v2sf) =	vpush v5, $0xD;
	_ =	sdelay $0x1  }
0xce: {  	s31 =	sadd.s32 $0x4900, s28;
	s29 =	sadd.s32 s3, s29  }
0xcf: {  	[tilespmem:s31], [sflag:$0x2] =	stream.linear.gather [hbm4b:s29+s2], $0x80, $0x38;
	[tilespmem:$0x18380] =	vst v63  }
0xd0: {  	s29 =	sand.u32 $0x1FFFFFF0, s30;
	s30 =	spop (v2sf);
	(v2sf) =	vpush v4, $0xD;
	_ =	sdelay $0x2  }
0xd1: {  	s31 =	sadd.s32 $0x8900, s28;
	s29 =	sadd.s32 s3, s29  }
0xd2: {  	[tilespmem:s31], [sflag:$0x2] =	stream.linear.gather [hbm4b:s29+s2], $0x80, $0x38;
	[tilespmem:$0x18380] =	vst v63  }
0xd3: {  	s29 =	sand.u32 $0x1FFFFFF0, s30;
	s30 =	spop (v2sf);
	(v2sf) =	vpush v7, $0xE  }
0xd4: {  	s31 =	sadd.s32 $0xC900, s28;
	s29 =	sadd.s32 s3, s29  }
0xd5: {  	[tilespmem:s31], [sflag:$0x2] =	stream.linear.gather [hbm4b:s29+s2], $0x80, $0x38;
	[tilespmem:$0x18380] =	vst v63  }
0xd6: {  	s29 =	sand.u32 $0x1FFFFFF0, s30  }
0xd7: {  	s31 =	sadd.s32 $0x980, s28;
	s29 =	sadd.s32 s3, s29;
	s30 =	spop (v2sf);
	(v2sf) =	vpush v6, $0xE  }
0xd8: {  	[tilespmem:s31], [sflag:$0x2] =	stream.linear.gather [hbm4b:s29+s2], $0x80, $0x38;
	[tilespmem:$0x18380] =	vst v63  }
0xd9: {  	s29 =	sand.u32 $0x1FFFFFF0, s30;
	s30 =	spop (v2sf);
	(v2sf) =	vpush v5, $0xE;
	_ =	sdelay $0x1  }
0xda: {  	s31 =	sadd.s32 $0x4980, s28;
	s29 =	sadd.s32 s3, s29  }
0xdb: {  	[tilespmem:s31], [sflag:$0x2] =	stream.linear.gather [hbm4b:s29+s2], $0x80, $0x38;
	[tilespmem:$0x18380] =	vst v63  }
0xdc: {  	s29 =	sand.u32 $0x1FFFFFF0, s30;
	s30 =	spop (v2sf);
	(v2sf) =	vpush v4, $0xE;
	_ =	sdelay $0x2  }
0xdd: {  	s31 =	sadd.s32 $0x8980, s28;
	s29 =	sadd.s32 s3, s29  }
0xde: {  	[tilespmem:s31], [sflag:$0x2] =	stream.linear.gather [hbm4b:s29+s2], $0x80, $0x38;
	[tilespmem:$0x18380] =	vst v63  }
0xdf: {  	s29 =	sand.u32 $0x1FFFFFF0, s30;
	s30 =	spop (v2sf);
	(v2sf) =	vpush v7, $0xF  }
0xe0: {  	s31 =	sadd.s32 $0xC980, s28;
	s29 =	sadd.s32 s3, s29  }
0xe1: {  	[tilespmem:s31], [sflag:$0x2] =	stream.linear.gather [hbm4b:s29+s2], $0x80, $0x38;
	[tilespmem:$0x18380] =	vst v63  }
0xe2: {  	s29 =	sand.u32 $0x1FFFFFF0, s30  }
0xe3: {  	s31 =	sadd.s32 $0xA00, s28;
	s29 =	sadd.s32 s3, s29;
	s30 =	spop (v2sf);
	(v2sf) =	vpush v6, $0xF  }
0xe4: {  	[tilespmem:s31], [sflag:$0x2] =	stream.linear.gather [hbm4b:s29+s2], $0x80, $0x38;
	[tilespmem:$0x18380] =	vst v63  }
0xe5: {  	s29 =	sand.u32 $0x1FFFFFF0, s30;
	s30 =	spop (v2sf);
	(v2sf) =	vpush v5, $0xF  }
0xe6: {  	s31 =	sadd.s32 $0x4A00, s28;
	s29 =	sadd.s32 s3, s29  }
0xe7: {  	[tilespmem:s31], [sflag:$0x2] =	stream.linear.gather [hbm4b:s29+s2], $0x80, $0x38;
	[tilespmem:$0x18380] =	vst v63  }
0xe8: {  	s29 =	sand.u32 $0x1FFFFFF0, s30  }
0xe9: {  	s31 =	sadd.s32 $0x8A00, s28;
	s30 =	spop (v2sf);
	s29 =	sadd.s32 s3, s29  }
0xea: {  	[tilespmem:s31], [sflag:$0x2] =	stream.linear.gather [hbm4b:s29+s2], $0x80, $0x38;
	[tilespmem:$0x18380] =	vst v63  }
0xeb: {  	(v2sf) =	vpush v4, $0xF;
	s29 =	sand.u32 $0x1FFFFFF0, s30  }
0xec: {  	s31 =	sadd.s32 $0xCA00, s28;
	s29 =	sadd.s32 s3, s29  }
0xed: {  	[tilespmem:s31], [sflag:$0x2] =	stream.linear.gather [hbm4b:s29+s2], $0x80, $0x38;
	[tilespmem:$0x18380] =	vst v63  }
0xee: {  	s30 =	spop (v2sf)  }
0xef: {  	s29 =	sand.u32 $0x1FFFFFF0, s30  }
0xf0: {  	s31 =	sadd.s32 $0xA80, s28;
	s29 =	sadd.s32 s3, s29  }
0xf1: {  	[tilespmem:s31], [sflag:$0x2] =	stream.linear.gather [hbm4b:s29+s2], $0x80, $0x38;
	[tilespmem:$0x18380] =	vst v63  }
0xf2: {  	s30 =	spop (v2sf)  }
0xf3: {  	s29 =	sand.u32 $0x1FFFFFF0, s30  }
0xf4: {  	s31 =	sadd.s32 $0x4A80, s28;
	s29 =	sadd.s32 s3, s29;
	s30 =	spop (v2sf)  }
0xf5: {  	[tilespmem:s31], [sflag:$0x2] =	stream.linear.gather [hbm4b:s29+s2], $0x80, $0x38;
	[tilespmem:$0x18380] =	vst v63  }
0xf6: {  	s29 =	sand.u32 $0x1FFFFFF0, s30  }
0xf7: {  	p0 =	sne.s32 s26, $0xE000;
	s31 =	sadd.s32 $0x8A80, s28;
	s29 =	sadd.s32 s3, s29  }
0xf8: {  	[tilespmem:s31], [sflag:$0x2] =	stream.linear.gather [hbm4b:s29+s2], $0x80, $0x38;
	[tilespmem:$0x18380] =	vst v63  }
.Ltmp0:
0xf9: {  	_ = 	snop;
	(pc) =	sbr.rel @p0 .LBB2_2-.Ltmp0, $4  }
0xfa: {  	s22 =	sadd.s32 $0x10, s22;
	s23 =	sadd.s32 $0x10, s23;
	s31 =	spop (v2sf)  }
0xfb: {  	s25 =	sadd.s32 $0x10, s25;
	s26 =	sadd.s32 $0x2000, s26;
	s29 =	sand.u32 $0x1FFFFFF0, s31  }
0xfc: {  	s24 =	sadd.s32 $0x10, s24;
	s28 =	sadd.s32 $0xCA80, s28;
	s29 =	sadd.s32 s3, s29  }
0xfd: {  	[tilespmem:s28], [sflag:$0x2] =	stream.linear.gather [hbm4b:s29+s2], $0x80, $0x38;
	[tilespmem:$0x18380] =	vst v63  }
0xfe: {  	_ =	swait.ge [sflag:s17], $0x10000  }
0xff: {  	[sflag:s17] =	ssyncset.done $0x0  }
0x100: {  	[sflag:s17] =	ssyncadd.s32 $0xFFFF0000  }
0x101: {  	_ =	swait.ge [sflag:s18], $0x4000  }
0x102: {  	[sflag:s18] =	ssyncset.done $0x0  }
0x103: {  	[sflag:s18] =	ssyncadd.s32 $0xFFFFC000  }
0x104: {  	_ =	swait.ge [sflag:s18], $0x4000  }
0x105: {  	[sflag:s18] =	ssyncset.done $0x0  }
0x106: {  	s22 =	simm.s32 $0x0;
	v5 =	vimm.f32 $0.0e+00;
	v4 =	vimm.f32 $0.0e+00;
	s23 =	simm.s32 $0x0;
	[sflag:s18] =	ssyncadd.s32 $0xFFFFC000  }
.LBB2_4:
0x107: {  	s24 =	sshll.u32 s23, $0x4  }
0x108: {  	v6 =	vmov s24  }
0x109: {  	v8 =	vshll.u32 v6, $0x7  }
0x10a: {  	v9 =	vor.u32 v1, v8  }
0x10b: {  	v6 =	vor.u32 v0, v8;
	v11 =	vor.u32 s22, v9  }
0x10c: {  	v12 =	vor.u32 s22, v6  }
0x10d: {  	s28 =	simm.s32 $0x3  }
0x10e: {  	v7 =	vor.u32 $0x40, v6;
	v15 =	vor.u32 s28, v9  }
0x10f: {  	v10 =	vor.u32 s22, v7  }
0x110: {  	s25 =	simm.s32 $0x2;
	v13 =	vor.u32 s28, v7;
	v11 =	vld.idx.msk [tilespmem:v11+s19+$0x0], $0xffff  }
0x111: {  	s26 =	simm.s32 $0x1;
	v14 =	vor.u32 s25, v7;
	v19 =	vld.idx.msk [tilespmem:v12+s19+$0x0], $0xffff  }
0x112: {  	v17 =	vor.u32 s26, v7;
	v20 =	vld.idx.msk [tilespmem:v12+s15+$0x0], $0xffff  }
0x113: {  	v18 =	vor.u32 s25, v9;
	v23 =	vld.idx.msk [tilespmem:v15+s19+$0x0], $0xffff  }
0x114: {  	v12 =	vor.u32 s28, v6;
	v16 =	vld.idx.msk [tilespmem:v10+s15+$0x0], $0xffff  }
0x115: {  	v10 =	vld.idx.msk [tilespmem:v13+s15+$0x0], $0xffff  }
0x116: {  	v15 =	vor.u32 s26, v6;
	v21 =	vld.idx.msk [tilespmem:v14+s15+$0x0], $0xffff  }
0x117: {  	v27 =	vld.idx.msk [tilespmem:v17+s15+$0x0], $0xffff  }
0x118: {  	v13 =	vor.u32 s25, v6;
	v17 =	vld.idx.msk [tilespmem:v18+s19+$0x0], $0xffff  }
0x119: {  	s29 =	simm.s32 $0x4;
	v24 =	vld.idx.msk [tilespmem:v12+s19+$0x0], $0xffff  }
0x11a: {  	s30 =	simm.s32 $0x7;
	s31 =	simm.s32 $0x6;
	v22 =	vor.u32 s26, v9;
	v29 =	vor.u32 s29, v6;
	v25 =	vld.idx.msk [tilespmem:v12+s15+$0x0], $0xffff  }
0x11b: {  	s24 =	simm.s32 $0x5;
	v30 =	vor.u32 s29, v9;
	v34 =	vor.u32 s30, v9;
	v36 =	vor.u32 s31, v9;
	v35 =	vld.idx.msk [tilespmem:v15+s19+$0x0], $0xffff  }
0x11c: {  	v26 =	vor.u32 s29, v7;
	v31 =	vor.u32 s30, v7;
	v32 =	vor.u32 s24, v7;
	v37 =	vld.idx.msk [tilespmem:v15+s15+$0x0], $0xffff  }
0x11d: {  	v33 =	vor.u32 s31, v7;
	v14 =	vor.u32 s31, v6;
	v18 =	vor.u32 s30, v6;
	v28 =	vld.idx.msk [tilespmem:v13+s19+$0x0], $0xffff  }
0x11e: {  	v12 =	vor.u32 s24, v6;
	v13 =	vld.idx.msk [tilespmem:v13+s15+$0x0], $0xffff;
	v15 =	vmul.f32 v16, v16;
	v38 =	vmul.f32 v16, v19  }
0x11f: {  	v19 =	vadd.f32 v20, v19;
	v39 =	vmul.f32 v16, v11;
	v40 =	vmul.f32 v10, v10  }
0x120: {  	v41 =	vld.idx.msk [tilespmem:v22+s19+$0x0], $0xffff;
	v20 =	vmul.f32 v27, v27;
	v42 =	vmul.f32 v21, v21;
	v15 =	vadd.f32 v15, v5  }
0x121: {  	v56 =	vmul.f32 v21, v17;
	v11 =	vsub.f32 v19, v11;
	v59 =	vadd.f32 v39, v5  }
0x122: {  	v22 =	vmul.f32 v10, v24;
	v24 =	vadd.f32 v25, v24;
	v20 =	vadd.f32 v20, v15;
	v15 =	vld.idx.msk [tilespmem:v26+s15+$0x0], $0xffff  }
0x123: {  	v25 =	vmul.f32 v10, v23;
	v19 =	vadd.f32 v37, v35;
	v43 =	vadd.f32 v13, v28;
	v13 =	vld.idx.msk [tilespmem:v30+s19+$0x0], $0xffff  }
0x124: {  	v16 =	vmul.f32 v11, v16;
	v28 =	vmul.f32 v21, v28;
	v57 =	vadd.f32 v42, v20;
	v20 =	vld.idx.msk [tilespmem:v29+s19+$0x0], $0xffff  }
0x125: {  	v30 =	vmul.f32 v27, v35;
	v26 =	vsub.f32 v24, v23;
	v19 =	vsub.f32 v19, v41;
	v24 =	vld.idx.msk [tilespmem:v29+s15+$0x0], $0xffff  }
0x126: {  	v29 =	vmul.f32 v11, v11;
	v11 =	vld.idx.msk [tilespmem:v31+s15+$0x0], $0xffff;
	v31 =	vadd.f32 v38, v5;
	v61 =	vadd.f32 v16, v5  }
0x127: {  	v41 =	vmul.f32 v27, v41;
	v58 =	vsub.f32 v43, v17;
	v23 =	vadd.f32 v40, v57  }
0x128: {  	v16 =	vld.idx.msk [tilespmem:v32+s15+$0x0], $0xffff;
	v60 =	vmul.f32 v19, v19;
	v29 =	vadd.f32 v29, v5;
	v62 =	vmul.f32 v19, v27  }
0x129: {  	v17 =	vld.idx.msk [tilespmem:v33+s15+$0x0], $0xffff;
	v31 =	vadd.f32 v30, v31;
	v63 =	vadd.f32 v41, v59;
	v27 =	vmul.f32 v58, v58  }
0x12a: {  	v19 =	vld.idx.msk [tilespmem:v34+s19+$0x0], $0xffff;
	v33 =	vmul.f32 v58, v21;
	v29 =	vadd.f32 v60, v29;
	v30 =	vadd.f32 v62, v61  }
0x12b: {  	s25 =	simm.s32 $0x8;
	v21 =	vld.idx.msk [tilespmem:v36+s19+$0x0], $0xffff;
	v31 =	vadd.f32 v28, v31;
	v32 =	vadd.f32 v56, v63;
	v28 =	vmul.f32 v26, v26  }
.LBB2_5:
0x12c: {  	p0 =	sne.s32 s25, $0x3C;
	v34 =	vld.idx.msk [tilespmem:v18+s19+$0x0], $0xffff;
	v27 =	vadd.f32 v27, v29;
	v29 =	vadd.f32 v33, v30;
	v36 =	vmul.f32 v26, v10  }
0x12d: {  	v26 =	vor.u32 s25, v7;
	v33 =	vmovc v15;
	v30 =	vld.idx.msk [tilespmem:v18+s15+$0x0], $0xffff;
	v31 =	vadd.f32 v22, v31;
	v32 =	vadd.f32 v25, v32  }
0x12e: {  	s26 =	sadd.s32 $0x3, s25;
	v10 =	vmovc v11;
	v22 =	vor.u32 s24, v9;
	v35 =	vld.idx.msk [tilespmem:v14+s19+$0x0], $0xffff;
	v27 =	vadd.f32 v28, v27;
	v28 =	vadd.f32 v36, v29  }
0x12f: {  	s28 =	sadd.s32 $0x2, s25;
	s24 =	sadd.s32 $0x1, s25;
	v37 =	vor.u32 s26, v7;
	v39 =	vmovc v17;
	v29 =	vor.u32 s25, v6;
	v36 =	vor.u32 s25, v9;
	v38 =	vld.idx.msk [tilespmem:v14+s15+$0x0], $0xffff  }
0x130: {  	v41 =	vor.u32 s28, v7;
	v42 =	vor.u32 s26, v9;
	v40 =	vor.u32 s24, v7;
	v43 =	vld.idx.msk [tilespmem:v12+s19+$0x0], $0xffff  }
0x131: {  	v44 =	vor.u32 s28, v9;
	v18 =	vor.u32 s26, v6;
	v14 =	vor.u32 s28, v6;
	v45 =	vld.idx.msk [tilespmem:v12+s15+$0x0], $0xffff  }
0x132: {  	v15 =	vmul.f32 v15, v33;
	v46 =	vmul.f32 v33, v20;
	v12 =	vor.u32 s24, v6  }
0x133: {  	v20 =	vadd.f32 v24, v20;
	v47 =	vmul.f32 v33, v13;
	v11 =	vmul.f32 v11, v10;
	v24 =	vld.idx.msk [tilespmem:v22+s19+$0x0], $0xffff  }
0x134: {  	v15 =	vadd.f32 v15, v23;
	v23 =	vmul.f32 v16, v16;
	v22 =	vmul.f32 v10, v34  }
0x135: {  	v17 =	vmul.f32 v17, v39;
	v25 =	vmul.f32 v10, v19;
	v30 =	vadd.f32 v30, v34  }
0x136: {  	v23 =	vadd.f32 v23, v15;
	v34 =	vadd.f32 v38, v35;
	v35 =	vmul.f32 v39, v35  }
0x137: {  	v48 =	vmul.f32 v39, v21;
	v38 =	vsub.f32 v20, v13;
	v45 =	vadd.f32 v45, v43;
	v15 =	vld.idx.msk [tilespmem:v26+s15+$0x0], $0xffff  }
0x138: {  	v17 =	vadd.f32 v17, v23;
	v26 =	vsub.f32 v30, v19;
	v13 =	vld.idx.msk [tilespmem:v36+s19+$0x0], $0xffff;
	v36 =	vmul.f32 v16, v43  }
0x139: {  	v21 =	vsub.f32 v34, v21;
	v19 =	vsub.f32 v45, v24;
	v30 =	vmul.f32 v16, v24;
	v20 =	vld.idx.msk [tilespmem:v29+s19+$0x0], $0xffff  }
0x13a: {  	v23 =	vadd.f32 v11, v17;
	v33 =	vmul.f32 v38, v33;
	v24 =	vld.idx.msk [tilespmem:v29+s15+$0x0], $0xffff;
	v29 =	vmul.f32 v38, v38  }
.Ltmp1:
0x13b: {  	v31 =	vadd.f32 v46, v31;
	v32 =	vadd.f32 v47, v32;
	v34 =	vmul.f32 v19, v19;
	v11 =	vld.idx.msk [tilespmem:v37+s15+$0x0], $0xffff;
	(pc) =	sbr.rel @p0 .LBB2_5-.Ltmp1, $4  }
0x13c: {  	v28 =	vadd.f32 v33, v28;
	v33 =	vmul.f32 v19, v16;
	v17 =	vld.idx.msk [tilespmem:v41+s15+$0x0], $0xffff;
	v29 =	vadd.f32 v29, v27  }
0x13d: {  	v31 =	vadd.f32 v36, v31;
	v32 =	vadd.f32 v30, v32;
	v27 =	vmul.f32 v21, v21;
	v19 =	vld.idx.msk [tilespmem:v42+s19+$0x0], $0xffff  }
0x13e: {  	v30 =	vadd.f32 v33, v28;
	v33 =	vmul.f32 v21, v39;
	v16 =	vld.idx.msk [tilespmem:v40+s15+$0x0], $0xffff;
	v29 =	vadd.f32 v34, v29  }
0x13f: {  	s25 =	sadd.s32 $0x4, s25;
	v31 =	vadd.f32 v35, v31;
	v32 =	vadd.f32 v48, v32;
	v28 =	vmul.f32 v26, v26;
	v21 =	vld.idx.msk [tilespmem:v44+s19+$0x0], $0xffff  }
0x140: {  	_ =	sdelay $0x3  }
0x141: {  	v34 =	vld.idx.msk [tilespmem:v18+s19+$0x0], $0xffff  }
0x142: {  	v18 =	vld.idx.msk [tilespmem:v18+s15+$0x0], $0xffff  }
0x143: {  	v35 =	vld.idx.msk [tilespmem:v14+s19+$0x0], $0xffff;
	v27 =	vadd.f32 v27, v29;
	v29 =	vadd.f32 v33, v30;
	v10 =	vmul.f32 v26, v10  }
0x144: {  	v9 =	vor.u32 s24, v9;
	v14 =	vld.idx.msk [tilespmem:v14+s15+$0x0], $0xffff;
	v30 =	vmul.f32 v11, v11;
	v22 =	vadd.f32 v22, v31  }
0x145: {  	v26 =	vld.idx.msk [tilespmem:v12+s19+$0x0], $0xffff;
	v55 =	vmul.f32 v17, v17;
	v27 =	vadd.f32 v28, v27;
	v10 =	vadd.f32 v10, v29  }
0x146: {  	v12 =	vld.idx.msk [tilespmem:v12+s15+$0x0], $0xffff;
	v28 =	vmul.f32 v15, v15;
	v29 =	vmul.f32 v15, v20;
	v20 =	vadd.f32 v24, v20  }
0x147: {  	v25 =	vadd.f32 v25, v32;
	v24 =	vmul.f32 v15, v13;
	v56 =	vmul.f32 v11, v19  }
0x148: {  	v23 =	vadd.f32 v28, v23;
	v28 =	vmul.f32 v16, v16;
	v20 =	vsub.f32 v20, v13  }
0x149: {  	s25 =	simm.s32 $0x3;
	v57 =	vmul.f32 v17, v21;
	v13 =	vor.u32 v3, v8;
	v22 =	vadd.f32 v29, v22  }
0x14a: {  	s28 =	simm.s32 $0x0;
	v29 =	vor.u32 s25, v7;
	v18 =	vadd.f32 v18, v34;
	v14 =	vadd.f32 v14, v35  }
0x14b: {  	v9 =	vld.idx.msk [tilespmem:v9+s19+$0x0], $0xffff;
	v12 =	vadd.f32 v12, v26;
	v26 =	vmul.f32 v16, v26;
	v59 =	vor.u32 s28, v13  }
0x14c: {  	v23 =	vadd.f32 v28, v23;
	v58 =	vmul.f32 v20, v20;
	v15 =	vmul.f32 v20, v15  }
0x14d: {  	v18 =	vsub.f32 v18, v19;
	v19 =	vsub.f32 v14, v21;
	v21 =	vor.u32 s28, v7  }
0x14e: {  	v28 =	vmul.f32 v17, v35;
	v14 =	vor.u32 v2, v8;
	v23 =	vadd.f32 v55, v23  }
0x14f: {  	s29 =	simm.s32 $0x2;
	v20 =	vor.u32 s28, v14;
	v27 =	vadd.f32 v58, v27;
	v10 =	vadd.f32 v15, v10  }
0x150: {  	v15 =	vor.u32 s29, v7;
	v12 =	vsub.f32 v12, v9;
	v9 =	vmul.f32 v16, v9  }
0x151: {  	v8 =	vadd.f32 v30, v23;
	v23 =	vadd.f32 v24, v25;
	v24 =	vor.u32 s28, v6  }
0x152: {  	v25 =	vmul.f32 v12, v12;
	v12 =	vmul.f32 v12, v16;
	v30 =	vld.idx.msk [tilespmem:v21+s16+$0x0], $0xffff;
	v16 =	vadd.f32 v26, v22  }
0x153: {  	s26 =	simm.s32 $0x1;
	v9 =	vadd.f32 v9, v23;
	v21 =	vor.u32 s25, v13;
	v26 =	vld.idx.msk [tilespmem:v59+s19+$0x0], $0xffff;
	v22 =	vmul.f32 v19, v19  }
0x154: {  	v20 =	vld.idx.msk [tilespmem:v20+s19+$0x0], $0xffff;
	v23 =	vadd.f32 v25, v27;
	v25 =	vor.u32 s26, v7;
	v10 =	vadd.f32 v12, v10  }
0x155: {  	v12 =	vmul.f32 v19, v17;
	v17 =	vor.u32 s29, v13;
	v16 =	vadd.f32 v28, v16;
	v27 =	vld.idx.msk [tilespmem:v29+s16+$0x0], $0xffff  }
0x156: {  	v28 =	vmul.f32 v18, v18;
	v29 =	vld.idx.msk [tilespmem:v15+s16+$0x0], $0xffff;
	v15 =	vmul.f32 v18, v11;
	v18 =	vor.u32 s29, v14  }
0x157: {  	v32 =	vimm.f32 $0.0e+00;
	v31 =	vmul.f32 v11, v34;
	v19 =	vld.idx.msk [tilespmem:v24+s16+$0x0], $0xffff;
	v24 =	vor.u32 s25, v14  }
0x158: {  	s30 =	simm.s32 $0x4;
	v22 =	vadd.f32 v22, v23;
	v23 =	vor.u32 s25, v6;
	v10 =	vadd.f32 v12, v10;
	v21 =	vld.idx.msk [tilespmem:v21+s19+$0x0], $0xffff  }
0x159: {  	s31 =	simm.s32 $0x6;
	v37 =	vor.u32 s30, v6;
	v11 =	vadd.f32 v31, v16;
	v16 =	vor.u32 s29, v6;
	v31 =	vld.idx.msk [tilespmem:v25+s16+$0x0], $0xffff  }
0x15a: {  	s24 =	simm.s32 $0x5;
	v38 =	vor.u32 s31, v7;
	v10 =	vadd.f32 v15, v10;
	v15 =	vor.u32 s26, v14;
	v25 =	vld.idx.msk [tilespmem:v17+s19+$0x0], $0xffff  }
0x15b: {  	v41 =	vor.u32 s24, v7;
	v62 =	vor.u32 s30, v13;
	v17 =	vor.u32 s26, v6;
	v18 =	vld.idx.msk [tilespmem:v18+s19+$0x0], $0xffff  }
0x15c: {  	v36 =	vor.u32 s26, v13;
	v42 =	vor.u32 s31, v13;
	s28 =	simm.s32 $0x7;
	v9 =	vadd.f32 v57, v9;
	v24 =	vld.idx.msk [tilespmem:v24+s19+$0x0], $0xffff  }
0x15d: {  	v61 =	vor.u32 s30, v14;
	v39 =	vor.u32 s28, v7;
	v43 =	vor.u32 s28, v13;
	v60 =	vld.idx.msk [tilespmem:v23+s16+$0x0], $0xffff  }
0x15e: {  	v12 =	vadd.f32 v56, v9;
	v45 =	vmul.f32 v30, v30;
	v47 =	vmul.f32 v30, v26;
	v40 =	vld.idx.msk [tilespmem:v16+s16+$0x0], $0xffff  }
0x15f: {  	v9 =	vadd.f32 v28, v22;
	v28 =	vor.u32 s30, v7;
	v22 =	vor.u32 s28, v6;
	v15 =	vld.idx.msk [tilespmem:v15+s19+$0x0], $0xffff  }
0x160: {  	v46 =	vmul.f32 v30, v20;
	v48 =	vmul.f32 v27, v27;
	v59 =	vadd.f32 v47, v32;
	v44 =	vld.idx.msk [tilespmem:v17+s16+$0x0], $0xffff  }
0x161: {  	v50 =	vmul.f32 v29, v29;
	v19 =	vadd.f32 v19, v20;
	v20 =	vadd.f32 v45, v32  }
0x162: {  	v36 =	vld.idx.msk [tilespmem:v36+s19+$0x0], $0xffff;
	v58 =	vadd.f32 v46, v32;
	v16 =	vor.u32 s31, v14;
	v63 =	vmul.f32 v31, v31  }
0x163: {  	v23 =	vor.u32 s28, v14;
	v49 =	vmul.f32 v27, v24;
	v24 =	vadd.f32 v60, v24  }
0x164: {  	v51 =	vmul.f32 v27, v21;
	v20 =	vadd.f32 v63, v20;
	v53 =	vadd.f32 v40, v18  }
0x165: {  	v54 =	vmul.f32 v29, v18;
	v18 =	vsub.f32 v19, v26;
	v19 =	vadd.f32 v44, v15  }
0x166: {  	v26 =	vmul.f32 v29, v25;
	v55 =	vadd.f32 v50, v20;
	v56 =	vsub.f32 v24, v21  }
0x167: {  	v20 =	vld.idx.msk [tilespmem:v28+s16+$0x0], $0xffff;
	v24 =	vmul.f32 v31, v36;
	v15 =	vmul.f32 v31, v15;
	v19 =	vsub.f32 v19, v36  }
0x168: {  	v33 =	vsub.f32 v53, v25;
	v21 =	vld.idx.msk [tilespmem:v62+s19+$0x0], $0xffff;
	v57 =	vmul.f32 v18, v18;
	v18 =	vmul.f32 v18, v30  }
0x169: {  	v25 =	vld.idx.msk [tilespmem:v61+s19+$0x0], $0xffff;
	v60 =	vmul.f32 v19, v19;
	v19 =	vmul.f32 v19, v31;
	v31 =	vadd.f32 v15, v58  }
0x16a: {  	v17 =	vor.u32 s31, v6;
	v28 =	vld.idx.msk [tilespmem:v37+s16+$0x0], $0xffff;
	v35 =	vadd.f32 v57, v32;
	v32 =	vadd.f32 v18, v32  }
0x16b: {  	v18 =	vld.idx.msk [tilespmem:v39+s16+$0x0], $0xffff;
	v61 =	vadd.f32 v24, v59;
	v62 =	vmul.f32 v33, v33;
	v31 =	vadd.f32 v54, v31  }
0x16c: {  	v29 =	vmul.f32 v33, v29;
	v24 =	vld.idx.msk [tilespmem:v43+s19+$0x0], $0xffff;
	v35 =	vadd.f32 v60, v35;
	v32 =	vadd.f32 v19, v32  }
0x16d: {  	v30 =	vadd.f32 v48, v55;
	v33 =	vmul.f32 v56, v56;
	v63 =	vadd.f32 v26, v61;
	v26 =	vld.idx.msk [tilespmem:v42+s19+$0x0], $0xffff  }
0x16e: {  	v15 =	vld.idx.msk [tilespmem:v38+s16+$0x0], $0xffff;
	v36 =	vadd.f32 v62, v35;
	v34 =	vadd.f32 v29, v32;
	v35 =	vmul.f32 v56, v27  }
0x16f: {  	s25 =	simm.s32 $0x8;
	v19 =	vld.idx.msk [tilespmem:v41+s16+$0x0], $0xffff;
	v32 =	vor.u32 s24, v14;
	v29 =	vadd.f32 v49, v31;
	v27 =	vadd.f32 v51, v63;
	v31 =	vmovc v20  }
.LBB2_7:
0x170: {  	p0 =	sne.s32 s25, $0x3C;
	v37 =	vor.u32 s24, v6;
	v38 =	vld.idx.msk [tilespmem:v23+s19+$0x0], $0xffff;
	v33 =	vadd.f32 v33, v36;
	v34 =	vadd.f32 v35, v34  }
0x171: {  	v35 =	vor.u32 s25, v7;
	v39 =	vmov v18;
	v36 =	vld.idx.msk [tilespmem:v22+s16+$0x0], $0xffff  }
0x172: {  	v40 =	vor.u32 s25, v14;
	v41 =	vor.u32 s25, v13;
	s26 =	sadd.s32 $0x2, s25;
	s28 =	sadd.s32 $0x3, s25;
	v42 =	vor.u32 s24, v13;
	v43 =	vld.idx.msk [tilespmem:v16+s19+$0x0], $0xffff  }
0x173: {  	v44 =	vor.u32 s25, v6;
	s24 =	sadd.s32 $0x1, s25;
	v45 =	vor.u32 s26, v7;
	v46 =	vor.u32 s28, v7;
	v47 =	vld.idx.msk [tilespmem:v17+s16+$0x0], $0xffff  }
0x174: {  	v48 =	vor.u32 s24, v7;
	v49 =	vor.u32 s26, v13;
	v50 =	vor.u32 s28, v13;
	v32 =	vld.idx.msk [tilespmem:v32+s19+$0x0], $0xffff  }
0x175: {  	v23 =	vor.u32 s28, v14;
	v22 =	vor.u32 s28, v6;
	v16 =	vor.u32 s26, v14;
	v37 =	vld.idx.msk [tilespmem:v37+s16+$0x0], $0xffff  }
0x176: {  	v31 =	vmul.f32 v31, v20;
	v51 =	vmul.f32 v20, v25;
	v17 =	vor.u32 s26, v6  }
0x177: {  	v25 =	vadd.f32 v28, v25;
	v28 =	vmul.f32 v20, v21;
	v18 =	vmul.f32 v18, v39;
	v42 =	vld.idx.msk [tilespmem:v42+s19+$0x0], $0xffff  }
0x178: {  	v30 =	vadd.f32 v31, v30;
	v31 =	vmul.f32 v19, v19;
	v52 =	vmul.f32 v39, v38  }
0x179: {  	v53 =	vmul.f32 v15, v15;
	v36 =	vadd.f32 v36, v38;
	v38 =	vmul.f32 v39, v24  }
0x17a: {  	v30 =	vadd.f32 v31, v30;
	v47 =	vadd.f32 v47, v43;
	v43 =	vmul.f32 v15, v43  }
0x17b: {  	v25 =	vsub.f32 v25, v21;
	v21 =	vadd.f32 v37, v32;
	v37 =	vmul.f32 v15, v26  }
0x17c: {  	v30 =	vadd.f32 v53, v30;
	v53 =	vsub.f32 v36, v24;
	v32 =	vmul.f32 v19, v32  }
0x17d: {  	v26 =	vsub.f32 v47, v26;
	v24 =	vsub.f32 v21, v42;
	v31 =	vld.idx.msk [tilespmem:v35+s16+$0x0], $0xffff;
	v35 =	vmul.f32 v19, v42  }
0x17e: {  	v20 =	vmul.f32 v25, v20;
	v36 =	vmul.f32 v25, v25;
	v30 =	vadd.f32 v18, v30;
	v21 =	vld.idx.msk [tilespmem:v41+s19+$0x0], $0xffff  }
0x17f: {  	v29 =	vadd.f32 v51, v29;
	v27 =	vadd.f32 v28, v27;
	v25 =	vld.idx.msk [tilespmem:v40+s19+$0x0], $0xffff;
	v40 =	vmul.f32 v24, v24  }
0x180: {  	v20 =	vadd.f32 v20, v34;
	v33 =	vadd.f32 v36, v33;
	v19 =	vmul.f32 v24, v19;
	v28 =	vld.idx.msk [tilespmem:v44+s16+$0x0], $0xffff  }
.Ltmp2:
0x181: {  	v29 =	vadd.f32 v32, v29;
	v32 =	vmul.f32 v26, v26;
	v27 =	vadd.f32 v35, v27;
	v18 =	vld.idx.msk [tilespmem:v46+s16+$0x0], $0xffff;
	(pc) =	sbr.rel @p0 .LBB2_7-.Ltmp2, $4  }
0x182: {  	v26 =	vmul.f32 v26, v15;
	v34 =	vadd.f32 v40, v33;
	v40 =	vadd.f32 v19, v20;
	v15 =	vld.idx.msk [tilespmem:v45+s16+$0x0], $0xffff  }
0x183: {  	v29 =	vadd.f32 v43, v29;
	v27 =	vadd.f32 v37, v27;
	v33 =	vmul.f32 v53, v53;
	v24 =	vld.idx.msk [tilespmem:v50+s19+$0x0], $0xffff  }
0x184: {  	v35 =	vmul.f32 v53, v39;
	v36 =	vadd.f32 v32, v34;
	v34 =	vadd.f32 v26, v40;
	v19 =	vld.idx.msk [tilespmem:v48+s16+$0x0], $0xffff  }
0x185: {  	s25 =	sadd.s32 $0x4, s25;
	v29 =	vadd.f32 v52, v29;
	v20 =	vmovc v31;
	v32 =	vor.u32 s24, v14;
	v27 =	vadd.f32 v38, v27;
	v26 =	vld.idx.msk [tilespmem:v49+s19+$0x0], $0xffff  }
0x186: {  	_ = 	snop  }
0x187: {  	v7 =	vmul.f32 v31, v20;
	_ =	sdelay $0x1  }
0x188: {  	v7 =	vadd.f32 v7, v30;
	v14 =	vmul.f32 v19, v19;
	_ =	sdelay $0x1  }
0x189: {  	v47 =	vmul.f32 v15, v15;
	v7 =	vadd.f32 v14, v7;
	_ =	sdelay $0x1  }
0x18a: {  	v48 =	vmul.f32 v18, v18;
	v7 =	vadd.f32 v47, v7;
	_ =	sdelay $0x1  }
0x18b: {  	v7 =	vadd.f32 v48, v7  }
0x18c: {  	v49 =	vmax.f32 v8, $1.000000000e-30  }
0x18d: {  	v50 =	vshra.s32 v49, $0x1;
	v14 =	vmul.f32 $5.000000000e-01, v49;
	v51 =	vmax.f32 v7, $1.000000000e-30  }
0x18e: {  	v30 =	vsub.s32 $0x5F3759DF, v50;
	v38 =	vshra.s32 v51, $0x1;
	v31 =	vmul.f32 $5.000000000e-01, v51  }
0x18f: {  	v37 =	vmul.f32 v30, v14;
	v38 =	vsub.s32 $0x5F3759DF, v38  }
0x190: {  	v39 =	vmul.f32 v38, v31  }
0x191: {  	v37 =	vmul.f32 v30, v37  }
0x192: {  	v39 =	vmul.f32 v38, v39  }
0x193: {  	v37 =	vsub.f32 $1.500000000e+00, v37  }
0x194: {  	v6 =	vor.u32 s24, v6;
	v23 =	vld.idx.msk [tilespmem:v23+s19+$0x0], $0xffff;
	v52 =	vsub.f32 $1.500000000e+00, v39  }
0x195: {  	v22 =	vld.idx.msk [tilespmem:v22+s16+$0x0], $0xffff;
	v13 =	vor.u32 s24, v13;
	v30 =	vmul.f32 v30, v37  }
0x196: {  	v16 =	vld.idx.msk [tilespmem:v16+s19+$0x0], $0xffff;
	v37 =	vmul.f32 v38, v52  }
0x197: {  	v17 =	vld.idx.msk [tilespmem:v17+s16+$0x0], $0xffff;
	v33 =	vadd.f32 v33, v36;
	v53 =	vmul.f32 v30, v14  }
0x198: {  	v32 =	vld.idx.msk [tilespmem:v32+s19+$0x0], $0xffff;
	v28 =	vadd.f32 v28, v25;
	v58 =	vmul.f32 v20, v25;
	v55 =	vmul.f32 v37, v31  }
0x199: {  	v34 =	vadd.f32 v35, v34;
	v60 =	vmul.f32 v20, v21;
	v6 =	vld.idx.msk [tilespmem:v6+s16+$0x0], $0xffff;
	v54 =	vmul.f32 v53, v30  }
0x19a: {  	v11 =	vsub.f32 v11, v12;
	v61 =	vsub.f32 v28, v21;
	v13 =	vld.idx.msk [tilespmem:v13+s19+$0x0], $0xffff;
	v57 =	vmul.f32 v55, v37  }
0x19b: {  	v63 =	vmul.f32 v18, v24;
	v25 =	vadd.f32 v58, v29;
	v56 =	vsub.f32 $1.500000000e+00, v54  }
0x19c: {  	v27 =	vadd.f32 v60, v27;
	v40 =	vmul.f32 v15, v26;
	v59 =	vsub.f32 $1.500000000e+00, v57  }
0x19d: {  	v46 =	vmul.f32 v61, v61;
	v22 =	vadd.f32 v22, v23;
	v30 =	vmul.f32 v56, v30  }
0x19e: {  	v6 =	vadd.f32 v6, v32;
	v32 =	vmul.f32 v19, v32;
	v62 =	vmul.f32 v59, v37  }
0x19f: {  	v17 =	vadd.f32 v17, v16;
	v41 =	vmul.f32 v19, v13;
	v14 =	vmul.f32 v30, v14  }
0x1a0: {  	v16 =	vmul.f32 v15, v16;
	v42 =	vadd.f32 v32, v25;
	v43 =	vmul.f32 v62, v31  }
0x1a1: {  	v22 =	vsub.f32 v22, v24;
	v44 =	vadd.f32 v41, v27;
	v14 =	vmul.f32 v14, v30  }
0x1a2: {  	v6 =	vsub.f32 v6, v13;
	v16 =	vadd.f32 v16, v42;
	v45 =	vmul.f32 v43, v62  }
0x1a3: {  	v23 =	vmul.f32 v18, v23;
	v13 =	vadd.f32 v40, v44;
	v14 =	vsub.f32 $1.500000000e+00, v14  }
0x1a4: {  	v17 =	vsub.f32 v17, v26;
	v47 =	vmul.f32 v61, v20;
	v24 =	vsub.f32 $1.500000000e+00, v45  }
0x1a5: {  	v16 =	vadd.f32 v23, v16;
	v13 =	vadd.f32 v63, v13;
	v14 =	vmul.f32 v14, v30  }
0x1a6: {  	v20 =	vadd.f32 v47, v34;
	v48 =	vmul.f32 v6, v6;
	v49 =	vmul.f32 v24, v62  }
0x1a7: {  	v6 =	vmul.f32 v6, v19;
	v13 =	vsub.f32 v16, v13;
	v14 =	vmin.f32 v14, $9.999999950e+11  }
0x1a8: {  	v50 =	vadd.f32 v46, v33;
	v11 =	vmul.f32 v14, v11;
	v12 =	vmin.f32 v49, $9.999999950e+11  }
0x1a9: {  	v51 =	vmul.f32 v17, v15;
	v6 =	vadd.f32 v6, v20;
	v13 =	vmul.f32 v12, v13  }
0x1aa: {  	v17 =	vmul.f32 v17, v17;
	v16 =	vadd.f32 v48, v50;
	v11 =	vmul.f32 v11, v14  }
0x1ab: {  	v6 =	vadd.f32 v51, v6;
	v52 =	vmul.f32 v22, v18;
	v12 =	vmul.f32 v13, v12  }
0x1ac: {  	v53 =	vadd.f32 v17, v16;
	v54 =	vadd.f32 v11, v11  }
0x1ad: {  	v6 =	vadd.f32 v52, v6;
	v55 =	vmul.f32 v22, v22;
	v56 =	vadd.f32 v12, v12  }
0x1ae: {  	v11 =	vmul.f32 v11, v11;
	v10 =	vmul.f32 v54, v10  }
0x1af: {  	v13 =	vadd.f32 v55, v53;
	v12 =	vmul.f32 v12, v12;
	v6 =	vmul.f32 v56, v6  }
0x1b0: {  	v57 =	vmul.f32 v11, v8;
	v9 =	vsub.f32 v9, v10  }
0x1b1: {  	v7 =	vmul.f32 v12, v7;
	v6 =	vsub.f32 v13, v6  }
0x1b2: {  	v8 =	vadd.f32 v9, v57  }
0x1b3: {  	v6 =	vadd.f32 v6, v7  }
0x1b4: {  	v7 =	vmax.f32 v8, $1.000000000e-30  }
0x1b5: {  	v58 =	vshra.s32 v7, $0x1;
	v59 =	vmax.f32 v6, $1.000000000e-30  }
0x1b6: {  	v7 =	vmul.f32 $5.000000000e-01, v7;
	v60 =	vshra.s32 v59, $0x1;
	v10 =	vmul.f32 $5.000000000e-01, v59  }
0x1b7: {  	v9 =	vsub.s32 $0x5F3759DF, v58;
	v11 =	vsub.s32 $0x5F3759DF, v60  }
0x1b8: {  	v61 =	vmul.f32 v9, v7;
	v62 =	vmul.f32 v11, v10;
	_ =	sdelay $0x1  }
0x1b9: {  	v12 =	vmul.f32 v9, v61;
	v13 =	vmul.f32 v11, v62;
	_ =	sdelay $0x1  }
0x1ba: {  	v12 =	vsub.f32 $1.500000000e+00, v12;
	v13 =	vsub.f32 $1.500000000e+00, v13;
	_ =	sdelay $0x1  }
0x1bb: {  	v9 =	vmul.f32 v9, v12;
	v11 =	vmul.f32 v11, v13;
	_ =	sdelay $0x1  }
0x1bc: {  	v12 =	vmul.f32 v9, v7;
	v13 =	vmul.f32 v11, v10;
	_ =	sdelay $0x1  }
0x1bd: {  	v12 =	vmul.f32 v12, v9;
	v13 =	vmul.f32 v13, v11;
	_ =	sdelay $0x1  }
0x1be: {  	v12 =	vsub.f32 $1.500000000e+00, v12;
	v13 =	vsub.f32 $1.500000000e+00, v13;
	_ =	sdelay $0x1  }
0x1bf: {  	v9 =	vmul.f32 v12, v9;
	v11 =	vmul.f32 v13, v11;
	_ =	sdelay $0x1  }
0x1c0: {  	v7 =	vmul.f32 v9, v7;
	v10 =	vmul.f32 v11, v10;
	_ =	sdelay $0x1  }
0x1c1: {  	v7 =	vmul.f32 v7, v9;
	v10 =	vmul.f32 v10, v11;
	_ =	sdelay $0x1  }
0x1c2: {  	v7 =	vsub.f32 $1.500000000e+00, v7;
	v10 =	vsub.f32 $1.500000000e+00, v10;
	_ =	sdelay $0x1  }
0x1c3: {  	v7 =	vmul.f32 v7, v9;
	v63 =	vmul.f32 v10, v11  }
0x1c4: {  	v8 =	vmax.f32 v8, $0.0e+00;
	v6 =	vmax.f32 v6, $0.0e+00  }
0x1c5: {  	v7 =	vmul.f32 v7, v8;
	v6 =	vmul.f32 v63, v6  }
0x1c6: {  	s23 =	sadd.s32 $0x1, s23  }
0x1c7: {  	p0 =	sne.s32 s23, $0x8;
	v6 =	vsub.f32 v7, v6  }
.Ltmp3:
0x1c8: {  	_ = 	snop;
	(pc) =	sbr.rel @p0 .LBB2_4-.Ltmp3, $3  }
0x1c9: {  	v6 =	vadd.f32 $1.000000000e+00, v6;
	_ =	sdelay $0x1  }
0x1ca: {  	v6 =	vmax.f32 v6, $0.0e+00  }
0x1cb: {  	v4 =	vadd.f32 v6, v4  }
0x1cc: {  	s21 =	sadd.s32 $0x1, s21  }
0x1cd: {  	p0 =	sne.s32 s21, s12  }
.Ltmp4:
0x1ce: {  	[tilespmem:$0x18300] =	vst v4;
	(pc) =	sbr.rel @p0 .LBB2_1-.Ltmp4, $4  }
0x1cf: {  	[hbm4b:s11+s2] =	stream.linear.scatter [tilespmem:s20], [sflag:$0x3], $0x80, $0x38;
	[tilespmem:$0x18380] =	vst v63  }
0x1d0: {  	_ =	swait.ge [sflag:s13], $0x80  }
0x1d1: {  	[sflag:s13] =	ssyncset.done $0x0  }
0x1d2: {  	[sflag:s13] =	ssyncadd.s32 $0xFFFFFF80  }
0x1d3: {  	_ =	sfence.sel $0x180000  }
0x1d4: {  	[bflag:$0x0] =	sbarrier.arrive $0xFFFF  }
0x1d5: {  	p0 =	sne.s32 s1, $0x0;
	_ =	strace $0x90000047  }
0x1d6: {  	s0 =	sadd.s32 @!p0 $0x100000, s0;
	[bflag:$0x2] =	sbarrier.arrive $0xFFFF  }
0x1d7: {  	[sflag:s0] =	ssyncadd.tile.s32 @!p0 $0x1;
	_ =	shalt  }
.Lfunc_end2:
_tile_overlayer_lowered:
.L_overlay_start_2:
0x1d8: {  	(tag) =	ssettag $0x2  }
0x1d9: {  	s0 =	rddreg [dreg:$0x0];
	s2 =	stileid.u32  }
0x1da: {  	s1 =	rddreg [dreg:$0x1];
	p0 =	sne.s32 s2, $0x0  }
0x1db: {  	s3 =	rddreg [dreg:$0x2];
	[bflag:$0x3] =	sbarrier.arrive $0xFFFF;
	s2 =	simm.s32 @!p0 $0x1C03  }
0x1dc: {  	[timem:s3], [sflag:s2] =	dma.local @!p0 [hbm:s0], s1  }
0x1dd: {  	s0 =	simm.s32 @!p0 $0x3  }
0x1de: {  	_ =	swait.ge @!p0 [sflag:s0], s1  }
0x1df: {  	s1 =	ssub.s32 @!p0 $0x0, s1;
	[sflag:s0] =	ssyncset.done @!p0 $0x0  }
0x1e0: {  	[sflag:s0] =	ssyncadd.s32 @!p0 s1  }
0x1e1: {  	[bflag:$0x3] =	sbarrier.arrive $0xFFFF  }
0x1e2: {  	_ =	shalt  }

</sc_bundles>
